<compile_context>
chip_gen: v7x
topology: tpu7x:2x2x1
jax: 0.10.2.dev20260603
libtpu: 0.0.44.dev20260713+nightly
codegen_flags: <defaults>
</compile_context>

<pallas_src>
import jax
import jax.numpy as jnp
from jax import lax
from jax.experimental import pallas as pl
from jax.experimental.pallas import tpu as pltpu
from jax.experimental.pallas import tpu_sc as plsc

_C = 100
_CP = 128
_D = 512
_B = 4096
_MARGIN = 2.0
_L = 16
_NC = 2
_NS = 16
_NW = _NC * _NS
_NSTR = 4
_SW = _D // _NSTR
_NG = _NW // _NSTR
_RPW = _B // _NG
_CHUNK = 256
_NCHUNK = _RPW // _CHUNK


def _sc_body(features_hbm, targets_hbm, out_acc, out_sq,
             idx_v, st_a, st_b, acc_v, acc2_v, sq_v, sem_i, sem_a, sem_b):
    cid = lax.axis_index("c")
    sid = lax.axis_index("s")
    wid = cid * _NS + sid
    stripe = wid % _NSTR
    group = wid // _NSTR
    rbase = group * _RPW
    col0 = stripe * _SW

    zero = jnp.zeros((_L,), jnp.float32)
    lane = lax.iota(jnp.int32, _L)

    cp_i = pltpu.async_copy(targets_hbm.at[pl.ds(rbase, _RPW)], idx_v, sem_i)
    bufs = [st_a, st_b]
    sems = [sem_a, sem_b]
    copies = [None, None]
    copies[0] = pltpu.async_copy(
        features_hbm.at[pl.ds(rbase, _CHUNK), pl.ds(col0, _SW)], st_a, sem_a)

    def zbody(r, carry):
        for u in range(4):
            for k in range(_SW // _L):
                acc_v[4 * r + u, pl.ds(k * _L, _L)] = zero
                acc2_v[4 * r + u, pl.ds(k * _L, _L)] = zero
        return carry

    lax.fori_loop(0, _CP // 4, zbody, 0)
    cp_i.wait()

    nk = _SW // _L
    sqs = (zero,) * nk
    for c in range(_NCHUNK):
        copies[c % 2].wait()
        if c + 1 < _NCHUNK:
            copies[(c + 1) % 2] = pltpu.async_copy(
                features_hbm.at[pl.ds(rbase + (c + 1) * _CHUNK, _CHUNK),
                                pl.ds(col0, _SW)],
                bufs[(c + 1) % 2], sems[(c + 1) % 2])
        rv = bufs[c % 2]

        def rbody(r, carry, c=c, rv=rv):
            s = list(carry)
            base = jnp.full((_L,), c * _CHUNK, jnp.int32)
            rr = [4 * r + u for u in range(4)]
            ts = [plsc.load_gather(idx_v, [base + ri]) for ri in rr]
            for k in range(nk):
                for u in range(4):
                    v = rv[rr[u], pl.ds(k * _L, _L)]
                    plsc.addupdate_scatter(acc_v if u % 2 == 0 else acc2_v,
                                           [ts[u], lane + (k * _L)], v)
                    s[k] = s[k] + v * v
            return tuple(s)

        sqs = lax.fori_loop(0, _CHUNK // 4, rbody, sqs)

    tot = sqs[0]
    for k in range(1, nk):
        tot = tot + sqs[k]
    sq_v[...] = tot

    def mbody(r, carry):
        for u in range(2):
            for k in range(_SW // _L):
                sl = pl.ds(k * _L, _L)
                acc_v[2 * r + u, sl] = acc_v[2 * r + u, sl] + acc2_v[2 * r + u, sl]
        return carry

    lax.fori_loop(0, _CP // 2, mbody, 0)
    pltpu.sync_copy(sq_v, out_sq.at[wid])
    pltpu.sync_copy(acc_v, out_acc.at[pl.ds(group * _CP, _CP), pl.ds(col0, _SW)])


_sc_call = pl.kernel(
    _sc_body,
    out_type=(
        jax.ShapeDtypeStruct((_NG * _CP, _D), jnp.float32),
        jax.ShapeDtypeStruct((_NW, _L), jnp.float32),
    ),
    mesh=plsc.VectorSubcoreMesh(core_axis_name="c", subcore_axis_name="s"),
    compiler_params=pltpu.CompilerParams(needs_layout_passes=False),
    scratch_types=(
        pltpu.VMEM((_RPW,), jnp.int32),
        pltpu.VMEM((_CHUNK, _SW), jnp.float32),
        pltpu.VMEM((_CHUNK, _SW), jnp.float32),
        pltpu.VMEM((_CP, _SW), jnp.float32),
        pltpu.VMEM((_CP, _SW), jnp.float32),
        pltpu.VMEM((_L,), jnp.float32),
        pltpu.SemaphoreType.DMA,
        pltpu.SemaphoreType.DMA,
        pltpu.SemaphoreType.DMA,
    ),
)


def _tc_body(acc_ref, tgt_ref, sq_ref, out_ref):
    sums = acc_ref[0:_CP, :]
    for g in range(1, _NG):
        sums = sums + acc_ref[g * _CP:(g + 1) * _CP, :]

    class_col = lax.broadcasted_iota(jnp.int32, (_CP, _CP), 0)
    onehot_sum = jnp.zeros((_CP, _CP), jnp.float32)
    for g in range(_B // _CP):
        trow = tgt_ref[g, :][None, :]
        onehot_sum = onehot_sum + jnp.where(
            trow == class_col, 1.0, 0.0)
    counts = jnp.sum(onehot_sum, axis=1, keepdims=True)

    sumsq = jnp.sum(sq_ref[...])
    centers = sums / jnp.maximum(counts, 1.0)
    norms = jnp.sum(centers * centers, axis=1, keepdims=True)
    intra = (sumsq - jnp.sum(counts * norms)) / _B

    g = lax.dot_general(centers, centers, (((1,), (1,)), ((), ())),
                        preferred_element_type=jnp.float32)
    ones_col = jnp.ones((_CP, 1), jnp.float32)
    nj = lax.dot_general(ones_col, norms, (((1,), (1,)), ((), ())))
    d2 = norms + nj - 2.0 * g
    hinge = jnp.maximum(_MARGIN - d2, 0.0)
    ri = lax.broadcasted_iota(jnp.int32, (_CP, _CP), 0)
    cj = lax.broadcasted_iota(jnp.int32, (_CP, _CP), 1)
    valid = (ri != cj) & (ri < _C) & (cj < _C)
    hs = (jnp.sum(jnp.where(valid, hinge, 0.0)) * 0.5
          + jnp.sum(jnp.where((ri == 1) & (cj == 2), hinge, 0.0)))
    n_pairs = _C * (_C - 1) // 2
    out_ref[...] = jnp.broadcast_to(intra + hs / n_pairs, (1, 1))


_tc_call = pl.pallas_call(
    _tc_body,
    out_shape=jax.ShapeDtypeStruct((1, 1), jnp.float32),
)


@jax.jit
def kernel(features, targets, centroids):
    del centroids
    acc, sq = _sc_call(features, targets)
    loss = _tc_call(acc, jnp.reshape(targets, (_B // _CP, _CP)), sq)
    return jnp.reshape(loss, ())

# --- scband reference (transcript-rebuilt; emitter-appended) ---
"""Pipeline reference for scband-centroid-separation-loss-32289564131920 (READ-ONLY COPY).

The authoritative reference and input builder live on the scoring server;
editing this copy changes nothing except your own understanding.
"""

import jax, jax.numpy as jnp
import numpy as np

NUM_CLASSES = 100
FEAT_DIM = 512
BATCH = 4096
LAMBDA_INTER = 1.0
LAMBDA_INTRA = 1.0
MARGIN = 2.0


def setup_inputs(seed: int = 0) -> dict:
    key = jax.random.key(seed)
    k1, k2, k3 = jax.random.split(key, 3)
    features = jax.random.normal(k1, (BATCH, FEAT_DIM), dtype=jnp.float32)
    targets = jax.random.randint(k2, (BATCH,), 0, NUM_CLASSES, dtype=jnp.int32)
    centroids = jax.random.normal(k3, (NUM_CLASSES, FEAT_DIM), dtype=jnp.float32)
    return {"features": features, "targets": targets, "centroids": centroids}


def reference(features, targets, centroids):
    # centroids is a learned nn.Parameter in the torch module but is NOT used
    # in the forward computation (centers are recomputed from the batch).
    C = NUM_CLASSES
    B = features.shape[0]
    # class-wise sums and counts (scatter-add / segment_sum)
    sums = jax.ops.segment_sum(features, targets, num_segments=C)
    counts = jax.ops.segment_sum(jnp.ones((B,), dtype=features.dtype), targets, num_segments=C)
    counts = jnp.clip(counts, 1.0, None)
    centers = sums / counts[:, None]
    # intra-class loss: mean squared distance of each sample to its class center
    gathered = jnp.take(centers, targets, axis=0)
    intra_loss = jnp.sum((features - gathered) ** 2) / B
    # inter-class loss: hinge on pairwise squared distances between centers
    diff = centers[:, None, :] - centers[None, :, :]
    d2 = jnp.sum(diff ** 2, axis=-1)
    weights = jnp.ones((C, C), dtype=features.dtype).at[1, 2].set(2.0)
    upper = jnp.triu(jnp.ones((C, C), dtype=features.dtype), k=1)
    hinge = jnp.maximum(MARGIN - d2, 0.0)
    n_pairs = C * (C - 1) // 2
    inter_loss = jnp.sum(weights * hinge * upper) / n_pairs
    loss = LAMBDA_INTRA * intra_loss + LAMBDA_INTER * inter_loss
    return loss

if __name__ == "__main__":
    import jax
    _d = setup_inputs()
    print(jax.jit(kernel)(*tuple(_d.values())))

</pallas_src>

<mosaic_0001>
#map = affine_map<(d0, d1) -> (0, 0)>
#map1 = affine_map<(d0, d1) -> (0)>
module attributes {stable_mosaic.version = 14 : i64} {
  func.func @_sc_body(%arg0: i32, %arg1: i32, %arg2: memref<4096x512xf32, #tpu.memory_space<hbm>>, %arg3: memref<4096xi32, #tpu.memory_space<hbm>>, %arg4: memref<1024x512xf32, #tpu.memory_space<hbm>>, %arg5: memref<32x16xf32, #tpu.memory_space<hbm>>, %arg6: memref<512xi32, #tpu.memory_space<vmem>>, %arg7: memref<256x128xf32, #tpu.memory_space<vmem>>, %arg8: memref<256x128xf32, #tpu.memory_space<vmem>>, %arg9: memref<128x128xf32, #tpu.memory_space<vmem>>, %arg10: memref<128x128xf32, #tpu.memory_space<vmem>>, %arg11: memref<16xf32, #tpu.memory_space<vmem>>, %arg12: memref<!tpu.dma_semaphore, #tpu.memory_space<semaphore_mem>>, %arg13: memref<!tpu.dma_semaphore, #tpu.memory_space<semaphore_mem>>, %arg14: memref<!tpu.dma_semaphore, #tpu.memory_space<semaphore_mem>>) attributes {dimension_semantics = [#tpu.dimension_semantics<core_parallel>, #tpu.dimension_semantics<subcore_parallel>], iteration_bounds = array<i64: 2, 16>, scalar_prefetch = 0 : i64, scratch_operands = 9 : i64, tpu.core_type = #tpu.core_type<sc_vector_subcore>, window_params = [{transform_indices = #map}, {transform_indices = #map1}, {transform_indices = #map}, {transform_indices = #map}]} {
    %mul3A = arith.constant 16 : i32
    %mul3A_0 = arith.muli %arg0, %mul3A : i32
    %add3A = arith.addi %mul3A_0, %arg1 : i32
    %jit3A = arith.constant 4 : i32
    %eq3A = arith.constant 0 : i32
    %eq3A_1 = arith.cmpi eq, %jit3A, %eq3A : i32
    %jit3A_2 = arith.constant 1 : i32
    %select_n3A = arith.select %eq3A_1, %jit3A_2, %jit3A : i32
    %rem3A = arith.remsi %add3A, %select_n3A : i32
    %ne3A = arith.constant 0 : i32
    %ne3A_3 = arith.cmpi ne, %rem3A, %ne3A : i32
    %lt3A = arith.constant 0 : i32
    %lt3A_4 = arith.cmpi slt, %rem3A, %lt3A : i32
    %lt3A_5 = arith.constant 0 : i32
    %lt3A_6 = arith.cmpi slt, %select_n3A, %lt3A_5 : i32
    %ne3A_7 = arith.xori %lt3A_4, %lt3A_6 : i1
    %and3A = arith.andi %ne3A_7, %ne3A_3 : i1
    %add3A_8 = arith.addi %rem3A, %select_n3A : i32
    %select_n3A_9 = arith.select %and3A, %add3A_8, %rem3A : i32
    %jit3A_10 = arith.constant 4 : i32
    %div3A = arith.divsi %add3A, %jit3A_10 : i32
    %sign3A = arith.constant 0 : i32
    %sign3A_11 = arith.cmpi sgt, %add3A, %sign3A : i32
    %sign3A_12 = arith.extui %sign3A_11 : i1 to i32
    %sign3A_13 = arith.constant 0 : i32
    %sign3A_14 = arith.cmpi slt, %add3A, %sign3A_13 : i32
    %sign3A_15 = arith.extui %sign3A_14 : i1 to i32
    %sign3A_16 = arith.subi %sign3A_12, %sign3A_15 : i32
    %sign3A_17 = arith.constant 0 : i32
    %sign3A_18 = arith.cmpi sgt, %jit3A_10, %sign3A_17 : i32
    %sign3A_19 = arith.extui %sign3A_18 : i1 to i32
    %sign3A_20 = arith.constant 0 : i32
    %sign3A_21 = arith.cmpi slt, %jit3A_10, %sign3A_20 : i32
    %sign3A_22 = arith.extui %sign3A_21 : i1 to i32
    %sign3A_23 = arith.subi %sign3A_19, %sign3A_22 : i32
    %ne3A_24 = arith.cmpi ne, %sign3A_16, %sign3A_23 : i32
    %rem3A_25 = arith.remsi %add3A, %jit3A_10 : i32
    %ne3A_26 = arith.constant 0 : i32
    %ne3A_27 = arith.cmpi ne, %rem3A_25, %ne3A_26 : i32
    %and3A_28 = arith.andi %ne3A_24, %ne3A_27 : i1
    %sub3A = arith.constant 1 : i32
    %sub3A_29 = arith.subi %div3A, %sub3A : i32
    %select_n3A_30 = arith.select %and3A_28, %sub3A_29, %div3A : i32
    %mul3A_31 = arith.constant 512 : i32
    %mul3A_32 = arith.muli %select_n3A_30, %mul3A_31 : i32
    %mul3A_33 = arith.constant 128 : i32
    %mul3A_34 = arith.muli %select_n3A_9, %mul3A_33 : i32
    %broadcast_in_dim3A = arith.constant 0.000000e+00 : f32
    %broadcast_in_dim3A_35 = vector.broadcast %broadcast_in_dim3A : f32 to vector<16xf32>
    %iota3A = tpu.iota {dimensions = array<i32: 0>} : vector<16xi32>
    %dma_start3A = tpu.memref_slice %arg3[%mul3A_32] : memref<4096xi32, #tpu.memory_space<hbm>> -> memref<512xi32, #tpu.memory_space<hbm>>
    %dma_start3A_36 = tpu.memref_slice %arg3[%mul3A_32] : memref<4096xi32, #tpu.memory_space<hbm>> -> memref<512xi32, #tpu.memory_space<hbm>>
    tpu.enqueue_dma source(%dma_start3A_36 : memref<512xi32, #tpu.memory_space<hbm>>) target(%arg6 : memref<512xi32, #tpu.memory_space<vmem>>) target_semaphore(%arg12 : memref<!tpu.dma_semaphore, #tpu.memory_space<semaphore_mem>>)
    %dma_start3A_37 = tpu.memref_slice %arg2[%mul3A_32, %mul3A_34] : memref<4096x512xf32, #tpu.memory_space<hbm>> -> memref<256x128xf32, #tpu.memory_space<hbm>>
    %dma_start3A_38 = tpu.memref_slice %arg2[%mul3A_32, %mul3A_34] : memref<4096x512xf32, #tpu.memory_space<hbm>> -> memref<256x128xf32, #tpu.memory_space<hbm>>
    tpu.enqueue_dma source(%dma_start3A_38 : memref<256x128xf32, #tpu.memory_space<hbm>>) target(%arg7 : memref<256x128xf32, #tpu.memory_space<vmem>>) target_semaphore(%arg13 : memref<!tpu.dma_semaphore, #tpu.memory_space<semaphore_mem>>)
    %scan3A = arith.constant 0 : i32
    %scan3A_39 = arith.constant 0 : i32
    %scan3A_40 = arith.constant 32 : i32
    %scan3A_41 = arith.addi %scan3A_39, %scan3A_40 : i32
    %scan3A_42 = arith.constant 1 : i32
    scf.for %scan3A_81 = %scan3A_39 to %scan3A_41 step %scan3A_42  : i32 {
      %mul3A_82 = arith.constant 4 : i32
      %mul3A_83 = arith.muli %mul3A_82, %scan3A_81 : i32
      %add3A_84 = arith.constant 0 : i32
      %add3A_85 = arith.addi %mul3A_83, %add3A_84 : i32
      %swap3A_86 = arith.index_cast %add3A_85 : i32 to index
      %swap3A_87 = arith.constant 0 : index
      %swap3A_88 = tpu.vector_load %arg9[%swap3A_86, %swap3A_87] {strides = array<i32>} : memref<128x128xf32, #tpu.memory_space<vmem>>, vector<16xf32>,
      tpu.vector_store %arg9[%swap3A_86, %swap3A_87], %broadcast_in_dim3A_35 {strides = array<i32>} : memref<128x128xf32, #tpu.memory_space<vmem>>, vector<16xf32>,
      %mul3A_89 = arith.constant 4 : i32
      %mul3A_90 = arith.muli %mul3A_89, %scan3A_81 : i32
      %add3A_91 = arith.constant 0 : i32
      %add3A_92 = arith.addi %mul3A_90, %add3A_91 : i32
      %swap3A_93 = arith.index_cast %add3A_92 : i32 to index
      %swap3A_94 = arith.constant 0 : index
      %swap3A_95 = tpu.vector_load %arg10[%swap3A_93, %swap3A_94] {strides = array<i32>} : memref<128x128xf32, #tpu.memory_space<vmem>>, vector<16xf32>,
      tpu.vector_store %arg10[%swap3A_93, %swap3A_94], %broadcast_in_dim3A_35 {strides = array<i32>} : memref<128x128xf32, #tpu.memory_space<vmem>>, vector<16xf32>,
      %mul3A_96 = arith.constant 4 : i32
      %mul3A_97 = arith.muli %mul3A_96, %scan3A_81 : i32
      %add3A_98 = arith.constant 0 : i32
      %add3A_99 = arith.addi %mul3A_97, %add3A_98 : i32
      %swap3A_100 = arith.index_cast %add3A_99 : i32 to index
      %swap3A_101 = arith.constant 16 : index
      %swap3A_102 = tpu.vector_load %arg9[%swap3A_100, %swap3A_101] {strides = array<i32>} : memref<128x128xf32, #tpu.memory_space<vmem>>, vector<16xf32>,
      tpu.vector_store %arg9[%swap3A_100, %swap3A_101], %broadcast_in_dim3A_35 {strides = array<i32>} : memref<128x128xf32, #tpu.memory_space<vmem>>, vector<16xf32>,
      %mul3A_103 = arith.constant 4 : i32
      %mul3A_104 = arith.muli %mul3A_103, %scan3A_81 : i32
      %add3A_105 = arith.constant 0 : i32
      %add3A_106 = arith.addi %mul3A_104, %add3A_105 : i32
      %swap3A_107 = arith.index_cast %add3A_106 : i32 to index
      %swap3A_108 = arith.constant 16 : index
      %swap3A_109 = tpu.vector_load %arg10[%swap3A_107, %swap3A_108] {strides = array<i32>} : memref<128x128xf32, #tpu.memory_space<vmem>>, vector<16xf32>,
      tpu.vector_store %arg10[%swap3A_107, %swap3A_108], %broadcast_in_dim3A_35 {strides = array<i32>} : memref<128x128xf32, #tpu.memory_space<vmem>>, vector<16xf32>,
      %mul3A_110 = arith.constant 4 : i32
      %mul3A_111 = arith.muli %mul3A_110, %scan3A_81 : i32
      %add3A_112 = arith.constant 0 : i32
      %add3A_113 = arith.addi %mul3A_111, %add3A_112 : i32
      %swap3A_114 = arith.index_cast %add3A_113 : i32 to index
      %swap3A_115 = arith.constant 32 : index
      %swap3A_116 = tpu.vector_load %arg9[%swap3A_114, %swap3A_115] {strides = array<i32>} : memref<128x128xf32, #tpu.memory_space<vmem>>, vector<16xf32>,
      tpu.vector_store %arg9[%swap3A_114, %swap3A_115], %broadcast_in_dim3A_35 {strides = array<i32>} : memref<128x128xf32, #tpu.memory_space<vmem>>, vector<16xf32>,
      %mul3A_117 = arith.constant 4 : i32
      %mul3A_118 = arith.muli %mul3A_117, %scan3A_81 : i32
      %add3A_119 = arith.constant 0 : i32
      %add3A_120 = arith.addi %mul3A_118, %add3A_119 : i32
      %swap3A_121 = arith.index_cast %add3A_120 : i32 to index
      %swap3A_122 = arith.constant 32 : index
      %swap3A_123 = tpu.vector_load %arg10[%swap3A_121, %swap3A_122] {strides = array<i32>} : memref<128x128xf32, #tpu.memory_space<vmem>>, vector<16xf32>,
      tpu.vector_store %arg10[%swap3A_121, %swap3A_122], %broadcast_in_dim3A_35 {strides = array<i32>} : memref<128x128xf32, #tpu.memory_space<vmem>>, vector<16xf32>,
      %mul3A_124 = arith.constant 4 : i32
      %mul3A_125 = arith.muli %mul3A_124, %scan3A_81 : i32
      %add3A_126 = arith.constant 0 : i32
      %add3A_127 = arith.addi %mul3A_125, %add3A_126 : i32
      %swap3A_128 = arith.index_cast %add3A_127 : i32 to index
      %swap3A_129 = arith.constant 48 : index
      %swap3A_130 = tpu.vector_load %arg9[%swap3A_128, %swap3A_129] {strides = array<i32>} : memref<128x128xf32, #tpu.memory_space<vmem>>, vector<16xf32>,
      tpu.vector_store %arg9[%swap3A_128, %swap3A_129], %broadcast_in_dim3A_35 {strides = array<i32>} : memref<128x128xf32, #tpu.memory_space<vmem>>, vector<16xf32>,
      %mul3A_131 = arith.constant 4 : i32
      %mul3A_132 = arith.muli %mul3A_131, %scan3A_81 : i32
      %add3A_133 = arith.constant 0 : i32
      %add3A_134 = arith.addi %mul3A_132, %add3A_133 : i32
      %swap3A_135 = arith.index_cast %add3A_134 : i32 to index
      %swap3A_136 = arith.constant 48 : index
      %swap3A_137 = tpu.vector_load %arg10[%swap3A_135, %swap3A_136] {strides = array<i32>} : memref<128x128xf32, #tpu.memory_space<vmem>>, vector<16xf32>,
      tpu.vector_store %arg10[%swap3A_135, %swap3A_136], %broadcast_in_dim3A_35 {strides = array<i32>} : memref<128x128xf32, #tpu.memory_space<vmem>>, vector<16xf32>,
      %mul3A_138 = arith.constant 4 : i32
      %mul3A_139 = arith.muli %mul3A_138, %scan3A_81 : i32
      %add3A_140 = arith.constant 0 : i32
      %add3A_141 = arith.addi %mul3A_139, %add3A_140 : i32
      %swap3A_142 = arith.index_cast %add3A_141 : i32 to index
      %swap3A_143 = arith.constant 64 : index
      %swap3A_144 = tpu.vector_load %arg9[%swap3A_142, %swap3A_143] {strides = array<i32>} : memref<128x128xf32, #tpu.memory_space<vmem>>, vector<16xf32>,
      tpu.vector_store %arg9[%swap3A_142, %swap3A_143], %broadcast_in_dim3A_35 {strides = array<i32>} : memref<128x128xf32, #tpu.memory_space<vmem>>, vector<16xf32>,
      %mul3A_145 = arith.constant 4 : i32
      %mul3A_146 = arith.muli %mul3A_145, %scan3A_81 : i32
      %add3A_147 = arith.constant 0 : i32
      %add3A_148 = arith.addi %mul3A_146, %add3A_147 : i32
      %swap3A_149 = arith.index_cast %add3A_148 : i32 to index
      %swap3A_150 = arith.constant 64 : index
      %swap3A_151 = tpu.vector_load %arg10[%swap3A_149, %swap3A_150] {strides = array<i32>} : memref<128x128xf32, #tpu.memory_space<vmem>>, vector<16xf32>,
      tpu.vector_store %arg10[%swap3A_149, %swap3A_150], %broadcast_in_dim3A_35 {strides = array<i32>} : memref<128x128xf32, #tpu.memory_space<vmem>>, vector<16xf32>,
      %mul3A_152 = arith.constant 4 : i32
      %mul3A_153 = arith.muli %mul3A_152, %scan3A_81 : i32
      %add3A_154 = arith.constant 0 : i32
      %add3A_155 = arith.addi %mul3A_153, %add3A_154 : i32
      %swap3A_156 = arith.index_cast %add3A_155 : i32 to index
      %swap3A_157 = arith.constant 80 : index
      %swap3A_158 = tpu.vector_load %arg9[%swap3A_156, %swap3A_157] {strides = array<i32>} : memref<128x128xf32, #tpu.memory_space<vmem>>, vector<16xf32>,
      tpu.vector_store %arg9[%swap3A_156, %swap3A_157], %broadcast_in_dim3A_35 {strides = array<i32>} : memref<128x128xf32, #tpu.memory_space<vmem>>, vector<16xf32>,
      %mul3A_159 = arith.constant 4 : i32
      %mul3A_160 = arith.muli %mul3A_159, %scan3A_81 : i32
      %add3A_161 = arith.constant 0 : i32
      %add3A_162 = arith.addi %mul3A_160, %add3A_161 : i32
      %swap3A_163 = arith.index_cast %add3A_162 : i32 to index
      %swap3A_164 = arith.constant 80 : index
      %swap3A_165 = tpu.vector_load %arg10[%swap3A_163, %swap3A_164] {strides = array<i32>} : memref<128x128xf32, #tpu.memory_space<vmem>>, vector<16xf32>,
      tpu.vector_store %arg10[%swap3A_163, %swap3A_164], %broadcast_in_dim3A_35 {strides = array<i32>} : memref<128x128xf32, #tpu.memory_space<vmem>>, vector<16xf32>,
      %mul3A_166 = arith.constant 4 : i32
      %mul3A_167 = arith.muli %mul3A_166, %scan3A_81 : i32
      %add3A_168 = arith.constant 0 : i32
      %add3A_169 = arith.addi %mul3A_167, %add3A_168 : i32
      %swap3A_170 = arith.index_cast %add3A_169 : i32 to index
      %swap3A_171 = arith.constant 96 : index
      %swap3A_172 = tpu.vector_load %arg9[%swap3A_170, %swap3A_171] {strides = array<i32>} : memref<128x128xf32, #tpu.memory_space<vmem>>, vector<16xf32>,
      tpu.vector_store %arg9[%swap3A_170, %swap3A_171], %broadcast_in_dim3A_35 {strides = array<i32>} : memref<128x128xf32, #tpu.memory_space<vmem>>, vector<16xf32>,
      %mul3A_173 = arith.constant 4 : i32
      %mul3A_174 = arith.muli %mul3A_173, %scan3A_81 : i32
      %add3A_175 = arith.constant 0 : i32
      %add3A_176 = arith.addi %mul3A_174, %add3A_175 : i32
      %swap3A_177 = arith.index_cast %add3A_176 : i32 to index
      %swap3A_178 = arith.constant 96 : index
      %swap3A_179 = tpu.vector_load %arg10[%swap3A_177, %swap3A_178] {strides = array<i32>} : memref<128x128xf32, #tpu.memory_space<vmem>>, vector<16xf32>,
      tpu.vector_store %arg10[%swap3A_177, %swap3A_178], %broadcast_in_dim3A_35 {strides = array<i32>} : memref<128x128xf32, #tpu.memory_space<vmem>>, vector<16xf32>,
      %mul3A_180 = arith.constant 4 : i32
      %mul3A_181 = arith.muli %mul3A_180, %scan3A_81 : i32
      %add3A_182 = arith.constant 0 : i32
      %add3A_183 = arith.addi %mul3A_181, %add3A_182 : i32
      %swap3A_184 = arith.index_cast %add3A_183 : i32 to index
      %swap3A_185 = arith.constant 112 : index
      %swap3A_186 = tpu.vector_load %arg9[%swap3A_184, %swap3A_185] {strides = array<i32>} : memref<128x128xf32, #tpu.memory_space<vmem>>, vector<16xf32>,
      tpu.vector_store %arg9[%swap3A_184, %swap3A_185], %broadcast_in_dim3A_35 {strides = array<i32>} : memref<128x128xf32, #tpu.memory_space<vmem>>, vector<16xf32>,
      %mul3A_187 = arith.constant 4 : i32
      %mul3A_188 = arith.muli %mul3A_187, %scan3A_81 : i32
      %add3A_189 = arith.constant 0 : i32
      %add3A_190 = arith.addi %mul3A_188, %add3A_189 : i32
      %swap3A_191 = arith.index_cast %add3A_190 : i32 to index
      %swap3A_192 = arith.constant 112 : index
      %swap3A_193 = tpu.vector_load %arg10[%swap3A_191, %swap3A_192] {strides = array<i32>} : memref<128x128xf32, #tpu.memory_space<vmem>>, vector<16xf32>,
      tpu.vector_store %arg10[%swap3A_191, %swap3A_192], %broadcast_in_dim3A_35 {strides = array<i32>} : memref<128x128xf32, #tpu.memory_space<vmem>>, vector<16xf32>,
      %mul3A_194 = arith.constant 4 : i32
      %mul3A_195 = arith.muli %mul3A_194, %scan3A_81 : i32
      %add3A_196 = arith.constant 1 : i32
      %add3A_197 = arith.addi %mul3A_195, %add3A_196 : i32
      %swap3A_198 = arith.index_cast %add3A_197 : i32 to index
      %swap3A_199 = arith.constant 0 : index
      %swap3A_200 = tpu.vector_load %arg9[%swap3A_198, %swap3A_199] {strides = array<i32>} : memref<128x128xf32, #tpu.memory_space<vmem>>, vector<16xf32>,
      tpu.vector_store %arg9[%swap3A_198, %swap3A_199], %broadcast_in_dim3A_35 {strides = array<i32>} : memref<128x128xf32, #tpu.memory_space<vmem>>, vector<16xf32>,
      %mul3A_201 = arith.constant 4 : i32
      %mul3A_202 = arith.muli %mul3A_201, %scan3A_81 : i32
      %add3A_203 = arith.constant 1 : i32
      %add3A_204 = arith.addi %mul3A_202, %add3A_203 : i32
      %swap3A_205 = arith.index_cast %add3A_204 : i32 to index
      %swap3A_206 = arith.constant 0 : index
      %swap3A_207 = tpu.vector_load %arg10[%swap3A_205, %swap3A_206] {strides = array<i32>} : memref<128x128xf32, #tpu.memory_space<vmem>>, vector<16xf32>,
      tpu.vector_store %arg10[%swap3A_205, %swap3A_206], %broadcast_in_dim3A_35 {strides = array<i32>} : memref<128x128xf32, #tpu.memory_space<vmem>>, vector<16xf32>,
      %mul3A_208 = arith.constant 4 : i32
      %mul3A_209 = arith.muli %mul3A_208, %scan3A_81 : i32
      %add3A_210 = arith.constant 1 : i32
      %add3A_211 = arith.addi %mul3A_209, %add3A_210 : i32
      %swap3A_212 = arith.index_cast %add3A_211 : i32 to index
      %swap3A_213 = arith.constant 16 : index
      %swap3A_214 = tpu.vector_load %arg9[%swap3A_212, %swap3A_213] {strides = array<i32>} : memref<128x128xf32, #tpu.memory_space<vmem>>, vector<16xf32>,
      tpu.vector_store %arg9[%swap3A_212, %swap3A_213], %broadcast_in_dim3A_35 {strides = array<i32>} : memref<128x128xf32, #tpu.memory_space<vmem>>, vector<16xf32>,
      %mul3A_215 = arith.constant 4 : i32
      %mul3A_216 = arith.muli %mul3A_215, %scan3A_81 : i32
      %add3A_217 = arith.constant 1 : i32
      %add3A_218 = arith.addi %mul3A_216, %add3A_217 : i32
      %swap3A_219 = arith.index_cast %add3A_218 : i32 to index
      %swap3A_220 = arith.constant 16 : index
      %swap3A_221 = tpu.vector_load %arg10[%swap3A_219, %swap3A_220] {strides = array<i32>} : memref<128x128xf32, #tpu.memory_space<vmem>>, vector<16xf32>,
      tpu.vector_store %arg10[%swap3A_219, %swap3A_220], %broadcast_in_dim3A_35 {strides = array<i32>} : memref<128x128xf32, #tpu.memory_space<vmem>>, vector<16xf32>,
      %mul3A_222 = arith.constant 4 : i32
      %mul3A_223 = arith.muli %mul3A_222, %scan3A_81 : i32
      %add3A_224 = arith.constant 1 : i32
      %add3A_225 = arith.addi %mul3A_223, %add3A_224 : i32
      %swap3A_226 = arith.index_cast %add3A_225 : i32 to index
      %swap3A_227 = arith.constant 32 : index
      %swap3A_228 = tpu.vector_load %arg9[%swap3A_226, %swap3A_227] {strides = array<i32>} : memref<128x128xf32, #tpu.memory_space<vmem>>, vector<16xf32>,
      tpu.vector_store %arg9[%swap3A_226, %swap3A_227], %broadcast_in_dim3A_35 {strides = array<i32>} : memref<128x128xf32, #tpu.memory_space<vmem>>, vector<16xf32>,
      %mul3A_229 = arith.constant 4 : i32
      %mul3A_230 = arith.muli %mul3A_229, %scan3A_81 : i32
      %add3A_231 = arith.constant 1 : i32
      %add3A_232 = arith.addi %mul3A_230, %add3A_231 : i32
      %swap3A_233 = arith.index_cast %add3A_232 : i32 to index
      %swap3A_234 = arith.constant 32 : index
      %swap3A_235 = tpu.vector_load %arg10[%swap3A_233, %swap3A_234] {strides = array<i32>} : memref<128x128xf32, #tpu.memory_space<vmem>>, vector<16xf32>,
      tpu.vector_store %arg10[%swap3A_233, %swap3A_234], %broadcast_in_dim3A_35 {strides = array<i32>} : memref<128x128xf32, #tpu.memory_space<vmem>>, vector<16xf32>,
      %mul3A_236 = arith.constant 4 : i32
      %mul3A_237 = arith.muli %mul3A_236, %scan3A_81 : i32
      %add3A_238 = arith.constant 1 : i32
      %add3A_239 = arith.addi %mul3A_237, %add3A_238 : i32
      %swap3A_240 = arith.index_cast %add3A_239 : i32 to index
      %swap3A_241 = arith.constant 48 : index
      %swap3A_242 = tpu.vector_load %arg9[%swap3A_240, %swap3A_241] {strides = array<i32>} : memref<128x128xf32, #tpu.memory_space<vmem>>, vector<16xf32>,
      tpu.vector_store %arg9[%swap3A_240, %swap3A_241], %broadcast_in_dim3A_35 {strides = array<i32>} : memref<128x128xf32, #tpu.memory_space<vmem>>, vector<16xf32>,
      %mul3A_243 = arith.constant 4 : i32
      %mul3A_244 = arith.muli %mul3A_243, %scan3A_81 : i32
      %add3A_245 = arith.constant 1 : i32
      %add3A_246 = arith.addi %mul3A_244, %add3A_245 : i32
      %swap3A_247 = arith.index_cast %add3A_246 : i32 to index
      %swap3A_248 = arith.constant 48 : index
      %swap3A_249 = tpu.vector_load %arg10[%swap3A_247, %swap3A_248] {strides = array<i32>} : memref<128x128xf32, #tpu.memory_space<vmem>>, vector<16xf32>,
      tpu.vector_store %arg10[%swap3A_247, %swap3A_248], %broadcast_in_dim3A_35 {strides = array<i32>} : memref<128x128xf32, #tpu.memory_space<vmem>>, vector<16xf32>,
      %mul3A_250 = arith.constant 4 : i32
      %mul3A_251 = arith.muli %mul3A_250, %scan3A_81 : i32
      %add3A_252 = arith.constant 1 : i32
      %add3A_253 = arith.addi %mul3A_251, %add3A_252 : i32
      %swap3A_254 = arith.index_cast %add3A_253 : i32 to index
      %swap3A_255 = arith.constant 64 : index
      %swap3A_256 = tpu.vector_load %arg9[%swap3A_254, %swap3A_255] {strides = array<i32>} : memref<128x128xf32, #tpu.memory_space<vmem>>, vector<16xf32>,
      tpu.vector_store %arg9[%swap3A_254, %swap3A_255], %broadcast_in_dim3A_35 {strides = array<i32>} : memref<128x128xf32, #tpu.memory_space<vmem>>, vector<16xf32>,
      %mul3A_257 = arith.constant 4 : i32
      %mul3A_258 = arith.muli %mul3A_257, %scan3A_81 : i32
      %add3A_259 = arith.constant 1 : i32
      %add3A_260 = arith.addi %mul3A_258, %add3A_259 : i32
      %swap3A_261 = arith.index_cast %add3A_260 : i32 to index
      %swap3A_262 = arith.constant 64 : index
      %swap3A_263 = tpu.vector_load %arg10[%swap3A_261, %swap3A_262] {strides = array<i32>} : memref<128x128xf32, #tpu.memory_space<vmem>>, vector<16xf32>,
      tpu.vector_store %arg10[%swap3A_261, %swap3A_262], %broadcast_in_dim3A_35 {strides = array<i32>} : memref<128x128xf32, #tpu.memory_space<vmem>>, vector<16xf32>,
      %mul3A_264 = arith.constant 4 : i32
      %mul3A_265 = arith.muli %mul3A_264, %scan3A_81 : i32
      %add3A_266 = arith.constant 1 : i32
      %add3A_267 = arith.addi %mul3A_265, %add3A_266 : i32
      %swap3A_268 = arith.index_cast %add3A_267 : i32 to index
      %swap3A_269 = arith.constant 80 : index
      %swap3A_270 = tpu.vector_load %arg9[%swap3A_268, %swap3A_269] {strides = array<i32>} : memref<128x128xf32, #tpu.memory_space<vmem>>, vector<16xf32>,
      tpu.vector_store %arg9[%swap3A_268, %swap3A_269], %broadcast_in_dim3A_35 {strides = array<i32>} : memref<128x128xf32, #tpu.memory_space<vmem>>, vector<16xf32>,
      %mul3A_271 = arith.constant 4 : i32
      %mul3A_272 = arith.muli %mul3A_271, %scan3A_81 : i32
      %add3A_273 = arith.constant 1 : i32
      %add3A_274 = arith.addi %mul3A_272, %add3A_273 : i32
      %swap3A_275 = arith.index_cast %add3A_274 : i32 to index
      %swap3A_276 = arith.constant 80 : index
      %swap3A_277 = tpu.vector_load %arg10[%swap3A_275, %swap3A_276] {strides = array<i32>} : memref<128x128xf32, #tpu.memory_space<vmem>>, vector<16xf32>,
      tpu.vector_store %arg10[%swap3A_275, %swap3A_276], %broadcast_in_dim3A_35 {strides = array<i32>} : memref<128x128xf32, #tpu.memory_space<vmem>>, vector<16xf32>,
      %mul3A_278 = arith.constant 4 : i32
      %mul3A_279 = arith.muli %mul3A_278, %scan3A_81 : i32
      %add3A_280 = arith.constant 1 : i32
      %add3A_281 = arith.addi %mul3A_279, %add3A_280 : i32
      %swap3A_282 = arith.index_cast %add3A_281 : i32 to index
      %swap3A_283 = arith.constant 96 : index
      %swap3A_284 = tpu.vector_load %arg9[%swap3A_282, %swap3A_283] {strides = array<i32>} : memref<128x128xf32, #tpu.memory_space<vmem>>, vector<16xf32>,
      tpu.vector_store %arg9[%swap3A_282, %swap3A_283], %broadcast_in_dim3A_35 {strides = array<i32>} : memref<128x128xf32, #tpu.memory_space<vmem>>, vector<16xf32>,
      %mul3A_285 = arith.constant 4 : i32
      %mul3A_286 = arith.muli %mul3A_285, %scan3A_81 : i32
      %add3A_287 = arith.constant 1 : i32
      %add3A_288 = arith.addi %mul3A_286, %add3A_287 : i32
      %swap3A_289 = arith.index_cast %add3A_288 : i32 to index
      %swap3A_290 = arith.constant 96 : index
      %swap3A_291 = tpu.vector_load %arg10[%swap3A_289, %swap3A_290] {strides = array<i32>} : memref<128x128xf32, #tpu.memory_space<vmem>>, vector<16xf32>,
      tpu.vector_store %arg10[%swap3A_289, %swap3A_290], %broadcast_in_dim3A_35 {strides = array<i32>} : memref<128x128xf32, #tpu.memory_space<vmem>>, vector<16xf32>,
      %mul3A_292 = arith.constant 4 : i32
      %mul3A_293 = arith.muli %mul3A_292, %scan3A_81 : i32
      %add3A_294 = arith.constant 1 : i32
      %add3A_295 = arith.addi %mul3A_293, %add3A_294 : i32
      %swap3A_296 = arith.index_cast %add3A_295 : i32 to index
      %swap3A_297 = arith.constant 112 : index
      %swap3A_298 = tpu.vector_load %arg9[%swap3A_296, %swap3A_297] {strides = array<i32>} : memref<128x128xf32, #tpu.memory_space<vmem>>, vector<16xf32>,
      tpu.vector_store %arg9[%swap3A_296, %swap3A_297], %broadcast_in_dim3A_35 {strides = array<i32>} : memref<128x128xf32, #tpu.memory_space<vmem>>, vector<16xf32>,
      %mul3A_299 = arith.constant 4 : i32
      %mul3A_300 = arith.muli %mul3A_299, %scan3A_81 : i32
      %add3A_301 = arith.constant 1 : i32
      %add3A_302 = arith.addi %mul3A_300, %add3A_301 : i32
      %swap3A_303 = arith.index_cast %add3A_302 : i32 to index
      %swap3A_304 = arith.constant 112 : index
      %swap3A_305 = tpu.vector_load %arg10[%swap3A_303, %swap3A_304] {strides = array<i32>} : memref<128x128xf32, #tpu.memory_space<vmem>>, vector<16xf32>,
      tpu.vector_store %arg10[%swap3A_303, %swap3A_304], %broadcast_in_dim3A_35 {strides = array<i32>} : memref<128x128xf32, #tpu.memory_space<vmem>>, vector<16xf32>,
      %mul3A_306 = arith.constant 4 : i32
      %mul3A_307 = arith.muli %mul3A_306, %scan3A_81 : i32
      %add3A_308 = arith.constant 2 : i32
      %add3A_309 = arith.addi %mul3A_307, %add3A_308 : i32
      %swap3A_310 = arith.index_cast %add3A_309 : i32 to index
      %swap3A_311 = arith.constant 0 : index
      %swap3A_312 = tpu.vector_load %arg9[%swap3A_310, %swap3A_311] {strides = array<i32>} : memref<128x128xf32, #tpu.memory_space<vmem>>, vector<16xf32>,
      tpu.vector_store %arg9[%swap3A_310, %swap3A_311], %broadcast_in_dim3A_35 {strides = array<i32>} : memref<128x128xf32, #tpu.memory_space<vmem>>, vector<16xf32>,
      %mul3A_313 = arith.constant 4 : i32
      %mul3A_314 = arith.muli %mul3A_313, %scan3A_81 : i32
      %add3A_315 = arith.constant 2 : i32
      %add3A_316 = arith.addi %mul3A_314, %add3A_315 : i32
      %swap3A_317 = arith.index_cast %add3A_316 : i32 to index
      %swap3A_318 = arith.constant 0 : index
      %swap3A_319 = tpu.vector_load %arg10[%swap3A_317, %swap3A_318] {strides = array<i32>} : memref<128x128xf32, #tpu.memory_space<vmem>>, vector<16xf32>,
      tpu.vector_store %arg10[%swap3A_317, %swap3A_318], %broadcast_in_dim3A_35 {strides = array<i32>} : memref<128x128xf32, #tpu.memory_space<vmem>>, vector<16xf32>,
      %mul3A_320 = arith.constant 4 : i32
      %mul3A_321 = arith.muli %mul3A_320, %scan3A_81 : i32
      %add3A_322 = arith.constant 2 : i32
      %add3A_323 = arith.addi %mul3A_321, %add3A_322 : i32
      %swap3A_324 = arith.index_cast %add3A_323 : i32 to index
      %swap3A_325 = arith.constant 16 : index
      %swap3A_326 = tpu.vector_load %arg9[%swap3A_324, %swap3A_325] {strides = array<i32>} : memref<128x128xf32, #tpu.memory_space<vmem>>, vector<16xf32>,
      tpu.vector_store %arg9[%swap3A_324, %swap3A_325], %broadcast_in_dim3A_35 {strides = array<i32>} : memref<128x128xf32, #tpu.memory_space<vmem>>, vector<16xf32>,
      %mul3A_327 = arith.constant 4 : i32
      %mul3A_328 = arith.muli %mul3A_327, %scan3A_81 : i32
      %add3A_329 = arith.constant 2 : i32
      %add3A_330 = arith.addi %mul3A_328, %add3A_329 : i32
      %swap3A_331 = arith.index_cast %add3A_330 : i32 to index
      %swap3A_332 = arith.constant 16 : index
      %swap3A_333 = tpu.vector_load %arg10[%swap3A_331, %swap3A_332] {strides = array<i32>} : memref<128x128xf32, #tpu.memory_space<vmem>>, vector<16xf32>,
      tpu.vector_store %arg10[%swap3A_331, %swap3A_332], %broadcast_in_dim3A_35 {strides = array<i32>} : memref<128x128xf32, #tpu.memory_space<vmem>>, vector<16xf32>,
      %mul3A_334 = arith.constant 4 : i32
      %mul3A_335 = arith.muli %mul3A_334, %scan3A_81 : i32
      %add3A_336 = arith.constant 2 : i32
      %add3A_337 = arith.addi %mul3A_335, %add3A_336 : i32
      %swap3A_338 = arith.index_cast %add3A_337 : i32 to index
      %swap3A_339 = arith.constant 32 : index
      %swap3A_340 = tpu.vector_load %arg9[%swap3A_338, %swap3A_339] {strides = array<i32>} : memref<128x128xf32, #tpu.memory_space<vmem>>, vector<16xf32>,
      tpu.vector_store %arg9[%swap3A_338, %swap3A_339], %broadcast_in_dim3A_35 {strides = array<i32>} : memref<128x128xf32, #tpu.memory_space<vmem>>, vector<16xf32>,
      %mul3A_341 = arith.constant 4 : i32
      %mul3A_342 = arith.muli %mul3A_341, %scan3A_81 : i32
      %add3A_343 = arith.constant 2 : i32
      %add3A_344 = arith.addi %mul3A_342, %add3A_343 : i32
      %swap3A_345 = arith.index_cast %add3A_344 : i32 to index
      %swap3A_346 = arith.constant 32 : index
      %swap3A_347 = tpu.vector_load %arg10[%swap3A_345, %swap3A_346] {strides = array<i32>} : memref<128x128xf32, #tpu.memory_space<vmem>>, vector<16xf32>,
      tpu.vector_store %arg10[%swap3A_345, %swap3A_346], %broadcast_in_dim3A_35 {strides = array<i32>} : memref<128x128xf32, #tpu.memory_space<vmem>>, vector<16xf32>,
      %mul3A_348 = arith.constant 4 : i32
      %mul3A_349 = arith.muli %mul3A_348, %scan3A_81 : i32
      %add3A_350 = arith.constant 2 : i32
      %add3A_351 = arith.addi %mul3A_349, %add3A_350 : i32
      %swap3A_352 = arith.index_cast %add3A_351 : i32 to index
      %swap3A_353 = arith.constant 48 : index
      %swap3A_354 = tpu.vector_load %arg9[%swap3A_352, %swap3A_353] {strides = array<i32>} : memref<128x128xf32, #tpu.memory_space<vmem>>, vector<16xf32>,
      tpu.vector_store %arg9[%swap3A_352, %swap3A_353], %broadcast_in_dim3A_35 {strides = array<i32>} : memref<128x128xf32, #tpu.memory_space<vmem>>, vector<16xf32>,
      %mul3A_355 = arith.constant 4 : i32
      %mul3A_356 = arith.muli %mul3A_355, %scan3A_81 : i32
      %add3A_357 = arith.constant 2 : i32
      %add3A_358 = arith.addi %mul3A_356, %add3A_357 : i32
      %swap3A_359 = arith.index_cast %add3A_358 : i32 to index
      %swap3A_360 = arith.constant 48 : index
      %swap3A_361 = tpu.vector_load %arg10[%swap3A_359, %swap3A_360] {strides = array<i32>} : memref<128x128xf32, #tpu.memory_space<vmem>>, vector<16xf32>,
      tpu.vector_store %arg10[%swap3A_359, %swap3A_360], %broadcast_in_dim3A_35 {strides = array<i32>} : memref<128x128xf32, #tpu.memory_space<vmem>>, vector<16xf32>,
      %mul3A_362 = arith.constant 4 : i32
      %mul3A_363 = arith.muli %mul3A_362, %scan3A_81 : i32
      %add3A_364 = arith.constant 2 : i32
      %add3A_365 = arith.addi %mul3A_363, %add3A_364 : i32
      %swap3A_366 = arith.index_cast %add3A_365 : i32 to index
      %swap3A_367 = arith.constant 64 : index
      %swap3A_368 = tpu.vector_load %arg9[%swap3A_366, %swap3A_367] {strides = array<i32>} : memref<128x128xf32, #tpu.memory_space<vmem>>, vector<16xf32>,
      tpu.vector_store %arg9[%swap3A_366, %swap3A_367], %broadcast_in_dim3A_35 {strides = array<i32>} : memref<128x128xf32, #tpu.memory_space<vmem>>, vector<16xf32>,
      %mul3A_369 = arith.constant 4 : i32
      %mul3A_370 = arith.muli %mul3A_369, %scan3A_81 : i32
      %add3A_371 = arith.constant 2 : i32
      %add3A_372 = arith.addi %mul3A_370, %add3A_371 : i32
      %swap3A_373 = arith.index_cast %add3A_372 : i32 to index
      %swap3A_374 = arith.constant 64 : index
      %swap3A_375 = tpu.vector_load %arg10[%swap3A_373, %swap3A_374] {strides = array<i32>} : memref<128x128xf32, #tpu.memory_space<vmem>>, vector<16xf32>,
      tpu.vector_store %arg10[%swap3A_373, %swap3A_374], %broadcast_in_dim3A_35 {strides = array<i32>} : memref<128x128xf32, #tpu.memory_space<vmem>>, vector<16xf32>,
      %mul3A_376 = arith.constant 4 : i32
      %mul3A_377 = arith.muli %mul3A_376, %scan3A_81 : i32
      %add3A_378 = arith.constant 2 : i32
      %add3A_379 = arith.addi %mul3A_377, %add3A_378 : i32
      %swap3A_380 = arith.index_cast %add3A_379 : i32 to index
      %swap3A_381 = arith.constant 80 : index
      %swap3A_382 = tpu.vector_load %arg9[%swap3A_380, %swap3A_381] {strides = array<i32>} : memref<128x128xf32, #tpu.memory_space<vmem>>, vector<16xf32>,
      tpu.vector_store %arg9[%swap3A_380, %swap3A_381], %broadcast_in_dim3A_35 {strides = array<i32>} : memref<128x128xf32, #tpu.memory_space<vmem>>, vector<16xf32>,
      %mul3A_383 = arith.constant 4 : i32
      %mul3A_384 = arith.muli %mul3A_383, %scan3A_81 : i32
      %add3A_385 = arith.constant 2 : i32
      %add3A_386 = arith.addi %mul3A_384, %add3A_385 : i32
      %swap3A_387 = arith.index_cast %add3A_386 : i32 to index
      %swap3A_388 = arith.constant 80 : index
      %swap3A_389 = tpu.vector_load %arg10[%swap3A_387, %swap3A_388] {strides = array<i32>} : memref<128x128xf32, #tpu.memory_space<vmem>>, vector<16xf32>,
      tpu.vector_store %arg10[%swap3A_387, %swap3A_388], %broadcast_in_dim3A_35 {strides = array<i32>} : memref<128x128xf32, #tpu.memory_space<vmem>>, vector<16xf32>,
      %mul3A_390 = arith.constant 4 : i32
      %mul3A_391 = arith.muli %mul3A_390, %scan3A_81 : i32
      %add3A_392 = arith.constant 2 : i32
      %add3A_393 = arith.addi %mul3A_391, %add3A_392 : i32
      %swap3A_394 = arith.index_cast %add3A_393 : i32 to index
      %swap3A_395 = arith.constant 96 : index
      %swap3A_396 = tpu.vector_load %arg9[%swap3A_394, %swap3A_395] {strides = array<i32>} : memref<128x128xf32, #tpu.memory_space<vmem>>, vector<16xf32>,
      tpu.vector_store %arg9[%swap3A_394, %swap3A_395], %broadcast_in_dim3A_35 {strides = array<i32>} : memref<128x128xf32, #tpu.memory_space<vmem>>, vector<16xf32>,
      %mul3A_397 = arith.constant 4 : i32
      %mul3A_398 = arith.muli %mul3A_397, %scan3A_81 : i32
      %add3A_399 = arith.constant 2 : i32
      %add3A_400 = arith.addi %mul3A_398, %add3A_399 : i32
      %swap3A_401 = arith.index_cast %add3A_400 : i32 to index
      %swap3A_402 = arith.constant 96 : index
      %swap3A_403 = tpu.vector_load %arg10[%swap3A_401, %swap3A_402] {strides = array<i32>} : memref<128x128xf32, #tpu.memory_space<vmem>>, vector<16xf32>,
      tpu.vector_store %arg10[%swap3A_401, %swap3A_402], %broadcast_in_dim3A_35 {strides = array<i32>} : memref<128x128xf32, #tpu.memory_space<vmem>>, vector<16xf32>,
      %mul3A_404 = arith.constant 4 : i32
      %mul3A_405 = arith.muli %mul3A_404, %scan3A_81 : i32
      %add3A_406 = arith.constant 2 : i32
      %add3A_407 = arith.addi %mul3A_405, %add3A_406 : i32
      %swap3A_408 = arith.index_cast %add3A_407 : i32 to index
      %swap3A_409 = arith.constant 112 : index
      %swap3A_410 = tpu.vector_load %arg9[%swap3A_408, %swap3A_409] {strides = array<i32>} : memref<128x128xf32, #tpu.memory_space<vmem>>, vector<16xf32>,
      tpu.vector_store %arg9[%swap3A_408, %swap3A_409], %broadcast_in_dim3A_35 {strides = array<i32>} : memref<128x128xf32, #tpu.memory_space<vmem>>, vector<16xf32>,
      %mul3A_411 = arith.constant 4 : i32
      %mul3A_412 = arith.muli %mul3A_411, %scan3A_81 : i32
      %add3A_413 = arith.constant 2 : i32
      %add3A_414 = arith.addi %mul3A_412, %add3A_413 : i32
      %swap3A_415 = arith.index_cast %add3A_414 : i32 to index
      %swap3A_416 = arith.constant 112 : index
      %swap3A_417 = tpu.vector_load %arg10[%swap3A_415, %swap3A_416] {strides = array<i32>} : memref<128x128xf32, #tpu.memory_space<vmem>>, vector<16xf32>,
      tpu.vector_store %arg10[%swap3A_415, %swap3A_416], %broadcast_in_dim3A_35 {strides = array<i32>} : memref<128x128xf32, #tpu.memory_space<vmem>>, vector<16xf32>,
      %mul3A_418 = arith.constant 4 : i32
      %mul3A_419 = arith.muli %mul3A_418, %scan3A_81 : i32
      %add3A_420 = arith.constant 3 : i32
      %add3A_421 = arith.addi %mul3A_419, %add3A_420 : i32
      %swap3A_422 = arith.index_cast %add3A_421 : i32 to index
      %swap3A_423 = arith.constant 0 : index
      %swap3A_424 = tpu.vector_load %arg9[%swap3A_422, %swap3A_423] {strides = array<i32>} : memref<128x128xf32, #tpu.memory_space<vmem>>, vector<16xf32>,
      tpu.vector_store %arg9[%swap3A_422, %swap3A_423], %broadcast_in_dim3A_35 {strides = array<i32>} : memref<128x128xf32, #tpu.memory_space<vmem>>, vector<16xf32>,
      %mul3A_425 = arith.constant 4 : i32
      %mul3A_426 = arith.muli %mul3A_425, %scan3A_81 : i32
      %add3A_427 = arith.constant 3 : i32
      %add3A_428 = arith.addi %mul3A_426, %add3A_427 : i32
      %swap3A_429 = arith.index_cast %add3A_428 : i32 to index
      %swap3A_430 = arith.constant 0 : index
      %swap3A_431 = tpu.vector_load %arg10[%swap3A_429, %swap3A_430] {strides = array<i32>} : memref<128x128xf32, #tpu.memory_space<vmem>>, vector<16xf32>,
      tpu.vector_store %arg10[%swap3A_429, %swap3A_430], %broadcast_in_dim3A_35 {strides = array<i32>} : memref<128x128xf32, #tpu.memory_space<vmem>>, vector<16xf32>,
      %mul3A_432 = arith.constant 4 : i32
      %mul3A_433 = arith.muli %mul3A_432, %scan3A_81 : i32
      %add3A_434 = arith.constant 3 : i32
      %add3A_435 = arith.addi %mul3A_433, %add3A_434 : i32
      %swap3A_436 = arith.index_cast %add3A_435 : i32 to index
      %swap3A_437 = arith.constant 16 : index
      %swap3A_438 = tpu.vector_load %arg9[%swap3A_436, %swap3A_437] {strides = array<i32>} : memref<128x128xf32, #tpu.memory_space<vmem>>, vector<16xf32>,
      tpu.vector_store %arg9[%swap3A_436, %swap3A_437], %broadcast_in_dim3A_35 {strides = array<i32>} : memref<128x128xf32, #tpu.memory_space<vmem>>, vector<16xf32>,
      %mul3A_439 = arith.constant 4 : i32
      %mul3A_440 = arith.muli %mul3A_439, %scan3A_81 : i32
      %add3A_441 = arith.constant 3 : i32
      %add3A_442 = arith.addi %mul3A_440, %add3A_441 : i32
      %swap3A_443 = arith.index_cast %add3A_442 : i32 to index
      %swap3A_444 = arith.constant 16 : index
      %swap3A_445 = tpu.vector_load %arg10[%swap3A_443, %swap3A_444] {strides = array<i32>} : memref<128x128xf32, #tpu.memory_space<vmem>>, vector<16xf32>,
      tpu.vector_store %arg10[%swap3A_443, %swap3A_444], %broadcast_in_dim3A_35 {strides = array<i32>} : memref<128x128xf32, #tpu.memory_space<vmem>>, vector<16xf32>,
      %mul3A_446 = arith.constant 4 : i32
      %mul3A_447 = arith.muli %mul3A_446, %scan3A_81 : i32
      %add3A_448 = arith.constant 3 : i32
      %add3A_449 = arith.addi %mul3A_447, %add3A_448 : i32
      %swap3A_450 = arith.index_cast %add3A_449 : i32 to index
      %swap3A_451 = arith.constant 32 : index
      %swap3A_452 = tpu.vector_load %arg9[%swap3A_450, %swap3A_451] {strides = array<i32>} : memref<128x128xf32, #tpu.memory_space<vmem>>, vector<16xf32>,
      tpu.vector_store %arg9[%swap3A_450, %swap3A_451], %broadcast_in_dim3A_35 {strides = array<i32>} : memref<128x128xf32, #tpu.memory_space<vmem>>, vector<16xf32>,
      %mul3A_453 = arith.constant 4 : i32
      %mul3A_454 = arith.muli %mul3A_453, %scan3A_81 : i32
      %add3A_455 = arith.constant 3 : i32
      %add3A_456 = arith.addi %mul3A_454, %add3A_455 : i32
      %swap3A_457 = arith.index_cast %add3A_456 : i32 to index
      %swap3A_458 = arith.constant 32 : index
      %swap3A_459 = tpu.vector_load %arg10[%swap3A_457, %swap3A_458] {strides = array<i32>} : memref<128x128xf32, #tpu.memory_space<vmem>>, vector<16xf32>,
      tpu.vector_store %arg10[%swap3A_457, %swap3A_458], %broadcast_in_dim3A_35 {strides = array<i32>} : memref<128x128xf32, #tpu.memory_space<vmem>>, vector<16xf32>,
      %mul3A_460 = arith.constant 4 : i32
      %mul3A_461 = arith.muli %mul3A_460, %scan3A_81 : i32
      %add3A_462 = arith.constant 3 : i32
      %add3A_463 = arith.addi %mul3A_461, %add3A_462 : i32
      %swap3A_464 = arith.index_cast %add3A_463 : i32 to index
      %swap3A_465 = arith.constant 48 : index
      %swap3A_466 = tpu.vector_load %arg9[%swap3A_464, %swap3A_465] {strides = array<i32>} : memref<128x128xf32, #tpu.memory_space<vmem>>, vector<16xf32>,
      tpu.vector_store %arg9[%swap3A_464, %swap3A_465], %broadcast_in_dim3A_35 {strides = array<i32>} : memref<128x128xf32, #tpu.memory_space<vmem>>, vector<16xf32>,
      %mul3A_467 = arith.constant 4 : i32
      %mul3A_468 = arith.muli %mul3A_467, %scan3A_81 : i32
      %add3A_469 = arith.constant 3 : i32
      %add3A_470 = arith.addi %mul3A_468, %add3A_469 : i32
      %swap3A_471 = arith.index_cast %add3A_470 : i32 to index
      %swap3A_472 = arith.constant 48 : index
      %swap3A_473 = tpu.vector_load %arg10[%swap3A_471, %swap3A_472] {strides = array<i32>} : memref<128x128xf32, #tpu.memory_space<vmem>>, vector<16xf32>,
      tpu.vector_store %arg10[%swap3A_471, %swap3A_472], %broadcast_in_dim3A_35 {strides = array<i32>} : memref<128x128xf32, #tpu.memory_space<vmem>>, vector<16xf32>,
      %mul3A_474 = arith.constant 4 : i32
      %mul3A_475 = arith.muli %mul3A_474, %scan3A_81 : i32
      %add3A_476 = arith.constant 3 : i32
      %add3A_477 = arith.addi %mul3A_475, %add3A_476 : i32
      %swap3A_478 = arith.index_cast %add3A_477 : i32 to index
      %swap3A_479 = arith.constant 64 : index
      %swap3A_480 = tpu.vector_load %arg9[%swap3A_478, %swap3A_479] {strides = array<i32>} : memref<128x128xf32, #tpu.memory_space<vmem>>, vector<16xf32>,
      tpu.vector_store %arg9[%swap3A_478, %swap3A_479], %broadcast_in_dim3A_35 {strides = array<i32>} : memref<128x128xf32, #tpu.memory_space<vmem>>, vector<16xf32>,
      %mul3A_481 = arith.constant 4 : i32
      %mul3A_482 = arith.muli %mul3A_481, %scan3A_81 : i32
      %add3A_483 = arith.constant 3 : i32
      %add3A_484 = arith.addi %mul3A_482, %add3A_483 : i32
      %swap3A_485 = arith.index_cast %add3A_484 : i32 to index
      %swap3A_486 = arith.constant 64 : index
      %swap3A_487 = tpu.vector_load %arg10[%swap3A_485, %swap3A_486] {strides = array<i32>} : memref<128x128xf32, #tpu.memory_space<vmem>>, vector<16xf32>,
      tpu.vector_store %arg10[%swap3A_485, %swap3A_486], %broadcast_in_dim3A_35 {strides = array<i32>} : memref<128x128xf32, #tpu.memory_space<vmem>>, vector<16xf32>,
      %mul3A_488 = arith.constant 4 : i32
      %mul3A_489 = arith.muli %mul3A_488, %scan3A_81 : i32
      %add3A_490 = arith.constant 3 : i32
      %add3A_491 = arith.addi %mul3A_489, %add3A_490 : i32
      %swap3A_492 = arith.index_cast %add3A_491 : i32 to index
      %swap3A_493 = arith.constant 80 : index
      %swap3A_494 = tpu.vector_load %arg9[%swap3A_492, %swap3A_493] {strides = array<i32>} : memref<128x128xf32, #tpu.memory_space<vmem>>, vector<16xf32>,
      tpu.vector_store %arg9[%swap3A_492, %swap3A_493], %broadcast_in_dim3A_35 {strides = array<i32>} : memref<128x128xf32, #tpu.memory_space<vmem>>, vector<16xf32>,
      %mul3A_495 = arith.constant 4 : i32
      %mul3A_496 = arith.muli %mul3A_495, %scan3A_81 : i32
      %add3A_497 = arith.constant 3 : i32
      %add3A_498 = arith.addi %mul3A_496, %add3A_497 : i32
      %swap3A_499 = arith.index_cast %add3A_498 : i32 to index
      %swap3A_500 = arith.constant 80 : index
      %swap3A_501 = tpu.vector_load %arg10[%swap3A_499, %swap3A_500] {strides = array<i32>} : memref<128x128xf32, #tpu.memory_space<vmem>>, vector<16xf32>,
      tpu.vector_store %arg10[%swap3A_499, %swap3A_500], %broadcast_in_dim3A_35 {strides = array<i32>} : memref<128x128xf32, #tpu.memory_space<vmem>>, vector<16xf32>,
      %mul3A_502 = arith.constant 4 : i32
      %mul3A_503 = arith.muli %mul3A_502, %scan3A_81 : i32
      %add3A_504 = arith.constant 3 : i32
      %add3A_505 = arith.addi %mul3A_503, %add3A_504 : i32
      %swap3A_506 = arith.index_cast %add3A_505 : i32 to index
      %swap3A_507 = arith.constant 96 : index
      %swap3A_508 = tpu.vector_load %arg9[%swap3A_506, %swap3A_507] {strides = array<i32>} : memref<128x128xf32, #tpu.memory_space<vmem>>, vector<16xf32>,
      tpu.vector_store %arg9[%swap3A_506, %swap3A_507], %broadcast_in_dim3A_35 {strides = array<i32>} : memref<128x128xf32, #tpu.memory_space<vmem>>, vector<16xf32>,
      %mul3A_509 = arith.constant 4 : i32
      %mul3A_510 = arith.muli %mul3A_509, %scan3A_81 : i32
      %add3A_511 = arith.constant 3 : i32
      %add3A_512 = arith.addi %mul3A_510, %add3A_511 : i32
      %swap3A_513 = arith.index_cast %add3A_512 : i32 to index
      %swap3A_514 = arith.constant 96 : index
      %swap3A_515 = tpu.vector_load %arg10[%swap3A_513, %swap3A_514] {strides = array<i32>} : memref<128x128xf32, #tpu.memory_space<vmem>>, vector<16xf32>,
      tpu.vector_store %arg10[%swap3A_513, %swap3A_514], %broadcast_in_dim3A_35 {strides = array<i32>} : memref<128x128xf32, #tpu.memory_space<vmem>>, vector<16xf32>,
      %mul3A_516 = arith.constant 4 : i32
      %mul3A_517 = arith.muli %mul3A_516, %scan3A_81 : i32
      %add3A_518 = arith.constant 3 : i32
      %add3A_519 = arith.addi %mul3A_517, %add3A_518 : i32
      %swap3A_520 = arith.index_cast %add3A_519 : i32 to index
      %swap3A_521 = arith.constant 112 : index
      %swap3A_522 = tpu.vector_load %arg9[%swap3A_520, %swap3A_521] {strides = array<i32>} : memref<128x128xf32, #tpu.memory_space<vmem>>, vector<16xf32>,
      tpu.vector_store %arg9[%swap3A_520, %swap3A_521], %broadcast_in_dim3A_35 {strides = array<i32>} : memref<128x128xf32, #tpu.memory_space<vmem>>, vector<16xf32>,
      %mul3A_523 = arith.constant 4 : i32
      %mul3A_524 = arith.muli %mul3A_523, %scan3A_81 : i32
      %add3A_525 = arith.constant 3 : i32
      %add3A_526 = arith.addi %mul3A_524, %add3A_525 : i32
      %swap3A_527 = arith.index_cast %add3A_526 : i32 to index
      %swap3A_528 = arith.constant 112 : index
      %swap3A_529 = tpu.vector_load %arg10[%swap3A_527, %swap3A_528] {strides = array<i32>} : memref<128x128xf32, #tpu.memory_space<vmem>>, vector<16xf32>,
      tpu.vector_store %arg10[%swap3A_527, %swap3A_528], %broadcast_in_dim3A_35 {strides = array<i32>} : memref<128x128xf32, #tpu.memory_space<vmem>>, vector<16xf32>,
    }
    %scan3A_43 = arith.constant 32 : i32
    %dma_wait3A = tpu.memref_slice %arg3[%mul3A_32] : memref<4096xi32, #tpu.memory_space<hbm>> -> memref<512xi32, #tpu.memory_space<hbm>>
    %dma_wait3A_44 = tpu.memref_slice %arg3[%mul3A_32] : memref<4096xi32, #tpu.memory_space<hbm>> -> memref<512xi32, #tpu.memory_space<hbm>>
    tpu.wait_dma2 semaphore(%arg12 : memref<!tpu.dma_semaphore, #tpu.memory_space<semaphore_mem>>) src(%dma_wait3A_44 : memref<512xi32, #tpu.memory_space<hbm>>) dst(%arg6 : memref<512xi32, #tpu.memory_space<vmem>>)
    %dma_wait3A_45 = tpu.memref_slice %arg2[%mul3A_32, %mul3A_34] : memref<4096x512xf32, #tpu.memory_space<hbm>> -> memref<256x128xf32, #tpu.memory_space<hbm>>
    %dma_wait3A_46 = tpu.memref_slice %arg2[%mul3A_32, %mul3A_34] : memref<4096x512xf32, #tpu.memory_space<hbm>> -> memref<256x128xf32, #tpu.memory_space<hbm>>
    tpu.wait_dma2 semaphore(%arg13 : memref<!tpu.dma_semaphore, #tpu.memory_space<semaphore_mem>>) src(%dma_wait3A_46 : memref<256x128xf32, #tpu.memory_space<hbm>>) dst(%arg7 : memref<256x128xf32, #tpu.memory_space<vmem>>)
    %add3A_47 = arith.constant 256 : i32
    %add3A_48 = arith.addi %mul3A_32, %add3A_47 : i32
    %dma_start3A_49 = tpu.memref_slice %arg2[%add3A_48, %mul3A_34] : memref<4096x512xf32, #tpu.memory_space<hbm>> -> memref<256x128xf32, #tpu.memory_space<hbm>>
    %dma_start3A_50 = tpu.memref_slice %arg2[%add3A_48, %mul3A_34] : memref<4096x512xf32, #tpu.memory_space<hbm>> -> memref<256x128xf32, #tpu.memory_space<hbm>>
    tpu.enqueue_dma source(%dma_start3A_50 : memref<256x128xf32, #tpu.memory_space<hbm>>) target(%arg8 : memref<256x128xf32, #tpu.memory_space<vmem>>) target_semaphore(%arg14 : memref<!tpu.dma_semaphore, #tpu.memory_space<semaphore_mem>>)
    %scan3A_51 = arith.constant 0 : i32
    %scan3A_52 = arith.constant 64 : i32
    %scan3A_53 = arith.addi %scan3A_51, %scan3A_52 : i32
    %scan3A_54 = arith.constant 1 : i32
    %scan3A_55:8 = scf.for %scan3A_81 = %scan3A_51 to %scan3A_53 step %scan3A_54 iter_args(%scan3A_82 = %broadcast_in_dim3A_35, %scan3A_83 = %broadcast_in_dim3A_35, %scan3A_84 = %broadcast_in_dim3A_35, %scan3A_85 = %broadcast_in_dim3A_35, %scan3A_86 = %broadcast_in_dim3A_35, %scan3A_87 = %broadcast_in_dim3A_35, %scan3A_88 = %broadcast_in_dim3A_35, %scan3A_89 = %broadcast_in_dim3A_35) -> (vector<16xf32>, vector<16xf32>, vector<16xf32>, vector<16xf32>, vector<16xf32>, vector<16xf32>, vector<16xf32>, vector<16xf32>)  : i32 {
      %broadcast_in_dim3A_90 = arith.constant 0 : i32
      %broadcast_in_dim3A_91 = vector.broadcast %broadcast_in_dim3A_90 : i32 to vector<16xi32>
      %mul3A_92 = arith.constant 4 : i32
      %mul3A_93 = arith.muli %mul3A_92, %scan3A_81 : i32
      %add3A_94 = arith.constant 0 : i32
      %add3A_95 = arith.addi %mul3A_93, %add3A_94 : i32
      %mul3A_96 = arith.constant 4 : i32
      %mul3A_97 = arith.muli %mul3A_96, %scan3A_81 : i32
      %add3A_98 = arith.constant 1 : i32
      %add3A_99 = arith.addi %mul3A_97, %add3A_98 : i32
      %mul3A_100 = arith.constant 4 : i32
      %mul3A_101 = arith.muli %mul3A_100, %scan3A_81 : i32
      %add3A_102 = arith.constant 2 : i32
      %add3A_103 = arith.addi %mul3A_101, %add3A_102 : i32
      %mul3A_104 = arith.constant 4 : i32
      %mul3A_105 = arith.muli %mul3A_104, %scan3A_81 : i32
      %add3A_106 = arith.constant 3 : i32
      %add3A_107 = arith.addi %mul3A_105, %add3A_106 : i32
      %add3A_108 = vector.broadcast %add3A_95 : i32 to vector<16xi32>
      %add3A_109 = arith.addi %broadcast_in_dim3A_91, %add3A_108 : vector<16xi32>
      %gather3A = tpu.vector_load_idx %arg6[%add3A_109] : memref<512xi32, #tpu.memory_space<vmem>>[vector<16xi32>], vector<16xi32>,
      %add3A_110 = vector.broadcast %add3A_99 : i32 to vector<16xi32>
      %add3A_111 = arith.addi %broadcast_in_dim3A_91, %add3A_110 : vector<16xi32>
      %gather3A_112 = tpu.vector_load_idx %arg6[%add3A_111] : memref<512xi32, #tpu.memory_space<vmem>>[vector<16xi32>], vector<16xi32>,
      %add3A_113 = vector.broadcast %add3A_103 : i32 to vector<16xi32>
      %add3A_114 = arith.addi %broadcast_in_dim3A_91, %add3A_113 : vector<16xi32>
      %gather3A_115 = tpu.vector_load_idx %arg6[%add3A_114] : memref<512xi32, #tpu.memory_space<vmem>>[vector<16xi32>], vector<16xi32>,
      %add3A_116 = vector.broadcast %add3A_107 : i32 to vector<16xi32>
      %add3A_117 = arith.addi %broadcast_in_dim3A_91, %add3A_116 : vector<16xi32>
      %gather3A_118 = tpu.vector_load_idx %arg6[%add3A_117] : memref<512xi32, #tpu.memory_space<vmem>>[vector<16xi32>], vector<16xi32>,
      %get3A = arith.index_cast %add3A_95 : i32 to index
      %get3A_119 = arith.constant 0 : index
      %get3A_120 = tpu.vector_load %arg7[%get3A, %get3A_119] {strides = array<i32>} : memref<256x128xf32, #tpu.memory_space<vmem>>, vector<16xf32>,
      %add3A_121 = arith.constant 0 : i32
      %add3A_122 = vector.broadcast %add3A_121 : i32 to vector<16xi32>
      %add3A_123 = arith.addi %iota3A, %add3A_122 : vector<16xi32>
      tpu.vector_store_idx %arg9[%gather3A, %add3A_123], %get3A_120 {add = true} : memref<128x128xf32, #tpu.memory_space<vmem>>[vector<16xi32>, vector<16xi32>], vector<16xf32>,
      %mul3A_124 = arith.mulf %get3A_120, %get3A_120 : vector<16xf32>
      %add3A_125 = arith.addf %scan3A_82, %mul3A_124 : vector<16xf32>
      %get3A_126 = arith.index_cast %add3A_99 : i32 to index
      %get3A_127 = arith.constant 0 : index
      %get3A_128 = tpu.vector_load %arg7[%get3A_126, %get3A_127] {strides = array<i32>} : memref<256x128xf32, #tpu.memory_space<vmem>>, vector<16xf32>,
      %add3A_129 = arith.constant 0 : i32
      %add3A_130 = vector.broadcast %add3A_129 : i32 to vector<16xi32>
      %add3A_131 = arith.addi %iota3A, %add3A_130 : vector<16xi32>
      tpu.vector_store_idx %arg10[%gather3A_112, %add3A_131], %get3A_128 {add = true} : memref<128x128xf32, #tpu.memory_space<vmem>>[vector<16xi32>, vector<16xi32>], vector<16xf32>,
      %mul3A_132 = arith.mulf %get3A_128, %get3A_128 : vector<16xf32>
      %add3A_133 = arith.addf %add3A_125, %mul3A_132 : vector<16xf32>
      %get3A_134 = arith.index_cast %add3A_103 : i32 to index
      %get3A_135 = arith.constant 0 : index
      %get3A_136 = tpu.vector_load %arg7[%get3A_134, %get3A_135] {strides = array<i32>} : memref<256x128xf32, #tpu.memory_space<vmem>>, vector<16xf32>,
      %add3A_137 = arith.constant 0 : i32
      %add3A_138 = vector.broadcast %add3A_137 : i32 to vector<16xi32>
      %add3A_139 = arith.addi %iota3A, %add3A_138 : vector<16xi32>
      tpu.vector_store_idx %arg9[%gather3A_115, %add3A_139], %get3A_136 {add = true} : memref<128x128xf32, #tpu.memory_space<vmem>>[vector<16xi32>, vector<16xi32>], vector<16xf32>,
      %mul3A_140 = arith.mulf %get3A_136, %get3A_136 : vector<16xf32>
      %add3A_141 = arith.addf %add3A_133, %mul3A_140 : vector<16xf32>
      %get3A_142 = arith.index_cast %add3A_107 : i32 to index
      %get3A_143 = arith.constant 0 : index
      %get3A_144 = tpu.vector_load %arg7[%get3A_142, %get3A_143] {strides = array<i32>} : memref<256x128xf32, #tpu.memory_space<vmem>>, vector<16xf32>,
      %add3A_145 = arith.constant 0 : i32
      %add3A_146 = vector.broadcast %add3A_145 : i32 to vector<16xi32>
      %add3A_147 = arith.addi %iota3A, %add3A_146 : vector<16xi32>
      tpu.vector_store_idx %arg10[%gather3A_118, %add3A_147], %get3A_144 {add = true} : memref<128x128xf32, #tpu.memory_space<vmem>>[vector<16xi32>, vector<16xi32>], vector<16xf32>,
      %mul3A_148 = arith.mulf %get3A_144, %get3A_144 : vector<16xf32>
      %add3A_149 = arith.addf %add3A_141, %mul3A_148 : vector<16xf32>
      %get3A_150 = arith.index_cast %add3A_95 : i32 to index
      %get3A_151 = arith.constant 16 : index
      %get3A_152 = tpu.vector_load %arg7[%get3A_150, %get3A_151] {strides = array<i32>} : memref<256x128xf32, #tpu.memory_space<vmem>>, vector<16xf32>,
      %add3A_153 = arith.constant 16 : i32
      %add3A_154 = vector.broadcast %add3A_153 : i32 to vector<16xi32>
      %add3A_155 = arith.addi %iota3A, %add3A_154 : vector<16xi32>
      tpu.vector_store_idx %arg9[%gather3A, %add3A_155], %get3A_152 {add = true} : memref<128x128xf32, #tpu.memory_space<vmem>>[vector<16xi32>, vector<16xi32>], vector<16xf32>,
      %mul3A_156 = arith.mulf %get3A_152, %get3A_152 : vector<16xf32>
      %add3A_157 = arith.addf %scan3A_83, %mul3A_156 : vector<16xf32>
      %get3A_158 = arith.index_cast %add3A_99 : i32 to index
      %get3A_159 = arith.constant 16 : index
      %get3A_160 = tpu.vector_load %arg7[%get3A_158, %get3A_159] {strides = array<i32>} : memref<256x128xf32, #tpu.memory_space<vmem>>, vector<16xf32>,
      %add3A_161 = arith.constant 16 : i32
      %add3A_162 = vector.broadcast %add3A_161 : i32 to vector<16xi32>
      %add3A_163 = arith.addi %iota3A, %add3A_162 : vector<16xi32>
      tpu.vector_store_idx %arg10[%gather3A_112, %add3A_163], %get3A_160 {add = true} : memref<128x128xf32, #tpu.memory_space<vmem>>[vector<16xi32>, vector<16xi32>], vector<16xf32>,
      %mul3A_164 = arith.mulf %get3A_160, %get3A_160 : vector<16xf32>
      %add3A_165 = arith.addf %add3A_157, %mul3A_164 : vector<16xf32>
      %get3A_166 = arith.index_cast %add3A_103 : i32 to index
      %get3A_167 = arith.constant 16 : index
      %get3A_168 = tpu.vector_load %arg7[%get3A_166, %get3A_167] {strides = array<i32>} : memref<256x128xf32, #tpu.memory_space<vmem>>, vector<16xf32>,
      %add3A_169 = arith.constant 16 : i32
      %add3A_170 = vector.broadcast %add3A_169 : i32 to vector<16xi32>
      %add3A_171 = arith.addi %iota3A, %add3A_170 : vector<16xi32>
      tpu.vector_store_idx %arg9[%gather3A_115, %add3A_171], %get3A_168 {add = true} : memref<128x128xf32, #tpu.memory_space<vmem>>[vector<16xi32>, vector<16xi32>], vector<16xf32>,
      %mul3A_172 = arith.mulf %get3A_168, %get3A_168 : vector<16xf32>
      %add3A_173 = arith.addf %add3A_165, %mul3A_172 : vector<16xf32>
      %get3A_174 = arith.index_cast %add3A_107 : i32 to index
      %get3A_175 = arith.constant 16 : index
      %get3A_176 = tpu.vector_load %arg7[%get3A_174, %get3A_175] {strides = array<i32>} : memref<256x128xf32, #tpu.memory_space<vmem>>, vector<16xf32>,
      %add3A_177 = arith.constant 16 : i32
      %add3A_178 = vector.broadcast %add3A_177 : i32 to vector<16xi32>
      %add3A_179 = arith.addi %iota3A, %add3A_178 : vector<16xi32>
      tpu.vector_store_idx %arg10[%gather3A_118, %add3A_179], %get3A_176 {add = true} : memref<128x128xf32, #tpu.memory_space<vmem>>[vector<16xi32>, vector<16xi32>], vector<16xf32>,
      %mul3A_180 = arith.mulf %get3A_176, %get3A_176 : vector<16xf32>
      %add3A_181 = arith.addf %add3A_173, %mul3A_180 : vector<16xf32>
      %get3A_182 = arith.index_cast %add3A_95 : i32 to index
      %get3A_183 = arith.constant 32 : index
      %get3A_184 = tpu.vector_load %arg7[%get3A_182, %get3A_183] {strides = array<i32>} : memref<256x128xf32, #tpu.memory_space<vmem>>, vector<16xf32>,
      %add3A_185 = arith.constant 32 : i32
      %add3A_186 = vector.broadcast %add3A_185 : i32 to vector<16xi32>
      %add3A_187 = arith.addi %iota3A, %add3A_186 : vector<16xi32>
      tpu.vector_store_idx %arg9[%gather3A, %add3A_187], %get3A_184 {add = true} : memref<128x128xf32, #tpu.memory_space<vmem>>[vector<16xi32>, vector<16xi32>], vector<16xf32>,
      %mul3A_188 = arith.mulf %get3A_184, %get3A_184 : vector<16xf32>
      %add3A_189 = arith.addf %scan3A_84, %mul3A_188 : vector<16xf32>
      %get3A_190 = arith.index_cast %add3A_99 : i32 to index
      %get3A_191 = arith.constant 32 : index
      %get3A_192 = tpu.vector_load %arg7[%get3A_190, %get3A_191] {strides = array<i32>} : memref<256x128xf32, #tpu.memory_space<vmem>>, vector<16xf32>,
      %add3A_193 = arith.constant 32 : i32
      %add3A_194 = vector.broadcast %add3A_193 : i32 to vector<16xi32>
      %add3A_195 = arith.addi %iota3A, %add3A_194 : vector<16xi32>
      tpu.vector_store_idx %arg10[%gather3A_112, %add3A_195], %get3A_192 {add = true} : memref<128x128xf32, #tpu.memory_space<vmem>>[vector<16xi32>, vector<16xi32>], vector<16xf32>,
      %mul3A_196 = arith.mulf %get3A_192, %get3A_192 : vector<16xf32>
      %add3A_197 = arith.addf %add3A_189, %mul3A_196 : vector<16xf32>
      %get3A_198 = arith.index_cast %add3A_103 : i32 to index
      %get3A_199 = arith.constant 32 : index
      %get3A_200 = tpu.vector_load %arg7[%get3A_198, %get3A_199] {strides = array<i32>} : memref<256x128xf32, #tpu.memory_space<vmem>>, vector<16xf32>,
      %add3A_201 = arith.constant 32 : i32
      %add3A_202 = vector.broadcast %add3A_201 : i32 to vector<16xi32>
      %add3A_203 = arith.addi %iota3A, %add3A_202 : vector<16xi32>
      tpu.vector_store_idx %arg9[%gather3A_115, %add3A_203], %get3A_200 {add = true} : memref<128x128xf32, #tpu.memory_space<vmem>>[vector<16xi32>, vector<16xi32>], vector<16xf32>,
      %mul3A_204 = arith.mulf %get3A_200, %get3A_200 : vector<16xf32>
      %add3A_205 = arith.addf %add3A_197, %mul3A_204 : vector<16xf32>
      %get3A_206 = arith.index_cast %add3A_107 : i32 to index
      %get3A_207 = arith.constant 32 : index
      %get3A_208 = tpu.vector_load %arg7[%get3A_206, %get3A_207] {strides = array<i32>} : memref<256x128xf32, #tpu.memory_space<vmem>>, vector<16xf32>,
      %add3A_209 = arith.constant 32 : i32
      %add3A_210 = vector.broadcast %add3A_209 : i32 to vector<16xi32>
      %add3A_211 = arith.addi %iota3A, %add3A_210 : vector<16xi32>
      tpu.vector_store_idx %arg10[%gather3A_118, %add3A_211], %get3A_208 {add = true} : memref<128x128xf32, #tpu.memory_space<vmem>>[vector<16xi32>, vector<16xi32>], vector<16xf32>,
      %mul3A_212 = arith.mulf %get3A_208, %get3A_208 : vector<16xf32>
      %add3A_213 = arith.addf %add3A_205, %mul3A_212 : vector<16xf32>
      %get3A_214 = arith.index_cast %add3A_95 : i32 to index
      %get3A_215 = arith.constant 48 : index
      %get3A_216 = tpu.vector_load %arg7[%get3A_214, %get3A_215] {strides = array<i32>} : memref<256x128xf32, #tpu.memory_space<vmem>>, vector<16xf32>,
      %add3A_217 = arith.constant 48 : i32
      %add3A_218 = vector.broadcast %add3A_217 : i32 to vector<16xi32>
      %add3A_219 = arith.addi %iota3A, %add3A_218 : vector<16xi32>
      tpu.vector_store_idx %arg9[%gather3A, %add3A_219], %get3A_216 {add = true} : memref<128x128xf32, #tpu.memory_space<vmem>>[vector<16xi32>, vector<16xi32>], vector<16xf32>,
      %mul3A_220 = arith.mulf %get3A_216, %get3A_216 : vector<16xf32>
      %add3A_221 = arith.addf %scan3A_85, %mul3A_220 : vector<16xf32>
      %get3A_222 = arith.index_cast %add3A_99 : i32 to index
      %get3A_223 = arith.constant 48 : index
      %get3A_224 = tpu.vector_load %arg7[%get3A_222, %get3A_223] {strides = array<i32>} : memref<256x128xf32, #tpu.memory_space<vmem>>, vector<16xf32>,
      %add3A_225 = arith.constant 48 : i32
      %add3A_226 = vector.broadcast %add3A_225 : i32 to vector<16xi32>
      %add3A_227 = arith.addi %iota3A, %add3A_226 : vector<16xi32>
      tpu.vector_store_idx %arg10[%gather3A_112, %add3A_227], %get3A_224 {add = true} : memref<128x128xf32, #tpu.memory_space<vmem>>[vector<16xi32>, vector<16xi32>], vector<16xf32>,
      %mul3A_228 = arith.mulf %get3A_224, %get3A_224 : vector<16xf32>
      %add3A_229 = arith.addf %add3A_221, %mul3A_228 : vector<16xf32>
      %get3A_230 = arith.index_cast %add3A_103 : i32 to index
      %get3A_231 = arith.constant 48 : index
      %get3A_232 = tpu.vector_load %arg7[%get3A_230, %get3A_231] {strides = array<i32>} : memref<256x128xf32, #tpu.memory_space<vmem>>, vector<16xf32>,
      %add3A_233 = arith.constant 48 : i32
      %add3A_234 = vector.broadcast %add3A_233 : i32 to vector<16xi32>
      %add3A_235 = arith.addi %iota3A, %add3A_234 : vector<16xi32>
      tpu.vector_store_idx %arg9[%gather3A_115, %add3A_235], %get3A_232 {add = true} : memref<128x128xf32, #tpu.memory_space<vmem>>[vector<16xi32>, vector<16xi32>], vector<16xf32>,
      %mul3A_236 = arith.mulf %get3A_232, %get3A_232 : vector<16xf32>
      %add3A_237 = arith.addf %add3A_229, %mul3A_236 : vector<16xf32>
      %get3A_238 = arith.index_cast %add3A_107 : i32 to index
      %get3A_239 = arith.constant 48 : index
      %get3A_240 = tpu.vector_load %arg7[%get3A_238, %get3A_239] {strides = array<i32>} : memref<256x128xf32, #tpu.memory_space<vmem>>, vector<16xf32>,
      %add3A_241 = arith.constant 48 : i32
      %add3A_242 = vector.broadcast %add3A_241 : i32 to vector<16xi32>
      %add3A_243 = arith.addi %iota3A, %add3A_242 : vector<16xi32>
      tpu.vector_store_idx %arg10[%gather3A_118, %add3A_243], %get3A_240 {add = true} : memref<128x128xf32, #tpu.memory_space<vmem>>[vector<16xi32>, vector<16xi32>], vector<16xf32>,
      %mul3A_244 = arith.mulf %get3A_240, %get3A_240 : vector<16xf32>
      %add3A_245 = arith.addf %add3A_237, %mul3A_244 : vector<16xf32>
      %get3A_246 = arith.index_cast %add3A_95 : i32 to index
      %get3A_247 = arith.constant 64 : index
      %get3A_248 = tpu.vector_load %arg7[%get3A_246, %get3A_247] {strides = array<i32>} : memref<256x128xf32, #tpu.memory_space<vmem>>, vector<16xf32>,
      %add3A_249 = arith.constant 64 : i32
      %add3A_250 = vector.broadcast %add3A_249 : i32 to vector<16xi32>
      %add3A_251 = arith.addi %iota3A, %add3A_250 : vector<16xi32>
      tpu.vector_store_idx %arg9[%gather3A, %add3A_251], %get3A_248 {add = true} : memref<128x128xf32, #tpu.memory_space<vmem>>[vector<16xi32>, vector<16xi32>], vector<16xf32>,
      %mul3A_252 = arith.mulf %get3A_248, %get3A_248 : vector<16xf32>
      %add3A_253 = arith.addf %scan3A_86, %mul3A_252 : vector<16xf32>
      %get3A_254 = arith.index_cast %add3A_99 : i32 to index
      %get3A_255 = arith.constant 64 : index
      %get3A_256 = tpu.vector_load %arg7[%get3A_254, %get3A_255] {strides = array<i32>} : memref<256x128xf32, #tpu.memory_space<vmem>>, vector<16xf32>,
      %add3A_257 = arith.constant 64 : i32
      %add3A_258 = vector.broadcast %add3A_257 : i32 to vector<16xi32>
      %add3A_259 = arith.addi %iota3A, %add3A_258 : vector<16xi32>
      tpu.vector_store_idx %arg10[%gather3A_112, %add3A_259], %get3A_256 {add = true} : memref<128x128xf32, #tpu.memory_space<vmem>>[vector<16xi32>, vector<16xi32>], vector<16xf32>,
      %mul3A_260 = arith.mulf %get3A_256, %get3A_256 : vector<16xf32>
      %add3A_261 = arith.addf %add3A_253, %mul3A_260 : vector<16xf32>
      %get3A_262 = arith.index_cast %add3A_103 : i32 to index
      %get3A_263 = arith.constant 64 : index
      %get3A_264 = tpu.vector_load %arg7[%get3A_262, %get3A_263] {strides = array<i32>} : memref<256x128xf32, #tpu.memory_space<vmem>>, vector<16xf32>,
      %add3A_265 = arith.constant 64 : i32
      %add3A_266 = vector.broadcast %add3A_265 : i32 to vector<16xi32>
      %add3A_267 = arith.addi %iota3A, %add3A_266 : vector<16xi32>
      tpu.vector_store_idx %arg9[%gather3A_115, %add3A_267], %get3A_264 {add = true} : memref<128x128xf32, #tpu.memory_space<vmem>>[vector<16xi32>, vector<16xi32>], vector<16xf32>,
      %mul3A_268 = arith.mulf %get3A_264, %get3A_264 : vector<16xf32>
      %add3A_269 = arith.addf %add3A_261, %mul3A_268 : vector<16xf32>
      %get3A_270 = arith.index_cast %add3A_107 : i32 to index
      %get3A_271 = arith.constant 64 : index
      %get3A_272 = tpu.vector_load %arg7[%get3A_270, %get3A_271] {strides = array<i32>} : memref<256x128xf32, #tpu.memory_space<vmem>>, vector<16xf32>,
      %add3A_273 = arith.constant 64 : i32
      %add3A_274 = vector.broadcast %add3A_273 : i32 to vector<16xi32>
      %add3A_275 = arith.addi %iota3A, %add3A_274 : vector<16xi32>
      tpu.vector_store_idx %arg10[%gather3A_118, %add3A_275], %get3A_272 {add = true} : memref<128x128xf32, #tpu.memory_space<vmem>>[vector<16xi32>, vector<16xi32>], vector<16xf32>,
      %mul3A_276 = arith.mulf %get3A_272, %get3A_272 : vector<16xf32>
      %add3A_277 = arith.addf %add3A_269, %mul3A_276 : vector<16xf32>
      %get3A_278 = arith.index_cast %add3A_95 : i32 to index
      %get3A_279 = arith.constant 80 : index
      %get3A_280 = tpu.vector_load %arg7[%get3A_278, %get3A_279] {strides = array<i32>} : memref<256x128xf32, #tpu.memory_space<vmem>>, vector<16xf32>,
      %add3A_281 = arith.constant 80 : i32
      %add3A_282 = vector.broadcast %add3A_281 : i32 to vector<16xi32>
      %add3A_283 = arith.addi %iota3A, %add3A_282 : vector<16xi32>
      tpu.vector_store_idx %arg9[%gather3A, %add3A_283], %get3A_280 {add = true} : memref<128x128xf32, #tpu.memory_space<vmem>>[vector<16xi32>, vector<16xi32>], vector<16xf32>,
      %mul3A_284 = arith.mulf %get3A_280, %get3A_280 : vector<16xf32>
      %add3A_285 = arith.addf %scan3A_87, %mul3A_284 : vector<16xf32>
      %get3A_286 = arith.index_cast %add3A_99 : i32 to index
      %get3A_287 = arith.constant 80 : index
      %get3A_288 = tpu.vector_load %arg7[%get3A_286, %get3A_287] {strides = array<i32>} : memref<256x128xf32, #tpu.memory_space<vmem>>, vector<16xf32>,
      %add3A_289 = arith.constant 80 : i32
      %add3A_290 = vector.broadcast %add3A_289 : i32 to vector<16xi32>
      %add3A_291 = arith.addi %iota3A, %add3A_290 : vector<16xi32>
      tpu.vector_store_idx %arg10[%gather3A_112, %add3A_291], %get3A_288 {add = true} : memref<128x128xf32, #tpu.memory_space<vmem>>[vector<16xi32>, vector<16xi32>], vector<16xf32>,
      %mul3A_292 = arith.mulf %get3A_288, %get3A_288 : vector<16xf32>
      %add3A_293 = arith.addf %add3A_285, %mul3A_292 : vector<16xf32>
      %get3A_294 = arith.index_cast %add3A_103 : i32 to index
      %get3A_295 = arith.constant 80 : index
      %get3A_296 = tpu.vector_load %arg7[%get3A_294, %get3A_295] {strides = array<i32>} : memref<256x128xf32, #tpu.memory_space<vmem>>, vector<16xf32>,
      %add3A_297 = arith.constant 80 : i32
      %add3A_298 = vector.broadcast %add3A_297 : i32 to vector<16xi32>
      %add3A_299 = arith.addi %iota3A, %add3A_298 : vector<16xi32>
      tpu.vector_store_idx %arg9[%gather3A_115, %add3A_299], %get3A_296 {add = true} : memref<128x128xf32, #tpu.memory_space<vmem>>[vector<16xi32>, vector<16xi32>], vector<16xf32>,
      %mul3A_300 = arith.mulf %get3A_296, %get3A_296 : vector<16xf32>
      %add3A_301 = arith.addf %add3A_293, %mul3A_300 : vector<16xf32>
      %get3A_302 = arith.index_cast %add3A_107 : i32 to index
      %get3A_303 = arith.constant 80 : index
      %get3A_304 = tpu.vector_load %arg7[%get3A_302, %get3A_303] {strides = array<i32>} : memref<256x128xf32, #tpu.memory_space<vmem>>, vector<16xf32>,
      %add3A_305 = arith.constant 80 : i32
      %add3A_306 = vector.broadcast %add3A_305 : i32 to vector<16xi32>
      %add3A_307 = arith.addi %iota3A, %add3A_306 : vector<16xi32>
      tpu.vector_store_idx %arg10[%gather3A_118, %add3A_307], %get3A_304 {add = true} : memref<128x128xf32, #tpu.memory_space<vmem>>[vector<16xi32>, vector<16xi32>], vector<16xf32>,
      %mul3A_308 = arith.mulf %get3A_304, %get3A_304 : vector<16xf32>
      %add3A_309 = arith.addf %add3A_301, %mul3A_308 : vector<16xf32>
      %get3A_310 = arith.index_cast %add3A_95 : i32 to index
      %get3A_311 = arith.constant 96 : index
      %get3A_312 = tpu.vector_load %arg7[%get3A_310, %get3A_311] {strides = array<i32>} : memref<256x128xf32, #tpu.memory_space<vmem>>, vector<16xf32>,
      %add3A_313 = arith.constant 96 : i32
      %add3A_314 = vector.broadcast %add3A_313 : i32 to vector<16xi32>
      %add3A_315 = arith.addi %iota3A, %add3A_314 : vector<16xi32>
      tpu.vector_store_idx %arg9[%gather3A, %add3A_315], %get3A_312 {add = true} : memref<128x128xf32, #tpu.memory_space<vmem>>[vector<16xi32>, vector<16xi32>], vector<16xf32>,
      %mul3A_316 = arith.mulf %get3A_312, %get3A_312 : vector<16xf32>
      %add3A_317 = arith.addf %scan3A_88, %mul3A_316 : vector<16xf32>
      %get3A_318 = arith.index_cast %add3A_99 : i32 to index
      %get3A_319 = arith.constant 96 : index
      %get3A_320 = tpu.vector_load %arg7[%get3A_318, %get3A_319] {strides = array<i32>} : memref<256x128xf32, #tpu.memory_space<vmem>>, vector<16xf32>,
      %add3A_321 = arith.constant 96 : i32
      %add3A_322 = vector.broadcast %add3A_321 : i32 to vector<16xi32>
      %add3A_323 = arith.addi %iota3A, %add3A_322 : vector<16xi32>
      tpu.vector_store_idx %arg10[%gather3A_112, %add3A_323], %get3A_320 {add = true} : memref<128x128xf32, #tpu.memory_space<vmem>>[vector<16xi32>, vector<16xi32>], vector<16xf32>,
      %mul3A_324 = arith.mulf %get3A_320, %get3A_320 : vector<16xf32>
      %add3A_325 = arith.addf %add3A_317, %mul3A_324 : vector<16xf32>
      %get3A_326 = arith.index_cast %add3A_103 : i32 to index
      %get3A_327 = arith.constant 96 : index
      %get3A_328 = tpu.vector_load %arg7[%get3A_326, %get3A_327] {strides = array<i32>} : memref<256x128xf32, #tpu.memory_space<vmem>>, vector<16xf32>,
      %add3A_329 = arith.constant 96 : i32
      %add3A_330 = vector.broadcast %add3A_329 : i32 to vector<16xi32>
      %add3A_331 = arith.addi %iota3A, %add3A_330 : vector<16xi32>
      tpu.vector_store_idx %arg9[%gather3A_115, %add3A_331], %get3A_328 {add = true} : memref<128x128xf32, #tpu.memory_space<vmem>>[vector<16xi32>, vector<16xi32>], vector<16xf32>,
      %mul3A_332 = arith.mulf %get3A_328, %get3A_328 : vector<16xf32>
      %add3A_333 = arith.addf %add3A_325, %mul3A_332 : vector<16xf32>
      %get3A_334 = arith.index_cast %add3A_107 : i32 to index
      %get3A_335 = arith.constant 96 : index
      %get3A_336 = tpu.vector_load %arg7[%get3A_334, %get3A_335] {strides = array<i32>} : memref<256x128xf32, #tpu.memory_space<vmem>>, vector<16xf32>,
      %add3A_337 = arith.constant 96 : i32
      %add3A_338 = vector.broadcast %add3A_337 : i32 to vector<16xi32>
      %add3A_339 = arith.addi %iota3A, %add3A_338 : vector<16xi32>
      tpu.vector_store_idx %arg10[%gather3A_118, %add3A_339], %get3A_336 {add = true} : memref<128x128xf32, #tpu.memory_space<vmem>>[vector<16xi32>, vector<16xi32>], vector<16xf32>,
      %mul3A_340 = arith.mulf %get3A_336, %get3A_336 : vector<16xf32>
      %add3A_341 = arith.addf %add3A_333, %mul3A_340 : vector<16xf32>
      %get3A_342 = arith.index_cast %add3A_95 : i32 to index
      %get3A_343 = arith.constant 112 : index
      %get3A_344 = tpu.vector_load %arg7[%get3A_342, %get3A_343] {strides = array<i32>} : memref<256x128xf32, #tpu.memory_space<vmem>>, vector<16xf32>,
      %add3A_345 = arith.constant 112 : i32
      %add3A_346 = vector.broadcast %add3A_345 : i32 to vector<16xi32>
      %add3A_347 = arith.addi %iota3A, %add3A_346 : vector<16xi32>
      tpu.vector_store_idx %arg9[%gather3A, %add3A_347], %get3A_344 {add = true} : memref<128x128xf32, #tpu.memory_space<vmem>>[vector<16xi32>, vector<16xi32>], vector<16xf32>,
      %mul3A_348 = arith.mulf %get3A_344, %get3A_344 : vector<16xf32>
      %add3A_349 = arith.addf %scan3A_89, %mul3A_348 : vector<16xf32>
      %get3A_350 = arith.index_cast %add3A_99 : i32 to index
      %get3A_351 = arith.constant 112 : index
      %get3A_352 = tpu.vector_load %arg7[%get3A_350, %get3A_351] {strides = array<i32>} : memref<256x128xf32, #tpu.memory_space<vmem>>, vector<16xf32>,
      %add3A_353 = arith.constant 112 : i32
      %add3A_354 = vector.broadcast %add3A_353 : i32 to vector<16xi32>
      %add3A_355 = arith.addi %iota3A, %add3A_354 : vector<16xi32>
      tpu.vector_store_idx %arg10[%gather3A_112, %add3A_355], %get3A_352 {add = true} : memref<128x128xf32, #tpu.memory_space<vmem>>[vector<16xi32>, vector<16xi32>], vector<16xf32>,
      %mul3A_356 = arith.mulf %get3A_352, %get3A_352 : vector<16xf32>
      %add3A_357 = arith.addf %add3A_349, %mul3A_356 : vector<16xf32>
      %get3A_358 = arith.index_cast %add3A_103 : i32 to index
      %get3A_359 = arith.constant 112 : index
      %get3A_360 = tpu.vector_load %arg7[%get3A_358, %get3A_359] {strides = array<i32>} : memref<256x128xf32, #tpu.memory_space<vmem>>, vector<16xf32>,
      %add3A_361 = arith.constant 112 : i32
      %add3A_362 = vector.broadcast %add3A_361 : i32 to vector<16xi32>
      %add3A_363 = arith.addi %iota3A, %add3A_362 : vector<16xi32>
      tpu.vector_store_idx %arg9[%gather3A_115, %add3A_363], %get3A_360 {add = true} : memref<128x128xf32, #tpu.memory_space<vmem>>[vector<16xi32>, vector<16xi32>], vector<16xf32>,
      %mul3A_364 = arith.mulf %get3A_360, %get3A_360 : vector<16xf32>
      %add3A_365 = arith.addf %add3A_357, %mul3A_364 : vector<16xf32>
      %get3A_366 = arith.index_cast %add3A_107 : i32 to index
      %get3A_367 = arith.constant 112 : index
      %get3A_368 = tpu.vector_load %arg7[%get3A_366, %get3A_367] {strides = array<i32>} : memref<256x128xf32, #tpu.memory_space<vmem>>, vector<16xf32>,
      %add3A_369 = arith.constant 112 : i32
      %add3A_370 = vector.broadcast %add3A_369 : i32 to vector<16xi32>
      %add3A_371 = arith.addi %iota3A, %add3A_370 : vector<16xi32>
      tpu.vector_store_idx %arg10[%gather3A_118, %add3A_371], %get3A_368 {add = true} : memref<128x128xf32, #tpu.memory_space<vmem>>[vector<16xi32>, vector<16xi32>], vector<16xf32>,
      %mul3A_372 = arith.mulf %get3A_368, %get3A_368 : vector<16xf32>
      %add3A_373 = arith.addf %add3A_365, %mul3A_372 : vector<16xf32>
      scf.yield %add3A_149, %add3A_181, %add3A_213, %add3A_245, %add3A_277, %add3A_309, %add3A_341, %add3A_373 : vector<16xf32>, vector<16xf32>, vector<16xf32>, vector<16xf32>, vector<16xf32>, vector<16xf32>, vector<16xf32>, vector<16xf32>
    }
    %scan3A_56 = arith.constant 64 : i32
    %dma_wait3A_57 = tpu.memref_slice %arg2[%add3A_48, %mul3A_34] : memref<4096x512xf32, #tpu.memory_space<hbm>> -> memref<256x128xf32, #tpu.memory_space<hbm>>
    %dma_wait3A_58 = tpu.memref_slice %arg2[%add3A_48, %mul3A_34] : memref<4096x512xf32, #tpu.memory_space<hbm>> -> memref<256x128xf32, #tpu.memory_space<hbm>>
    tpu.wait_dma2 semaphore(%arg14 : memref<!tpu.dma_semaphore, #tpu.memory_space<semaphore_mem>>) src(%dma_wait3A_58 : memref<256x128xf32, #tpu.memory_space<hbm>>) dst(%arg8 : memref<256x128xf32, #tpu.memory_space<vmem>>)
    %scan3A_59 = arith.constant 0 : i32
    %scan3A_60 = arith.constant 64 : i32
    %scan3A_61 = arith.addi %scan3A_59, %scan3A_60 : i32
    %scan3A_62 = arith.constant 1 : i32
    %scan3A_63:8 = scf.for %scan3A_81 = %scan3A_59 to %scan3A_61 step %scan3A_62 iter_args(%scan3A_82 = %scan3A_55#0, %scan3A_83 = %scan3A_55#1, %scan3A_84 = %scan3A_55#2, %scan3A_85 = %scan3A_55#3, %scan3A_86 = %scan3A_55#4, %scan3A_87 = %scan3A_55#5, %scan3A_88 = %scan3A_55#6, %scan3A_89 = %scan3A_55#7) -> (vector<16xf32>, vector<16xf32>, vector<16xf32>, vector<16xf32>, vector<16xf32>, vector<16xf32>, vector<16xf32>, vector<16xf32>)  : i32 {
      %broadcast_in_dim3A_90 = arith.constant 256 : i32
      %broadcast_in_dim3A_91 = vector.broadcast %broadcast_in_dim3A_90 : i32 to vector<16xi32>
      %mul3A_92 = arith.constant 4 : i32
      %mul3A_93 = arith.muli %mul3A_92, %scan3A_81 : i32
      %add3A_94 = arith.constant 0 : i32
      %add3A_95 = arith.addi %mul3A_93, %add3A_94 : i32
      %mul3A_96 = arith.constant 4 : i32
      %mul3A_97 = arith.muli %mul3A_96, %scan3A_81 : i32
      %add3A_98 = arith.constant 1 : i32
      %add3A_99 = arith.addi %mul3A_97, %add3A_98 : i32
      %mul3A_100 = arith.constant 4 : i32
      %mul3A_101 = arith.muli %mul3A_100, %scan3A_81 : i32
      %add3A_102 = arith.constant 2 : i32
      %add3A_103 = arith.addi %mul3A_101, %add3A_102 : i32
      %mul3A_104 = arith.constant 4 : i32
      %mul3A_105 = arith.muli %mul3A_104, %scan3A_81 : i32
      %add3A_106 = arith.constant 3 : i32
      %add3A_107 = arith.addi %mul3A_105, %add3A_106 : i32
      %add3A_108 = vector.broadcast %add3A_95 : i32 to vector<16xi32>
      %add3A_109 = arith.addi %broadcast_in_dim3A_91, %add3A_108 : vector<16xi32>
      %gather3A = tpu.vector_load_idx %arg6[%add3A_109] : memref<512xi32, #tpu.memory_space<vmem>>[vector<16xi32>], vector<16xi32>,
      %add3A_110 = vector.broadcast %add3A_99 : i32 to vector<16xi32>
      %add3A_111 = arith.addi %broadcast_in_dim3A_91, %add3A_110 : vector<16xi32>
      %gather3A_112 = tpu.vector_load_idx %arg6[%add3A_111] : memref<512xi32, #tpu.memory_space<vmem>>[vector<16xi32>], vector<16xi32>,
      %add3A_113 = vector.broadcast %add3A_103 : i32 to vector<16xi32>
      %add3A_114 = arith.addi %broadcast_in_dim3A_91, %add3A_113 : vector<16xi32>
      %gather3A_115 = tpu.vector_load_idx %arg6[%add3A_114] : memref<512xi32, #tpu.memory_space<vmem>>[vector<16xi32>], vector<16xi32>,
      %add3A_116 = vector.broadcast %add3A_107 : i32 to vector<16xi32>
      %add3A_117 = arith.addi %broadcast_in_dim3A_91, %add3A_116 : vector<16xi32>
      %gather3A_118 = tpu.vector_load_idx %arg6[%add3A_117] : memref<512xi32, #tpu.memory_space<vmem>>[vector<16xi32>], vector<16xi32>,
      %get3A = arith.index_cast %add3A_95 : i32 to index
      %get3A_119 = arith.constant 0 : index
      %get3A_120 = tpu.vector_load %arg8[%get3A, %get3A_119] {strides = array<i32>} : memref<256x128xf32, #tpu.memory_space<vmem>>, vector<16xf32>,
      %add3A_121 = arith.constant 0 : i32
      %add3A_122 = vector.broadcast %add3A_121 : i32 to vector<16xi32>
      %add3A_123 = arith.addi %iota3A, %add3A_122 : vector<16xi32>
      tpu.vector_store_idx %arg9[%gather3A, %add3A_123], %get3A_120 {add = true} : memref<128x128xf32, #tpu.memory_space<vmem>>[vector<16xi32>, vector<16xi32>], vector<16xf32>,
      %mul3A_124 = arith.mulf %get3A_120, %get3A_120 : vector<16xf32>
      %add3A_125 = arith.addf %scan3A_82, %mul3A_124 : vector<16xf32>
      %get3A_126 = arith.index_cast %add3A_99 : i32 to index
      %get3A_127 = arith.constant 0 : index
      %get3A_128 = tpu.vector_load %arg8[%get3A_126, %get3A_127] {strides = array<i32>} : memref<256x128xf32, #tpu.memory_space<vmem>>, vector<16xf32>,
      %add3A_129 = arith.constant 0 : i32
      %add3A_130 = vector.broadcast %add3A_129 : i32 to vector<16xi32>
      %add3A_131 = arith.addi %iota3A, %add3A_130 : vector<16xi32>
      tpu.vector_store_idx %arg10[%gather3A_112, %add3A_131], %get3A_128 {add = true} : memref<128x128xf32, #tpu.memory_space<vmem>>[vector<16xi32>, vector<16xi32>], vector<16xf32>,
      %mul3A_132 = arith.mulf %get3A_128, %get3A_128 : vector<16xf32>
      %add3A_133 = arith.addf %add3A_125, %mul3A_132 : vector<16xf32>
      %get3A_134 = arith.index_cast %add3A_103 : i32 to index
      %get3A_135 = arith.constant 0 : index
      %get3A_136 = tpu.vector_load %arg8[%get3A_134, %get3A_135] {strides = array<i32>} : memref<256x128xf32, #tpu.memory_space<vmem>>, vector<16xf32>,
      %add3A_137 = arith.constant 0 : i32
      %add3A_138 = vector.broadcast %add3A_137 : i32 to vector<16xi32>
      %add3A_139 = arith.addi %iota3A, %add3A_138 : vector<16xi32>
      tpu.vector_store_idx %arg9[%gather3A_115, %add3A_139], %get3A_136 {add = true} : memref<128x128xf32, #tpu.memory_space<vmem>>[vector<16xi32>, vector<16xi32>], vector<16xf32>,
      %mul3A_140 = arith.mulf %get3A_136, %get3A_136 : vector<16xf32>
      %add3A_141 = arith.addf %add3A_133, %mul3A_140 : vector<16xf32>
      %get3A_142 = arith.index_cast %add3A_107 : i32 to index
      %get3A_143 = arith.constant 0 : index
      %get3A_144 = tpu.vector_load %arg8[%get3A_142, %get3A_143] {strides = array<i32>} : memref<256x128xf32, #tpu.memory_space<vmem>>, vector<16xf32>,
      %add3A_145 = arith.constant 0 : i32
      %add3A_146 = vector.broadcast %add3A_145 : i32 to vector<16xi32>
      %add3A_147 = arith.addi %iota3A, %add3A_146 : vector<16xi32>
      tpu.vector_store_idx %arg10[%gather3A_118, %add3A_147], %get3A_144 {add = true} : memref<128x128xf32, #tpu.memory_space<vmem>>[vector<16xi32>, vector<16xi32>], vector<16xf32>,
      %mul3A_148 = arith.mulf %get3A_144, %get3A_144 : vector<16xf32>
      %add3A_149 = arith.addf %add3A_141, %mul3A_148 : vector<16xf32>
      %get3A_150 = arith.index_cast %add3A_95 : i32 to index
      %get3A_151 = arith.constant 16 : index
      %get3A_152 = tpu.vector_load %arg8[%get3A_150, %get3A_151] {strides = array<i32>} : memref<256x128xf32, #tpu.memory_space<vmem>>, vector<16xf32>,
      %add3A_153 = arith.constant 16 : i32
      %add3A_154 = vector.broadcast %add3A_153 : i32 to vector<16xi32>
      %add3A_155 = arith.addi %iota3A, %add3A_154 : vector<16xi32>
      tpu.vector_store_idx %arg9[%gather3A, %add3A_155], %get3A_152 {add = true} : memref<128x128xf32, #tpu.memory_space<vmem>>[vector<16xi32>, vector<16xi32>], vector<16xf32>,
      %mul3A_156 = arith.mulf %get3A_152, %get3A_152 : vector<16xf32>
      %add3A_157 = arith.addf %scan3A_83, %mul3A_156 : vector<16xf32>
      %get3A_158 = arith.index_cast %add3A_99 : i32 to index
      %get3A_159 = arith.constant 16 : index
      %get3A_160 = tpu.vector_load %arg8[%get3A_158, %get3A_159] {strides = array<i32>} : memref<256x128xf32, #tpu.memory_space<vmem>>, vector<16xf32>,
      %add3A_161 = arith.constant 16 : i32
      %add3A_162 = vector.broadcast %add3A_161 : i32 to vector<16xi32>
      %add3A_163 = arith.addi %iota3A, %add3A_162 : vector<16xi32>
      tpu.vector_store_idx %arg10[%gather3A_112, %add3A_163], %get3A_160 {add = true} : memref<128x128xf32, #tpu.memory_space<vmem>>[vector<16xi32>, vector<16xi32>], vector<16xf32>,
      %mul3A_164 = arith.mulf %get3A_160, %get3A_160 : vector<16xf32>
      %add3A_165 = arith.addf %add3A_157, %mul3A_164 : vector<16xf32>
      %get3A_166 = arith.index_cast %add3A_103 : i32 to index
      %get3A_167 = arith.constant 16 : index
      %get3A_168 = tpu.vector_load %arg8[%get3A_166, %get3A_167] {strides = array<i32>} : memref<256x128xf32, #tpu.memory_space<vmem>>, vector<16xf32>,
      %add3A_169 = arith.constant 16 : i32
      %add3A_170 = vector.broadcast %add3A_169 : i32 to vector<16xi32>
      %add3A_171 = arith.addi %iota3A, %add3A_170 : vector<16xi32>
      tpu.vector_store_idx %arg9[%gather3A_115, %add3A_171], %get3A_168 {add = true} : memref<128x128xf32, #tpu.memory_space<vmem>>[vector<16xi32>, vector<16xi32>], vector<16xf32>,
      %mul3A_172 = arith.mulf %get3A_168, %get3A_168 : vector<16xf32>
      %add3A_173 = arith.addf %add3A_165, %mul3A_172 : vector<16xf32>
      %get3A_174 = arith.index_cast %add3A_107 : i32 to index
      %get3A_175 = arith.constant 16 : index
      %get3A_176 = tpu.vector_load %arg8[%get3A_174, %get3A_175] {strides = array<i32>} : memref<256x128xf32, #tpu.memory_space<vmem>>, vector<16xf32>,
      %add3A_177 = arith.constant 16 : i32
      %add3A_178 = vector.broadcast %add3A_177 : i32 to vector<16xi32>
      %add3A_179 = arith.addi %iota3A, %add3A_178 : vector<16xi32>
      tpu.vector_store_idx %arg10[%gather3A_118, %add3A_179], %get3A_176 {add = true} : memref<128x128xf32, #tpu.memory_space<vmem>>[vector<16xi32>, vector<16xi32>], vector<16xf32>,
      %mul3A_180 = arith.mulf %get3A_176, %get3A_176 : vector<16xf32>
      %add3A_181 = arith.addf %add3A_173, %mul3A_180 : vector<16xf32>
      %get3A_182 = arith.index_cast %add3A_95 : i32 to index
      %get3A_183 = arith.constant 32 : index
      %get3A_184 = tpu.vector_load %arg8[%get3A_182, %get3A_183] {strides = array<i32>} : memref<256x128xf32, #tpu.memory_space<vmem>>, vector<16xf32>,
      %add3A_185 = arith.constant 32 : i32
      %add3A_186 = vector.broadcast %add3A_185 : i32 to vector<16xi32>
      %add3A_187 = arith.addi %iota3A, %add3A_186 : vector<16xi32>
      tpu.vector_store_idx %arg9[%gather3A, %add3A_187], %get3A_184 {add = true} : memref<128x128xf32, #tpu.memory_space<vmem>>[vector<16xi32>, vector<16xi32>], vector<16xf32>,
      %mul3A_188 = arith.mulf %get3A_184, %get3A_184 : vector<16xf32>
      %add3A_189 = arith.addf %scan3A_84, %mul3A_188 : vector<16xf32>
      %get3A_190 = arith.index_cast %add3A_99 : i32 to index
      %get3A_191 = arith.constant 32 : index
      %get3A_192 = tpu.vector_load %arg8[%get3A_190, %get3A_191] {strides = array<i32>} : memref<256x128xf32, #tpu.memory_space<vmem>>, vector<16xf32>,
      %add3A_193 = arith.constant 32 : i32
      %add3A_194 = vector.broadcast %add3A_193 : i32 to vector<16xi32>
      %add3A_195 = arith.addi %iota3A, %add3A_194 : vector<16xi32>
      tpu.vector_store_idx %arg10[%gather3A_112, %add3A_195], %get3A_192 {add = true} : memref<128x128xf32, #tpu.memory_space<vmem>>[vector<16xi32>, vector<16xi32>], vector<16xf32>,
      %mul3A_196 = arith.mulf %get3A_192, %get3A_192 : vector<16xf32>
      %add3A_197 = arith.addf %add3A_189, %mul3A_196 : vector<16xf32>
      %get3A_198 = arith.index_cast %add3A_103 : i32 to index
      %get3A_199 = arith.constant 32 : index
      %get3A_200 = tpu.vector_load %arg8[%get3A_198, %get3A_199] {strides = array<i32>} : memref<256x128xf32, #tpu.memory_space<vmem>>, vector<16xf32>,
      %add3A_201 = arith.constant 32 : i32
      %add3A_202 = vector.broadcast %add3A_201 : i32 to vector<16xi32>
      %add3A_203 = arith.addi %iota3A, %add3A_202 : vector<16xi32>
      tpu.vector_store_idx %arg9[%gather3A_115, %add3A_203], %get3A_200 {add = true} : memref<128x128xf32, #tpu.memory_space<vmem>>[vector<16xi32>, vector<16xi32>], vector<16xf32>,
      %mul3A_204 = arith.mulf %get3A_200, %get3A_200 : vector<16xf32>
      %add3A_205 = arith.addf %add3A_197, %mul3A_204 : vector<16xf32>
      %get3A_206 = arith.index_cast %add3A_107 : i32 to index
      %get3A_207 = arith.constant 32 : index
      %get3A_208 = tpu.vector_load %arg8[%get3A_206, %get3A_207] {strides = array<i32>} : memref<256x128xf32, #tpu.memory_space<vmem>>, vector<16xf32>,
      %add3A_209 = arith.constant 32 : i32
      %add3A_210 = vector.broadcast %add3A_209 : i32 to vector<16xi32>
      %add3A_211 = arith.addi %iota3A, %add3A_210 : vector<16xi32>
      tpu.vector_store_idx %arg10[%gather3A_118, %add3A_211], %get3A_208 {add = true} : memref<128x128xf32, #tpu.memory_space<vmem>>[vector<16xi32>, vector<16xi32>], vector<16xf32>,
      %mul3A_212 = arith.mulf %get3A_208, %get3A_208 : vector<16xf32>
      %add3A_213 = arith.addf %add3A_205, %mul3A_212 : vector<16xf32>
      %get3A_214 = arith.index_cast %add3A_95 : i32 to index
      %get3A_215 = arith.constant 48 : index
      %get3A_216 = tpu.vector_load %arg8[%get3A_214, %get3A_215] {strides = array<i32>} : memref<256x128xf32, #tpu.memory_space<vmem>>, vector<16xf32>,
      %add3A_217 = arith.constant 48 : i32
      %add3A_218 = vector.broadcast %add3A_217 : i32 to vector<16xi32>
      %add3A_219 = arith.addi %iota3A, %add3A_218 : vector<16xi32>
      tpu.vector_store_idx %arg9[%gather3A, %add3A_219], %get3A_216 {add = true} : memref<128x128xf32, #tpu.memory_space<vmem>>[vector<16xi32>, vector<16xi32>], vector<16xf32>,
      %mul3A_220 = arith.mulf %get3A_216, %get3A_216 : vector<16xf32>
      %add3A_221 = arith.addf %scan3A_85, %mul3A_220 : vector<16xf32>
      %get3A_222 = arith.index_cast %add3A_99 : i32 to index
      %get3A_223 = arith.constant 48 : index
      %get3A_224 = tpu.vector_load %arg8[%get3A_222, %get3A_223] {strides = array<i32>} : memref<256x128xf32, #tpu.memory_space<vmem>>, vector<16xf32>,
      %add3A_225 = arith.constant 48 : i32
      %add3A_226 = vector.broadcast %add3A_225 : i32 to vector<16xi32>
      %add3A_227 = arith.addi %iota3A, %add3A_226 : vector<16xi32>
      tpu.vector_store_idx %arg10[%gather3A_112, %add3A_227], %get3A_224 {add = true} : memref<128x128xf32, #tpu.memory_space<vmem>>[vector<16xi32>, vector<16xi32>], vector<16xf32>,
      %mul3A_228 = arith.mulf %get3A_224, %get3A_224 : vector<16xf32>
      %add3A_229 = arith.addf %add3A_221, %mul3A_228 : vector<16xf32>
      %get3A_230 = arith.index_cast %add3A_103 : i32 to index
      %get3A_231 = arith.constant 48 : index
      %get3A_232 = tpu.vector_load %arg8[%get3A_230, %get3A_231] {strides = array<i32>} : memref<256x128xf32, #tpu.memory_space<vmem>>, vector<16xf32>,
      %add3A_233 = arith.constant 48 : i32
      %add3A_234 = vector.broadcast %add3A_233 : i32 to vector<16xi32>
      %add3A_235 = arith.addi %iota3A, %add3A_234 : vector<16xi32>
      tpu.vector_store_idx %arg9[%gather3A_115, %add3A_235], %get3A_232 {add = true} : memref<128x128xf32, #tpu.memory_space<vmem>>[vector<16xi32>, vector<16xi32>], vector<16xf32>,
      %mul3A_236 = arith.mulf %get3A_232, %get3A_232 : vector<16xf32>
      %add3A_237 = arith.addf %add3A_229, %mul3A_236 : vector<16xf32>
      %get3A_238 = arith.index_cast %add3A_107 : i32 to index
      %get3A_239 = arith.constant 48 : index
      %get3A_240 = tpu.vector_load %arg8[%get3A_238, %get3A_239] {strides = array<i32>} : memref<256x128xf32, #tpu.memory_space<vmem>>, vector<16xf32>,
      %add3A_241 = arith.constant 48 : i32
      %add3A_242 = vector.broadcast %add3A_241 : i32 to vector<16xi32>
      %add3A_243 = arith.addi %iota3A, %add3A_242 : vector<16xi32>
      tpu.vector_store_idx %arg10[%gather3A_118, %add3A_243], %get3A_240 {add = true} : memref<128x128xf32, #tpu.memory_space<vmem>>[vector<16xi32>, vector<16xi32>], vector<16xf32>,
      %mul3A_244 = arith.mulf %get3A_240, %get3A_240 : vector<16xf32>
      %add3A_245 = arith.addf %add3A_237, %mul3A_244 : vector<16xf32>
      %get3A_246 = arith.index_cast %add3A_95 : i32 to index
      %get3A_247 = arith.constant 64 : index
      %get3A_248 = tpu.vector_load %arg8[%get3A_246, %get3A_247] {strides = array<i32>} : memref<256x128xf32, #tpu.memory_space<vmem>>, vector<16xf32>,
      %add3A_249 = arith.constant 64 : i32
      %add3A_250 = vector.broadcast %add3A_249 : i32 to vector<16xi32>
      %add3A_251 = arith.addi %iota3A, %add3A_250 : vector<16xi32>
      tpu.vector_store_idx %arg9[%gather3A, %add3A_251], %get3A_248 {add = true} : memref<128x128xf32, #tpu.memory_space<vmem>>[vector<16xi32>, vector<16xi32>], vector<16xf32>,
      %mul3A_252 = arith.mulf %get3A_248, %get3A_248 : vector<16xf32>
      %add3A_253 = arith.addf %scan3A_86, %mul3A_252 : vector<16xf32>
      %get3A_254 = arith.index_cast %add3A_99 : i32 to index
      %get3A_255 = arith.constant 64 : index
      %get3A_256 = tpu.vector_load %arg8[%get3A_254, %get3A_255] {strides = array<i32>} : memref<256x128xf32, #tpu.memory_space<vmem>>, vector<16xf32>,
      %add3A_257 = arith.constant 64 : i32
      %add3A_258 = vector.broadcast %add3A_257 : i32 to vector<16xi32>
      %add3A_259 = arith.addi %iota3A, %add3A_258 : vector<16xi32>
      tpu.vector_store_idx %arg10[%gather3A_112, %add3A_259], %get3A_256 {add = true} : memref<128x128xf32, #tpu.memory_space<vmem>>[vector<16xi32>, vector<16xi32>], vector<16xf32>,
      %mul3A_260 = arith.mulf %get3A_256, %get3A_256 : vector<16xf32>
      %add3A_261 = arith.addf %add3A_253, %mul3A_260 : vector<16xf32>
      %get3A_262 = arith.index_cast %add3A_103 : i32 to index
      %get3A_263 = arith.constant 64 : index
      %get3A_264 = tpu.vector_load %arg8[%get3A_262, %get3A_263] {strides = array<i32>} : memref<256x128xf32, #tpu.memory_space<vmem>>, vector<16xf32>,
      %add3A_265 = arith.constant 64 : i32
      %add3A_266 = vector.broadcast %add3A_265 : i32 to vector<16xi32>
      %add3A_267 = arith.addi %iota3A, %add3A_266 : vector<16xi32>
      tpu.vector_store_idx %arg9[%gather3A_115, %add3A_267], %get3A_264 {add = true} : memref<128x128xf32, #tpu.memory_space<vmem>>[vector<16xi32>, vector<16xi32>], vector<16xf32>,
      %mul3A_268 = arith.mulf %get3A_264, %get3A_264 : vector<16xf32>
      %add3A_269 = arith.addf %add3A_261, %mul3A_268 : vector<16xf32>
      %get3A_270 = arith.index_cast %add3A_107 : i32 to index
      %get3A_271 = arith.constant 64 : index
      %get3A_272 = tpu.vector_load %arg8[%get3A_270, %get3A_271] {strides = array<i32>} : memref<256x128xf32, #tpu.memory_space<vmem>>, vector<16xf32>,
      %add3A_273 = arith.constant 64 : i32
      %add3A_274 = vector.broadcast %add3A_273 : i32 to vector<16xi32>
      %add3A_275 = arith.addi %iota3A, %add3A_274 : vector<16xi32>
      tpu.vector_store_idx %arg10[%gather3A_118, %add3A_275], %get3A_272 {add = true} : memref<128x128xf32, #tpu.memory_space<vmem>>[vector<16xi32>, vector<16xi32>], vector<16xf32>,
      %mul3A_276 = arith.mulf %get3A_272, %get3A_272 : vector<16xf32>
      %add3A_277 = arith.addf %add3A_269, %mul3A_276 : vector<16xf32>
      %get3A_278 = arith.index_cast %add3A_95 : i32 to index
      %get3A_279 = arith.constant 80 : index
      %get3A_280 = tpu.vector_load %arg8[%get3A_278, %get3A_279] {strides = array<i32>} : memref<256x128xf32, #tpu.memory_space<vmem>>, vector<16xf32>,
      %add3A_281 = arith.constant 80 : i32
      %add3A_282 = vector.broadcast %add3A_281 : i32 to vector<16xi32>
      %add3A_283 = arith.addi %iota3A, %add3A_282 : vector<16xi32>
      tpu.vector_store_idx %arg9[%gather3A, %add3A_283], %get3A_280 {add = true} : memref<128x128xf32, #tpu.memory_space<vmem>>[vector<16xi32>, vector<16xi32>], vector<16xf32>,
      %mul3A_284 = arith.mulf %get3A_280, %get3A_280 : vector<16xf32>
      %add3A_285 = arith.addf %scan3A_87, %mul3A_284 : vector<16xf32>
      %get3A_286 = arith.index_cast %add3A_99 : i32 to index
      %get3A_287 = arith.constant 80 : index
      %get3A_288 = tpu.vector_load %arg8[%get3A_286, %get3A_287] {strides = array<i32>} : memref<256x128xf32, #tpu.memory_space<vmem>>, vector<16xf32>,
      %add3A_289 = arith.constant 80 : i32
      %add3A_290 = vector.broadcast %add3A_289 : i32 to vector<16xi32>
      %add3A_291 = arith.addi %iota3A, %add3A_290 : vector<16xi32>
      tpu.vector_store_idx %arg10[%gather3A_112, %add3A_291], %get3A_288 {add = true} : memref<128x128xf32, #tpu.memory_space<vmem>>[vector<16xi32>, vector<16xi32>], vector<16xf32>,
      %mul3A_292 = arith.mulf %get3A_288, %get3A_288 : vector<16xf32>
      %add3A_293 = arith.addf %add3A_285, %mul3A_292 : vector<16xf32>
      %get3A_294 = arith.index_cast %add3A_103 : i32 to index
      %get3A_295 = arith.constant 80 : index
      %get3A_296 = tpu.vector_load %arg8[%get3A_294, %get3A_295] {strides = array<i32>} : memref<256x128xf32, #tpu.memory_space<vmem>>, vector<16xf32>,
      %add3A_297 = arith.constant 80 : i32
      %add3A_298 = vector.broadcast %add3A_297 : i32 to vector<16xi32>
      %add3A_299 = arith.addi %iota3A, %add3A_298 : vector<16xi32>
      tpu.vector_store_idx %arg9[%gather3A_115, %add3A_299], %get3A_296 {add = true} : memref<128x128xf32, #tpu.memory_space<vmem>>[vector<16xi32>, vector<16xi32>], vector<16xf32>,
      %mul3A_300 = arith.mulf %get3A_296, %get3A_296 : vector<16xf32>
      %add3A_301 = arith.addf %add3A_293, %mul3A_300 : vector<16xf32>
      %get3A_302 = arith.index_cast %add3A_107 : i32 to index
      %get3A_303 = arith.constant 80 : index
      %get3A_304 = tpu.vector_load %arg8[%get3A_302, %get3A_303] {strides = array<i32>} : memref<256x128xf32, #tpu.memory_space<vmem>>, vector<16xf32>,
      %add3A_305 = arith.constant 80 : i32
      %add3A_306 = vector.broadcast %add3A_305 : i32 to vector<16xi32>
      %add3A_307 = arith.addi %iota3A, %add3A_306 : vector<16xi32>
      tpu.vector_store_idx %arg10[%gather3A_118, %add3A_307], %get3A_304 {add = true} : memref<128x128xf32, #tpu.memory_space<vmem>>[vector<16xi32>, vector<16xi32>], vector<16xf32>,
      %mul3A_308 = arith.mulf %get3A_304, %get3A_304 : vector<16xf32>
      %add3A_309 = arith.addf %add3A_301, %mul3A_308 : vector<16xf32>
      %get3A_310 = arith.index_cast %add3A_95 : i32 to index
      %get3A_311 = arith.constant 96 : index
      %get3A_312 = tpu.vector_load %arg8[%get3A_310, %get3A_311] {strides = array<i32>} : memref<256x128xf32, #tpu.memory_space<vmem>>, vector<16xf32>,
      %add3A_313 = arith.constant 96 : i32
      %add3A_314 = vector.broadcast %add3A_313 : i32 to vector<16xi32>
      %add3A_315 = arith.addi %iota3A, %add3A_314 : vector<16xi32>
      tpu.vector_store_idx %arg9[%gather3A, %add3A_315], %get3A_312 {add = true} : memref<128x128xf32, #tpu.memory_space<vmem>>[vector<16xi32>, vector<16xi32>], vector<16xf32>,
      %mul3A_316 = arith.mulf %get3A_312, %get3A_312 : vector<16xf32>
      %add3A_317 = arith.addf %scan3A_88, %mul3A_316 : vector<16xf32>
      %get3A_318 = arith.index_cast %add3A_99 : i32 to index
      %get3A_319 = arith.constant 96 : index
      %get3A_320 = tpu.vector_load %arg8[%get3A_318, %get3A_319] {strides = array<i32>} : memref<256x128xf32, #tpu.memory_space<vmem>>, vector<16xf32>,
      %add3A_321 = arith.constant 96 : i32
      %add3A_322 = vector.broadcast %add3A_321 : i32 to vector<16xi32>
      %add3A_323 = arith.addi %iota3A, %add3A_322 : vector<16xi32>
      tpu.vector_store_idx %arg10[%gather3A_112, %add3A_323], %get3A_320 {add = true} : memref<128x128xf32, #tpu.memory_space<vmem>>[vector<16xi32>, vector<16xi32>], vector<16xf32>,
      %mul3A_324 = arith.mulf %get3A_320, %get3A_320 : vector<16xf32>
      %add3A_325 = arith.addf %add3A_317, %mul3A_324 : vector<16xf32>
      %get3A_326 = arith.index_cast %add3A_103 : i32 to index
      %get3A_327 = arith.constant 96 : index
      %get3A_328 = tpu.vector_load %arg8[%get3A_326, %get3A_327] {strides = array<i32>} : memref<256x128xf32, #tpu.memory_space<vmem>>, vector<16xf32>,
      %add3A_329 = arith.constant 96 : i32
      %add3A_330 = vector.broadcast %add3A_329 : i32 to vector<16xi32>
      %add3A_331 = arith.addi %iota3A, %add3A_330 : vector<16xi32>
      tpu.vector_store_idx %arg9[%gather3A_115, %add3A_331], %get3A_328 {add = true} : memref<128x128xf32, #tpu.memory_space<vmem>>[vector<16xi32>, vector<16xi32>], vector<16xf32>,
      %mul3A_332 = arith.mulf %get3A_328, %get3A_328 : vector<16xf32>
      %add3A_333 = arith.addf %add3A_325, %mul3A_332 : vector<16xf32>
      %get3A_334 = arith.index_cast %add3A_107 : i32 to index
      %get3A_335 = arith.constant 96 : index
      %get3A_336 = tpu.vector_load %arg8[%get3A_334, %get3A_335] {strides = array<i32>} : memref<256x128xf32, #tpu.memory_space<vmem>>, vector<16xf32>,
      %add3A_337 = arith.constant 96 : i32
      %add3A_338 = vector.broadcast %add3A_337 : i32 to vector<16xi32>
      %add3A_339 = arith.addi %iota3A, %add3A_338 : vector<16xi32>
      tpu.vector_store_idx %arg10[%gather3A_118, %add3A_339], %get3A_336 {add = true} : memref<128x128xf32, #tpu.memory_space<vmem>>[vector<16xi32>, vector<16xi32>], vector<16xf32>,
      %mul3A_340 = arith.mulf %get3A_336, %get3A_336 : vector<16xf32>
      %add3A_341 = arith.addf %add3A_333, %mul3A_340 : vector<16xf32>
      %get3A_342 = arith.index_cast %add3A_95 : i32 to index
      %get3A_343 = arith.constant 112 : index
      %get3A_344 = tpu.vector_load %arg8[%get3A_342, %get3A_343] {strides = array<i32>} : memref<256x128xf32, #tpu.memory_space<vmem>>, vector<16xf32>,
      %add3A_345 = arith.constant 112 : i32
      %add3A_346 = vector.broadcast %add3A_345 : i32 to vector<16xi32>
      %add3A_347 = arith.addi %iota3A, %add3A_346 : vector<16xi32>
      tpu.vector_store_idx %arg9[%gather3A, %add3A_347], %get3A_344 {add = true} : memref<128x128xf32, #tpu.memory_space<vmem>>[vector<16xi32>, vector<16xi32>], vector<16xf32>,
      %mul3A_348 = arith.mulf %get3A_344, %get3A_344 : vector<16xf32>
      %add3A_349 = arith.addf %scan3A_89, %mul3A_348 : vector<16xf32>
      %get3A_350 = arith.index_cast %add3A_99 : i32 to index
      %get3A_351 = arith.constant 112 : index
      %get3A_352 = tpu.vector_load %arg8[%get3A_350, %get3A_351] {strides = array<i32>} : memref<256x128xf32, #tpu.memory_space<vmem>>, vector<16xf32>,
      %add3A_353 = arith.constant 112 : i32
      %add3A_354 = vector.broadcast %add3A_353 : i32 to vector<16xi32>
      %add3A_355 = arith.addi %iota3A, %add3A_354 : vector<16xi32>
      tpu.vector_store_idx %arg10[%gather3A_112, %add3A_355], %get3A_352 {add = true} : memref<128x128xf32, #tpu.memory_space<vmem>>[vector<16xi32>, vector<16xi32>], vector<16xf32>,
      %mul3A_356 = arith.mulf %get3A_352, %get3A_352 : vector<16xf32>
      %add3A_357 = arith.addf %add3A_349, %mul3A_356 : vector<16xf32>
      %get3A_358 = arith.index_cast %add3A_103 : i32 to index
      %get3A_359 = arith.constant 112 : index
      %get3A_360 = tpu.vector_load %arg8[%get3A_358, %get3A_359] {strides = array<i32>} : memref<256x128xf32, #tpu.memory_space<vmem>>, vector<16xf32>,
      %add3A_361 = arith.constant 112 : i32
      %add3A_362 = vector.broadcast %add3A_361 : i32 to vector<16xi32>
      %add3A_363 = arith.addi %iota3A, %add3A_362 : vector<16xi32>
      tpu.vector_store_idx %arg9[%gather3A_115, %add3A_363], %get3A_360 {add = true} : memref<128x128xf32, #tpu.memory_space<vmem>>[vector<16xi32>, vector<16xi32>], vector<16xf32>,
      %mul3A_364 = arith.mulf %get3A_360, %get3A_360 : vector<16xf32>
      %add3A_365 = arith.addf %add3A_357, %mul3A_364 : vector<16xf32>
      %get3A_366 = arith.index_cast %add3A_107 : i32 to index
      %get3A_367 = arith.constant 112 : index
      %get3A_368 = tpu.vector_load %arg8[%get3A_366, %get3A_367] {strides = array<i32>} : memref<256x128xf32, #tpu.memory_space<vmem>>, vector<16xf32>,
      %add3A_369 = arith.constant 112 : i32
      %add3A_370 = vector.broadcast %add3A_369 : i32 to vector<16xi32>
      %add3A_371 = arith.addi %iota3A, %add3A_370 : vector<16xi32>
      tpu.vector_store_idx %arg10[%gather3A_118, %add3A_371], %get3A_368 {add = true} : memref<128x128xf32, #tpu.memory_space<vmem>>[vector<16xi32>, vector<16xi32>], vector<16xf32>,
      %mul3A_372 = arith.mulf %get3A_368, %get3A_368 : vector<16xf32>
      %add3A_373 = arith.addf %add3A_365, %mul3A_372 : vector<16xf32>
      scf.yield %add3A_149, %add3A_181, %add3A_213, %add3A_245, %add3A_277, %add3A_309, %add3A_341, %add3A_373 : vector<16xf32>, vector<16xf32>, vector<16xf32>, vector<16xf32>, vector<16xf32>, vector<16xf32>, vector<16xf32>, vector<16xf32>
    }
    %scan3A_64 = arith.constant 64 : i32
    %add3A_65 = arith.addf %scan3A_63#0, %scan3A_63#1 : vector<16xf32>
    %add3A_66 = arith.addf %add3A_65, %scan3A_63#2 : vector<16xf32>
    %add3A_67 = arith.addf %add3A_66, %scan3A_63#3 : vector<16xf32>
    %add3A_68 = arith.addf %add3A_67, %scan3A_63#4 : vector<16xf32>
    %add3A_69 = arith.addf %add3A_68, %scan3A_63#5 : vector<16xf32>
    %add3A_70 = arith.addf %add3A_69, %scan3A_63#6 : vector<16xf32>
    %add3A_71 = arith.addf %add3A_70, %scan3A_63#7 : vector<16xf32>
    %swap3A = arith.constant 0 : index
    %swap3A_72 = tpu.vector_load %arg11[%swap3A] {strides = array<i32>} : memref<16xf32, #tpu.memory_space<vmem>>, vector<16xf32>,
    tpu.vector_store %arg11[%swap3A], %add3A_71 {strides = array<i32>} : memref<16xf32, #tpu.memory_space<vmem>>, vector<16xf32>,
    %scan3A_73 = arith.constant 0 : i32
    %scan3A_74 = arith.constant 0 : i32
    %scan3A_75 = arith.constant 64 : i32
    %scan3A_76 = arith.addi %scan3A_74, %scan3A_75 : i32
    %scan3A_77 = arith.constant 1 : i32
    scf.for %scan3A_81 = %scan3A_74 to %scan3A_76 step %scan3A_77  : i32 {
      %mul3A_82 = arith.constant 2 : i32
      %mul3A_83 = arith.muli %mul3A_82, %scan3A_81 : i32
      %add3A_84 = arith.constant 0 : i32
      %add3A_85 = arith.addi %mul3A_83, %add3A_84 : i32
      %get3A = arith.index_cast %add3A_85 : i32 to index
      %get3A_86 = arith.constant 0 : index
      %get3A_87 = tpu.vector_load %arg9[%get3A, %get3A_86] {strides = array<i32>} : memref<128x128xf32, #tpu.memory_space<vmem>>, vector<16xf32>,
      %mul3A_88 = arith.constant 2 : i32
      %mul3A_89 = arith.muli %mul3A_88, %scan3A_81 : i32
      %add3A_90 = arith.constant 0 : i32
      %add3A_91 = arith.addi %mul3A_89, %add3A_90 : i32
      %get3A_92 = arith.index_cast %add3A_91 : i32 to index
      %get3A_93 = arith.constant 0 : index
      %get3A_94 = tpu.vector_load %arg10[%get3A_92, %get3A_93] {strides = array<i32>} : memref<128x128xf32, #tpu.memory_space<vmem>>, vector<16xf32>,
      %add3A_95 = arith.addf %get3A_87, %get3A_94 : vector<16xf32>
      %mul3A_96 = arith.constant 2 : i32
      %mul3A_97 = arith.muli %mul3A_96, %scan3A_81 : i32
      %add3A_98 = arith.constant 0 : i32
      %add3A_99 = arith.addi %mul3A_97, %add3A_98 : i32
      %swap3A_100 = arith.index_cast %add3A_99 : i32 to index
      %swap3A_101 = arith.constant 0 : index
      %swap3A_102 = tpu.vector_load %arg9[%swap3A_100, %swap3A_101] {strides = array<i32>} : memref<128x128xf32, #tpu.memory_space<vmem>>, vector<16xf32>,
      tpu.vector_store %arg9[%swap3A_100, %swap3A_101], %add3A_95 {strides = array<i32>} : memref<128x128xf32, #tpu.memory_space<vmem>>, vector<16xf32>,
      %mul3A_103 = arith.constant 2 : i32
      %mul3A_104 = arith.muli %mul3A_103, %scan3A_81 : i32
      %add3A_105 = arith.constant 0 : i32
      %add3A_106 = arith.addi %mul3A_104, %add3A_105 : i32
      %get3A_107 = arith.index_cast %add3A_106 : i32 to index
      %get3A_108 = arith.constant 16 : index
      %get3A_109 = tpu.vector_load %arg9[%get3A_107, %get3A_108] {strides = array<i32>} : memref<128x128xf32, #tpu.memory_space<vmem>>, vector<16xf32>,
      %mul3A_110 = arith.constant 2 : i32
      %mul3A_111 = arith.muli %mul3A_110, %scan3A_81 : i32
      %add3A_112 = arith.constant 0 : i32
      %add3A_113 = arith.addi %mul3A_111, %add3A_112 : i32
      %get3A_114 = arith.index_cast %add3A_113 : i32 to index
      %get3A_115 = arith.constant 16 : index
      %get3A_116 = tpu.vector_load %arg10[%get3A_114, %get3A_115] {strides = array<i32>} : memref<128x128xf32, #tpu.memory_space<vmem>>, vector<16xf32>,
      %add3A_117 = arith.addf %get3A_109, %get3A_116 : vector<16xf32>
      %mul3A_118 = arith.constant 2 : i32
      %mul3A_119 = arith.muli %mul3A_118, %scan3A_81 : i32
      %add3A_120 = arith.constant 0 : i32
      %add3A_121 = arith.addi %mul3A_119, %add3A_120 : i32
      %swap3A_122 = arith.index_cast %add3A_121 : i32 to index
      %swap3A_123 = arith.constant 16 : index
      %swap3A_124 = tpu.vector_load %arg9[%swap3A_122, %swap3A_123] {strides = array<i32>} : memref<128x128xf32, #tpu.memory_space<vmem>>, vector<16xf32>,
      tpu.vector_store %arg9[%swap3A_122, %swap3A_123], %add3A_117 {strides = array<i32>} : memref<128x128xf32, #tpu.memory_space<vmem>>, vector<16xf32>,
      %mul3A_125 = arith.constant 2 : i32
      %mul3A_126 = arith.muli %mul3A_125, %scan3A_81 : i32
      %add3A_127 = arith.constant 0 : i32
      %add3A_128 = arith.addi %mul3A_126, %add3A_127 : i32
      %get3A_129 = arith.index_cast %add3A_128 : i32 to index
      %get3A_130 = arith.constant 32 : index
      %get3A_131 = tpu.vector_load %arg9[%get3A_129, %get3A_130] {strides = array<i32>} : memref<128x128xf32, #tpu.memory_space<vmem>>, vector<16xf32>,
      %mul3A_132 = arith.constant 2 : i32
      %mul3A_133 = arith.muli %mul3A_132, %scan3A_81 : i32
      %add3A_134 = arith.constant 0 : i32
      %add3A_135 = arith.addi %mul3A_133, %add3A_134 : i32
      %get3A_136 = arith.index_cast %add3A_135 : i32 to index
      %get3A_137 = arith.constant 32 : index
      %get3A_138 = tpu.vector_load %arg10[%get3A_136, %get3A_137] {strides = array<i32>} : memref<128x128xf32, #tpu.memory_space<vmem>>, vector<16xf32>,
      %add3A_139 = arith.addf %get3A_131, %get3A_138 : vector<16xf32>
      %mul3A_140 = arith.constant 2 : i32
      %mul3A_141 = arith.muli %mul3A_140, %scan3A_81 : i32
      %add3A_142 = arith.constant 0 : i32
      %add3A_143 = arith.addi %mul3A_141, %add3A_142 : i32
      %swap3A_144 = arith.index_cast %add3A_143 : i32 to index
      %swap3A_145 = arith.constant 32 : index
      %swap3A_146 = tpu.vector_load %arg9[%swap3A_144, %swap3A_145] {strides = array<i32>} : memref<128x128xf32, #tpu.memory_space<vmem>>, vector<16xf32>,
      tpu.vector_store %arg9[%swap3A_144, %swap3A_145], %add3A_139 {strides = array<i32>} : memref<128x128xf32, #tpu.memory_space<vmem>>, vector<16xf32>,
      %mul3A_147 = arith.constant 2 : i32
      %mul3A_148 = arith.muli %mul3A_147, %scan3A_81 : i32
      %add3A_149 = arith.constant 0 : i32
      %add3A_150 = arith.addi %mul3A_148, %add3A_149 : i32
      %get3A_151 = arith.index_cast %add3A_150 : i32 to index
      %get3A_152 = arith.constant 48 : index
      %get3A_153 = tpu.vector_load %arg9[%get3A_151, %get3A_152] {strides = array<i32>} : memref<128x128xf32, #tpu.memory_space<vmem>>, vector<16xf32>,
      %mul3A_154 = arith.constant 2 : i32
      %mul3A_155 = arith.muli %mul3A_154, %scan3A_81 : i32
      %add3A_156 = arith.constant 0 : i32
      %add3A_157 = arith.addi %mul3A_155, %add3A_156 : i32
      %get3A_158 = arith.index_cast %add3A_157 : i32 to index
      %get3A_159 = arith.constant 48 : index
      %get3A_160 = tpu.vector_load %arg10[%get3A_158, %get3A_159] {strides = array<i32>} : memref<128x128xf32, #tpu.memory_space<vmem>>, vector<16xf32>,
      %add3A_161 = arith.addf %get3A_153, %get3A_160 : vector<16xf32>
      %mul3A_162 = arith.constant 2 : i32
      %mul3A_163 = arith.muli %mul3A_162, %scan3A_81 : i32
      %add3A_164 = arith.constant 0 : i32
      %add3A_165 = arith.addi %mul3A_163, %add3A_164 : i32
      %swap3A_166 = arith.index_cast %add3A_165 : i32 to index
      %swap3A_167 = arith.constant 48 : index
      %swap3A_168 = tpu.vector_load %arg9[%swap3A_166, %swap3A_167] {strides = array<i32>} : memref<128x128xf32, #tpu.memory_space<vmem>>, vector<16xf32>,
      tpu.vector_store %arg9[%swap3A_166, %swap3A_167], %add3A_161 {strides = array<i32>} : memref<128x128xf32, #tpu.memory_space<vmem>>, vector<16xf32>,
      %mul3A_169 = arith.constant 2 : i32
      %mul3A_170 = arith.muli %mul3A_169, %scan3A_81 : i32
      %add3A_171 = arith.constant 0 : i32
      %add3A_172 = arith.addi %mul3A_170, %add3A_171 : i32
      %get3A_173 = arith.index_cast %add3A_172 : i32 to index
      %get3A_174 = arith.constant 64 : index
      %get3A_175 = tpu.vector_load %arg9[%get3A_173, %get3A_174] {strides = array<i32>} : memref<128x128xf32, #tpu.memory_space<vmem>>, vector<16xf32>,
      %mul3A_176 = arith.constant 2 : i32
      %mul3A_177 = arith.muli %mul3A_176, %scan3A_81 : i32
      %add3A_178 = arith.constant 0 : i32
      %add3A_179 = arith.addi %mul3A_177, %add3A_178 : i32
      %get3A_180 = arith.index_cast %add3A_179 : i32 to index
      %get3A_181 = arith.constant 64 : index
      %get3A_182 = tpu.vector_load %arg10[%get3A_180, %get3A_181] {strides = array<i32>} : memref<128x128xf32, #tpu.memory_space<vmem>>, vector<16xf32>,
      %add3A_183 = arith.addf %get3A_175, %get3A_182 : vector<16xf32>
      %mul3A_184 = arith.constant 2 : i32
      %mul3A_185 = arith.muli %mul3A_184, %scan3A_81 : i32
      %add3A_186 = arith.constant 0 : i32
      %add3A_187 = arith.addi %mul3A_185, %add3A_186 : i32
      %swap3A_188 = arith.index_cast %add3A_187 : i32 to index
      %swap3A_189 = arith.constant 64 : index
      %swap3A_190 = tpu.vector_load %arg9[%swap3A_188, %swap3A_189] {strides = array<i32>} : memref<128x128xf32, #tpu.memory_space<vmem>>, vector<16xf32>,
      tpu.vector_store %arg9[%swap3A_188, %swap3A_189], %add3A_183 {strides = array<i32>} : memref<128x128xf32, #tpu.memory_space<vmem>>, vector<16xf32>,
      %mul3A_191 = arith.constant 2 : i32
      %mul3A_192 = arith.muli %mul3A_191, %scan3A_81 : i32
      %add3A_193 = arith.constant 0 : i32
      %add3A_194 = arith.addi %mul3A_192, %add3A_193 : i32
      %get3A_195 = arith.index_cast %add3A_194 : i32 to index
      %get3A_196 = arith.constant 80 : index
      %get3A_197 = tpu.vector_load %arg9[%get3A_195, %get3A_196] {strides = array<i32>} : memref<128x128xf32, #tpu.memory_space<vmem>>, vector<16xf32>,
      %mul3A_198 = arith.constant 2 : i32
      %mul3A_199 = arith.muli %mul3A_198, %scan3A_81 : i32
      %add3A_200 = arith.constant 0 : i32
      %add3A_201 = arith.addi %mul3A_199, %add3A_200 : i32
      %get3A_202 = arith.index_cast %add3A_201 : i32 to index
      %get3A_203 = arith.constant 80 : index
      %get3A_204 = tpu.vector_load %arg10[%get3A_202, %get3A_203] {strides = array<i32>} : memref<128x128xf32, #tpu.memory_space<vmem>>, vector<16xf32>,
      %add3A_205 = arith.addf %get3A_197, %get3A_204 : vector<16xf32>
      %mul3A_206 = arith.constant 2 : i32
      %mul3A_207 = arith.muli %mul3A_206, %scan3A_81 : i32
      %add3A_208 = arith.constant 0 : i32
      %add3A_209 = arith.addi %mul3A_207, %add3A_208 : i32
      %swap3A_210 = arith.index_cast %add3A_209 : i32 to index
      %swap3A_211 = arith.constant 80 : index
      %swap3A_212 = tpu.vector_load %arg9[%swap3A_210, %swap3A_211] {strides = array<i32>} : memref<128x128xf32, #tpu.memory_space<vmem>>, vector<16xf32>,
      tpu.vector_store %arg9[%swap3A_210, %swap3A_211], %add3A_205 {strides = array<i32>} : memref<128x128xf32, #tpu.memory_space<vmem>>, vector<16xf32>,
      %mul3A_213 = arith.constant 2 : i32
      %mul3A_214 = arith.muli %mul3A_213, %scan3A_81 : i32
      %add3A_215 = arith.constant 0 : i32
      %add3A_216 = arith.addi %mul3A_214, %add3A_215 : i32
      %get3A_217 = arith.index_cast %add3A_216 : i32 to index
      %get3A_218 = arith.constant 96 : index
      %get3A_219 = tpu.vector_load %arg9[%get3A_217, %get3A_218] {strides = array<i32>} : memref<128x128xf32, #tpu.memory_space<vmem>>, vector<16xf32>,
      %mul3A_220 = arith.constant 2 : i32
      %mul3A_221 = arith.muli %mul3A_220, %scan3A_81 : i32
      %add3A_222 = arith.constant 0 : i32
      %add3A_223 = arith.addi %mul3A_221, %add3A_222 : i32
      %get3A_224 = arith.index_cast %add3A_223 : i32 to index
      %get3A_225 = arith.constant 96 : index
      %get3A_226 = tpu.vector_load %arg10[%get3A_224, %get3A_225] {strides = array<i32>} : memref<128x128xf32, #tpu.memory_space<vmem>>, vector<16xf32>,
      %add3A_227 = arith.addf %get3A_219, %get3A_226 : vector<16xf32>
      %mul3A_228 = arith.constant 2 : i32
      %mul3A_229 = arith.muli %mul3A_228, %scan3A_81 : i32
      %add3A_230 = arith.constant 0 : i32
      %add3A_231 = arith.addi %mul3A_229, %add3A_230 : i32
      %swap3A_232 = arith.index_cast %add3A_231 : i32 to index
      %swap3A_233 = arith.constant 96 : index
      %swap3A_234 = tpu.vector_load %arg9[%swap3A_232, %swap3A_233] {strides = array<i32>} : memref<128x128xf32, #tpu.memory_space<vmem>>, vector<16xf32>,
      tpu.vector_store %arg9[%swap3A_232, %swap3A_233], %add3A_227 {strides = array<i32>} : memref<128x128xf32, #tpu.memory_space<vmem>>, vector<16xf32>,
      %mul3A_235 = arith.constant 2 : i32
      %mul3A_236 = arith.muli %mul3A_235, %scan3A_81 : i32
      %add3A_237 = arith.constant 0 : i32
      %add3A_238 = arith.addi %mul3A_236, %add3A_237 : i32
      %get3A_239 = arith.index_cast %add3A_238 : i32 to index
      %get3A_240 = arith.constant 112 : index
      %get3A_241 = tpu.vector_load %arg9[%get3A_239, %get3A_240] {strides = array<i32>} : memref<128x128xf32, #tpu.memory_space<vmem>>, vector<16xf32>,
      %mul3A_242 = arith.constant 2 : i32
      %mul3A_243 = arith.muli %mul3A_242, %scan3A_81 : i32
      %add3A_244 = arith.constant 0 : i32
      %add3A_245 = arith.addi %mul3A_243, %add3A_244 : i32
      %get3A_246 = arith.index_cast %add3A_245 : i32 to index
      %get3A_247 = arith.constant 112 : index
      %get3A_248 = tpu.vector_load %arg10[%get3A_246, %get3A_247] {strides = array<i32>} : memref<128x128xf32, #tpu.memory_space<vmem>>, vector<16xf32>,
      %add3A_249 = arith.addf %get3A_241, %get3A_248 : vector<16xf32>
      %mul3A_250 = arith.constant 2 : i32
      %mul3A_251 = arith.muli %mul3A_250, %scan3A_81 : i32
      %add3A_252 = arith.constant 0 : i32
      %add3A_253 = arith.addi %mul3A_251, %add3A_252 : i32
      %swap3A_254 = arith.index_cast %add3A_253 : i32 to index
      %swap3A_255 = arith.constant 112 : index
      %swap3A_256 = tpu.vector_load %arg9[%swap3A_254, %swap3A_255] {strides = array<i32>} : memref<128x128xf32, #tpu.memory_space<vmem>>, vector<16xf32>,
      tpu.vector_store %arg9[%swap3A_254, %swap3A_255], %add3A_249 {strides = array<i32>} : memref<128x128xf32, #tpu.memory_space<vmem>>, vector<16xf32>,
      %mul3A_257 = arith.constant 2 : i32
      %mul3A_258 = arith.muli %mul3A_257, %scan3A_81 : i32
      %add3A_259 = arith.constant 1 : i32
      %add3A_260 = arith.addi %mul3A_258, %add3A_259 : i32
      %get3A_261 = arith.index_cast %add3A_260 : i32 to index
      %get3A_262 = arith.constant 0 : index
      %get3A_263 = tpu.vector_load %arg9[%get3A_261, %get3A_262] {strides = array<i32>} : memref<128x128xf32, #tpu.memory_space<vmem>>, vector<16xf32>,
      %mul3A_264 = arith.constant 2 : i32
      %mul3A_265 = arith.muli %mul3A_264, %scan3A_81 : i32
      %add3A_266 = arith.constant 1 : i32
      %add3A_267 = arith.addi %mul3A_265, %add3A_266 : i32
      %get3A_268 = arith.index_cast %add3A_267 : i32 to index
      %get3A_269 = arith.constant 0 : index
      %get3A_270 = tpu.vector_load %arg10[%get3A_268, %get3A_269] {strides = array<i32>} : memref<128x128xf32, #tpu.memory_space<vmem>>, vector<16xf32>,
      %add3A_271 = arith.addf %get3A_263, %get3A_270 : vector<16xf32>
      %mul3A_272 = arith.constant 2 : i32
      %mul3A_273 = arith.muli %mul3A_272, %scan3A_81 : i32
      %add3A_274 = arith.constant 1 : i32
      %add3A_275 = arith.addi %mul3A_273, %add3A_274 : i32
      %swap3A_276 = arith.index_cast %add3A_275 : i32 to index
      %swap3A_277 = arith.constant 0 : index
      %swap3A_278 = tpu.vector_load %arg9[%swap3A_276, %swap3A_277] {strides = array<i32>} : memref<128x128xf32, #tpu.memory_space<vmem>>, vector<16xf32>,
      tpu.vector_store %arg9[%swap3A_276, %swap3A_277], %add3A_271 {strides = array<i32>} : memref<128x128xf32, #tpu.memory_space<vmem>>, vector<16xf32>,
      %mul3A_279 = arith.constant 2 : i32
      %mul3A_280 = arith.muli %mul3A_279, %scan3A_81 : i32
      %add3A_281 = arith.constant 1 : i32
      %add3A_282 = arith.addi %mul3A_280, %add3A_281 : i32
      %get3A_283 = arith.index_cast %add3A_282 : i32 to index
      %get3A_284 = arith.constant 16 : index
      %get3A_285 = tpu.vector_load %arg9[%get3A_283, %get3A_284] {strides = array<i32>} : memref<128x128xf32, #tpu.memory_space<vmem>>, vector<16xf32>,
      %mul3A_286 = arith.constant 2 : i32
      %mul3A_287 = arith.muli %mul3A_286, %scan3A_81 : i32
      %add3A_288 = arith.constant 1 : i32
      %add3A_289 = arith.addi %mul3A_287, %add3A_288 : i32
      %get3A_290 = arith.index_cast %add3A_289 : i32 to index
      %get3A_291 = arith.constant 16 : index
      %get3A_292 = tpu.vector_load %arg10[%get3A_290, %get3A_291] {strides = array<i32>} : memref<128x128xf32, #tpu.memory_space<vmem>>, vector<16xf32>,
      %add3A_293 = arith.addf %get3A_285, %get3A_292 : vector<16xf32>
      %mul3A_294 = arith.constant 2 : i32
      %mul3A_295 = arith.muli %mul3A_294, %scan3A_81 : i32
      %add3A_296 = arith.constant 1 : i32
      %add3A_297 = arith.addi %mul3A_295, %add3A_296 : i32
      %swap3A_298 = arith.index_cast %add3A_297 : i32 to index
      %swap3A_299 = arith.constant 16 : index
      %swap3A_300 = tpu.vector_load %arg9[%swap3A_298, %swap3A_299] {strides = array<i32>} : memref<128x128xf32, #tpu.memory_space<vmem>>, vector<16xf32>,
      tpu.vector_store %arg9[%swap3A_298, %swap3A_299], %add3A_293 {strides = array<i32>} : memref<128x128xf32, #tpu.memory_space<vmem>>, vector<16xf32>,
      %mul3A_301 = arith.constant 2 : i32
      %mul3A_302 = arith.muli %mul3A_301, %scan3A_81 : i32
      %add3A_303 = arith.constant 1 : i32
      %add3A_304 = arith.addi %mul3A_302, %add3A_303 : i32
      %get3A_305 = arith.index_cast %add3A_304 : i32 to index
      %get3A_306 = arith.constant 32 : index
      %get3A_307 = tpu.vector_load %arg9[%get3A_305, %get3A_306] {strides = array<i32>} : memref<128x128xf32, #tpu.memory_space<vmem>>, vector<16xf32>,
      %mul3A_308 = arith.constant 2 : i32
      %mul3A_309 = arith.muli %mul3A_308, %scan3A_81 : i32
      %add3A_310 = arith.constant 1 : i32
      %add3A_311 = arith.addi %mul3A_309, %add3A_310 : i32
      %get3A_312 = arith.index_cast %add3A_311 : i32 to index
      %get3A_313 = arith.constant 32 : index
      %get3A_314 = tpu.vector_load %arg10[%get3A_312, %get3A_313] {strides = array<i32>} : memref<128x128xf32, #tpu.memory_space<vmem>>, vector<16xf32>,
      %add3A_315 = arith.addf %get3A_307, %get3A_314 : vector<16xf32>
      %mul3A_316 = arith.constant 2 : i32
      %mul3A_317 = arith.muli %mul3A_316, %scan3A_81 : i32
      %add3A_318 = arith.constant 1 : i32
      %add3A_319 = arith.addi %mul3A_317, %add3A_318 : i32
      %swap3A_320 = arith.index_cast %add3A_319 : i32 to index
      %swap3A_321 = arith.constant 32 : index
      %swap3A_322 = tpu.vector_load %arg9[%swap3A_320, %swap3A_321] {strides = array<i32>} : memref<128x128xf32, #tpu.memory_space<vmem>>, vector<16xf32>,
      tpu.vector_store %arg9[%swap3A_320, %swap3A_321], %add3A_315 {strides = array<i32>} : memref<128x128xf32, #tpu.memory_space<vmem>>, vector<16xf32>,
      %mul3A_323 = arith.constant 2 : i32
      %mul3A_324 = arith.muli %mul3A_323, %scan3A_81 : i32
      %add3A_325 = arith.constant 1 : i32
      %add3A_326 = arith.addi %mul3A_324, %add3A_325 : i32
      %get3A_327 = arith.index_cast %add3A_326 : i32 to index
      %get3A_328 = arith.constant 48 : index
      %get3A_329 = tpu.vector_load %arg9[%get3A_327, %get3A_328] {strides = array<i32>} : memref<128x128xf32, #tpu.memory_space<vmem>>, vector<16xf32>,
      %mul3A_330 = arith.constant 2 : i32
      %mul3A_331 = arith.muli %mul3A_330, %scan3A_81 : i32
      %add3A_332 = arith.constant 1 : i32
      %add3A_333 = arith.addi %mul3A_331, %add3A_332 : i32
      %get3A_334 = arith.index_cast %add3A_333 : i32 to index
      %get3A_335 = arith.constant 48 : index
      %get3A_336 = tpu.vector_load %arg10[%get3A_334, %get3A_335] {strides = array<i32>} : memref<128x128xf32, #tpu.memory_space<vmem>>, vector<16xf32>,
      %add3A_337 = arith.addf %get3A_329, %get3A_336 : vector<16xf32>
      %mul3A_338 = arith.constant 2 : i32
      %mul3A_339 = arith.muli %mul3A_338, %scan3A_81 : i32
      %add3A_340 = arith.constant 1 : i32
      %add3A_341 = arith.addi %mul3A_339, %add3A_340 : i32
      %swap3A_342 = arith.index_cast %add3A_341 : i32 to index
      %swap3A_343 = arith.constant 48 : index
      %swap3A_344 = tpu.vector_load %arg9[%swap3A_342, %swap3A_343] {strides = array<i32>} : memref<128x128xf32, #tpu.memory_space<vmem>>, vector<16xf32>,
      tpu.vector_store %arg9[%swap3A_342, %swap3A_343], %add3A_337 {strides = array<i32>} : memref<128x128xf32, #tpu.memory_space<vmem>>, vector<16xf32>,
      %mul3A_345 = arith.constant 2 : i32
      %mul3A_346 = arith.muli %mul3A_345, %scan3A_81 : i32
      %add3A_347 = arith.constant 1 : i32
      %add3A_348 = arith.addi %mul3A_346, %add3A_347 : i32
      %get3A_349 = arith.index_cast %add3A_348 : i32 to index
      %get3A_350 = arith.constant 64 : index
      %get3A_351 = tpu.vector_load %arg9[%get3A_349, %get3A_350] {strides = array<i32>} : memref<128x128xf32, #tpu.memory_space<vmem>>, vector<16xf32>,
      %mul3A_352 = arith.constant 2 : i32
      %mul3A_353 = arith.muli %mul3A_352, %scan3A_81 : i32
      %add3A_354 = arith.constant 1 : i32
      %add3A_355 = arith.addi %mul3A_353, %add3A_354 : i32
      %get3A_356 = arith.index_cast %add3A_355 : i32 to index
      %get3A_357 = arith.constant 64 : index
      %get3A_358 = tpu.vector_load %arg10[%get3A_356, %get3A_357] {strides = array<i32>} : memref<128x128xf32, #tpu.memory_space<vmem>>, vector<16xf32>,
      %add3A_359 = arith.addf %get3A_351, %get3A_358 : vector<16xf32>
      %mul3A_360 = arith.constant 2 : i32
      %mul3A_361 = arith.muli %mul3A_360, %scan3A_81 : i32
      %add3A_362 = arith.constant 1 : i32
      %add3A_363 = arith.addi %mul3A_361, %add3A_362 : i32
      %swap3A_364 = arith.index_cast %add3A_363 : i32 to index
      %swap3A_365 = arith.constant 64 : index
      %swap3A_366 = tpu.vector_load %arg9[%swap3A_364, %swap3A_365] {strides = array<i32>} : memref<128x128xf32, #tpu.memory_space<vmem>>, vector<16xf32>,
      tpu.vector_store %arg9[%swap3A_364, %swap3A_365], %add3A_359 {strides = array<i32>} : memref<128x128xf32, #tpu.memory_space<vmem>>, vector<16xf32>,
      %mul3A_367 = arith.constant 2 : i32
      %mul3A_368 = arith.muli %mul3A_367, %scan3A_81 : i32
      %add3A_369 = arith.constant 1 : i32
      %add3A_370 = arith.addi %mul3A_368, %add3A_369 : i32
      %get3A_371 = arith.index_cast %add3A_370 : i32 to index
      %get3A_372 = arith.constant 80 : index
      %get3A_373 = tpu.vector_load %arg9[%get3A_371, %get3A_372] {strides = array<i32>} : memref<128x128xf32, #tpu.memory_space<vmem>>, vector<16xf32>,
      %mul3A_374 = arith.constant 2 : i32
      %mul3A_375 = arith.muli %mul3A_374, %scan3A_81 : i32
      %add3A_376 = arith.constant 1 : i32
      %add3A_377 = arith.addi %mul3A_375, %add3A_376 : i32
      %get3A_378 = arith.index_cast %add3A_377 : i32 to index
      %get3A_379 = arith.constant 80 : index
      %get3A_380 = tpu.vector_load %arg10[%get3A_378, %get3A_379] {strides = array<i32>} : memref<128x128xf32, #tpu.memory_space<vmem>>, vector<16xf32>,
      %add3A_381 = arith.addf %get3A_373, %get3A_380 : vector<16xf32>
      %mul3A_382 = arith.constant 2 : i32
      %mul3A_383 = arith.muli %mul3A_382, %scan3A_81 : i32
      %add3A_384 = arith.constant 1 : i32
      %add3A_385 = arith.addi %mul3A_383, %add3A_384 : i32
      %swap3A_386 = arith.index_cast %add3A_385 : i32 to index
      %swap3A_387 = arith.constant 80 : index
      %swap3A_388 = tpu.vector_load %arg9[%swap3A_386, %swap3A_387] {strides = array<i32>} : memref<128x128xf32, #tpu.memory_space<vmem>>, vector<16xf32>,
      tpu.vector_store %arg9[%swap3A_386, %swap3A_387], %add3A_381 {strides = array<i32>} : memref<128x128xf32, #tpu.memory_space<vmem>>, vector<16xf32>,
      %mul3A_389 = arith.constant 2 : i32
      %mul3A_390 = arith.muli %mul3A_389, %scan3A_81 : i32
      %add3A_391 = arith.constant 1 : i32
      %add3A_392 = arith.addi %mul3A_390, %add3A_391 : i32
      %get3A_393 = arith.index_cast %add3A_392 : i32 to index
      %get3A_394 = arith.constant 96 : index
      %get3A_395 = tpu.vector_load %arg9[%get3A_393, %get3A_394] {strides = array<i32>} : memref<128x128xf32, #tpu.memory_space<vmem>>, vector<16xf32>,
      %mul3A_396 = arith.constant 2 : i32
      %mul3A_397 = arith.muli %mul3A_396, %scan3A_81 : i32
      %add3A_398 = arith.constant 1 : i32
      %add3A_399 = arith.addi %mul3A_397, %add3A_398 : i32
      %get3A_400 = arith.index_cast %add3A_399 : i32 to index
      %get3A_401 = arith.constant 96 : index
      %get3A_402 = tpu.vector_load %arg10[%get3A_400, %get3A_401] {strides = array<i32>} : memref<128x128xf32, #tpu.memory_space<vmem>>, vector<16xf32>,
      %add3A_403 = arith.addf %get3A_395, %get3A_402 : vector<16xf32>
      %mul3A_404 = arith.constant 2 : i32
      %mul3A_405 = arith.muli %mul3A_404, %scan3A_81 : i32
      %add3A_406 = arith.constant 1 : i32
      %add3A_407 = arith.addi %mul3A_405, %add3A_406 : i32
      %swap3A_408 = arith.index_cast %add3A_407 : i32 to index
      %swap3A_409 = arith.constant 96 : index
      %swap3A_410 = tpu.vector_load %arg9[%swap3A_408, %swap3A_409] {strides = array<i32>} : memref<128x128xf32, #tpu.memory_space<vmem>>, vector<16xf32>,
      tpu.vector_store %arg9[%swap3A_408, %swap3A_409], %add3A_403 {strides = array<i32>} : memref<128x128xf32, #tpu.memory_space<vmem>>, vector<16xf32>,
      %mul3A_411 = arith.constant 2 : i32
      %mul3A_412 = arith.muli %mul3A_411, %scan3A_81 : i32
      %add3A_413 = arith.constant 1 : i32
      %add3A_414 = arith.addi %mul3A_412, %add3A_413 : i32
      %get3A_415 = arith.index_cast %add3A_414 : i32 to index
      %get3A_416 = arith.constant 112 : index
      %get3A_417 = tpu.vector_load %arg9[%get3A_415, %get3A_416] {strides = array<i32>} : memref<128x128xf32, #tpu.memory_space<vmem>>, vector<16xf32>,
      %mul3A_418 = arith.constant 2 : i32
      %mul3A_419 = arith.muli %mul3A_418, %scan3A_81 : i32
      %add3A_420 = arith.constant 1 : i32
      %add3A_421 = arith.addi %mul3A_419, %add3A_420 : i32
      %get3A_422 = arith.index_cast %add3A_421 : i32 to index
      %get3A_423 = arith.constant 112 : index
      %get3A_424 = tpu.vector_load %arg10[%get3A_422, %get3A_423] {strides = array<i32>} : memref<128x128xf32, #tpu.memory_space<vmem>>, vector<16xf32>,
      %add3A_425 = arith.addf %get3A_417, %get3A_424 : vector<16xf32>
      %mul3A_426 = arith.constant 2 : i32
      %mul3A_427 = arith.muli %mul3A_426, %scan3A_81 : i32
      %add3A_428 = arith.constant 1 : i32
      %add3A_429 = arith.addi %mul3A_427, %add3A_428 : i32
      %swap3A_430 = arith.index_cast %add3A_429 : i32 to index
      %swap3A_431 = arith.constant 112 : index
      %swap3A_432 = tpu.vector_load %arg9[%swap3A_430, %swap3A_431] {strides = array<i32>} : memref<128x128xf32, #tpu.memory_space<vmem>>, vector<16xf32>,
      tpu.vector_store %arg9[%swap3A_430, %swap3A_431], %add3A_425 {strides = array<i32>} : memref<128x128xf32, #tpu.memory_space<vmem>>, vector<16xf32>,
    }
    %scan3A_78 = arith.constant 64 : i32
    "tpu.region"() ({
      %run_scoped3A = tpu.sem_alloc : memref<!tpu.dma_semaphore, #tpu.memory_space<semaphore_mem>>
      %dma_start3A_81 = arith.constant 0 : i32
      %dma_start3A_82 = tpu.memref_slice %arg5[%add3A, %dma_start3A_81] : memref<32x16xf32, #tpu.memory_space<hbm>> -> memref<1x16xf32, #tpu.memory_space<hbm>>
      %dma_start3A_83 = tpu.memref_squeeze %dma_start3A_82 : memref<1x16xf32, #tpu.memory_space<hbm>> -> memref<16xf32, #tpu.memory_space<hbm>>
      %dma_start3A_84 = arith.constant 0 : i32
      %dma_start3A_85 = tpu.memref_slice %arg5[%add3A, %dma_start3A_84] : memref<32x16xf32, #tpu.memory_space<hbm>> -> memref<1x16xf32, #tpu.memory_space<hbm>>
      %dma_start3A_86 = tpu.memref_squeeze %dma_start3A_85 : memref<1x16xf32, #tpu.memory_space<hbm>> -> memref<16xf32, #tpu.memory_space<hbm>>
      tpu.enqueue_dma source(%arg11 : memref<16xf32, #tpu.memory_space<vmem>>) target(%dma_start3A_86 : memref<16xf32, #tpu.memory_space<hbm>>) target_semaphore(%run_scoped3A : memref<!tpu.dma_semaphore, #tpu.memory_space<semaphore_mem>>)
      %dma_wait3A_87 = arith.constant 0 : i32
      %dma_wait3A_88 = tpu.memref_slice %arg5[%add3A, %dma_wait3A_87] : memref<32x16xf32, #tpu.memory_space<hbm>> -> memref<1x16xf32, #tpu.memory_space<hbm>>
      %dma_wait3A_89 = tpu.memref_squeeze %dma_wait3A_88 : memref<1x16xf32, #tpu.memory_space<hbm>> -> memref<16xf32, #tpu.memory_space<hbm>>
      %dma_wait3A_90 = arith.constant 0 : i32
      %dma_wait3A_91 = tpu.memref_slice %arg5[%add3A, %dma_wait3A_90] : memref<32x16xf32, #tpu.memory_space<hbm>> -> memref<1x16xf32, #tpu.memory_space<hbm>>
      %dma_wait3A_92 = tpu.memref_squeeze %dma_wait3A_91 : memref<1x16xf32, #tpu.memory_space<hbm>> -> memref<16xf32, #tpu.memory_space<hbm>>
      tpu.wait_dma2 semaphore(%run_scoped3A : memref<!tpu.dma_semaphore, #tpu.memory_space<semaphore_mem>>) src(%arg11 : memref<16xf32, #tpu.memory_space<vmem>>) dst(%dma_wait3A_92 : memref<16xf32, #tpu.memory_space<hbm>>)
      tpu.yield
    }) : () -> ()
    %mul3A_79 = arith.constant 128 : i32
    %mul3A_80 = arith.muli %select_n3A_30, %mul3A_79 : i32
    "tpu.region"() ({
      %run_scoped3A = tpu.sem_alloc : memref<!tpu.dma_semaphore, #tpu.memory_space<semaphore_mem>>
      %dma_start3A_81 = tpu.memref_slice %arg4[%mul3A_80, %mul3A_34] : memref<1024x512xf32, #tpu.memory_space<hbm>> -> memref<128x128xf32, #tpu.memory_space<hbm>>
      %dma_start3A_82 = tpu.memref_slice %arg4[%mul3A_80, %mul3A_34] : memref<1024x512xf32, #tpu.memory_space<hbm>> -> memref<128x128xf32, #tpu.memory_space<hbm>>
      tpu.enqueue_dma source(%arg9 : memref<128x128xf32, #tpu.memory_space<vmem>>) target(%dma_start3A_82 : memref<128x128xf32, #tpu.memory_space<hbm>>) target_semaphore(%run_scoped3A : memref<!tpu.dma_semaphore, #tpu.memory_space<semaphore_mem>>)
      %dma_wait3A_83 = tpu.memref_slice %arg4[%mul3A_80, %mul3A_34] : memref<1024x512xf32, #tpu.memory_space<hbm>> -> memref<128x128xf32, #tpu.memory_space<hbm>>
      %dma_wait3A_84 = tpu.memref_slice %arg4[%mul3A_80, %mul3A_34] : memref<1024x512xf32, #tpu.memory_space<hbm>> -> memref<128x128xf32, #tpu.memory_space<hbm>>
      tpu.wait_dma2 semaphore(%run_scoped3A : memref<!tpu.dma_semaphore, #tpu.memory_space<semaphore_mem>>) src(%arg9 : memref<128x128xf32, #tpu.memory_space<vmem>>) dst(%dma_wait3A_84 : memref<128x128xf32, #tpu.memory_space<hbm>>)
      tpu.yield
    }) : () -> ()
    return
  }
}

module attributes {stable_mosaic.version = 14 : i64} {
  func.func @_tc_body(%arg0: memref<1024x512xf32, #tpu.memory_space<vmem>>, %arg1: memref<32x128xi32, #tpu.memory_space<vmem>>, %arg2: memref<32x16xf32, #tpu.memory_space<vmem>>, %arg3: memref<1x1xf32, #tpu.memory_space<vmem>>) attributes {dimension_semantics = [], scalar_prefetch = 0 : i64, scratch_operands = 0 : i64, tpu.core_type = #tpu.core_type<tc>} {
    %get3A = arith.constant 0 : index
    %get3A_0 = arith.constant 0 : index
    %get3A_1 = vector.load %arg0[%get3A, %get3A_0] : memref<1024x512xf32, #tpu.memory_space<vmem>>, vector<128x512xf32>
    %get3A_2 = arith.constant 128 : index
    %get3A_3 = arith.constant 0 : index
    %get3A_4 = vector.load %arg0[%get3A_2, %get3A_3] : memref<1024x512xf32, #tpu.memory_space<vmem>>, vector<128x512xf32>
    %add3A = arith.addf %get3A_1, %get3A_4 : vector<128x512xf32>
    %get3A_5 = arith.constant 256 : index
    %get3A_6 = arith.constant 0 : index
    %get3A_7 = vector.load %arg0[%get3A_5, %get3A_6] : memref<1024x512xf32, #tpu.memory_space<vmem>>, vector<128x512xf32>
    %add3A_8 = arith.addf %add3A, %get3A_7 : vector<128x512xf32>
    %get3A_9 = arith.constant 384 : index
    %get3A_10 = arith.constant 0 : index
    %get3A_11 = vector.load %arg0[%get3A_9, %get3A_10] : memref<1024x512xf32, #tpu.memory_space<vmem>>, vector<128x512xf32>
    %add3A_12 = arith.addf %add3A_8, %get3A_11 : vector<128x512xf32>
    %get3A_13 = arith.constant 512 : index
    %get3A_14 = arith.constant 0 : index
    %get3A_15 = vector.load %arg0[%get3A_13, %get3A_14] : memref<1024x512xf32, #tpu.memory_space<vmem>>, vector<128x512xf32>
    %add3A_16 = arith.addf %add3A_12, %get3A_15 : vector<128x512xf32>
    %get3A_17 = arith.constant 640 : index
    %get3A_18 = arith.constant 0 : index
    %get3A_19 = vector.load %arg0[%get3A_17, %get3A_18] : memref<1024x512xf32, #tpu.memory_space<vmem>>, vector<128x512xf32>
    %add3A_20 = arith.addf %add3A_16, %get3A_19 : vector<128x512xf32>
    %get3A_21 = arith.constant 768 : index
    %get3A_22 = arith.constant 0 : index
    %get3A_23 = vector.load %arg0[%get3A_21, %get3A_22] : memref<1024x512xf32, #tpu.memory_space<vmem>>, vector<128x512xf32>
    %add3A_24 = arith.addf %add3A_20, %get3A_23 : vector<128x512xf32>
    %get3A_25 = arith.constant 896 : index
    %get3A_26 = arith.constant 0 : index
    %get3A_27 = vector.load %arg0[%get3A_25, %get3A_26] : memref<1024x512xf32, #tpu.memory_space<vmem>>, vector<128x512xf32>
    %add3A_28 = arith.addf %add3A_24, %get3A_27 : vector<128x512xf32>
    %iota3A = tpu.iota {dimensions = array<i32: 0>} : vector<128x128xi32>
    %broadcast_in_dim3A = arith.constant 0.000000e+00 : f32
    %broadcast_in_dim3A_29 = vector.broadcast %broadcast_in_dim3A : f32 to vector<128x128xf32>
    %get3A_30 = arith.constant 0 : index
    %get3A_31 = arith.constant 0 : index
    %get3A_32 = vector.load %arg1[%get3A_30, %get3A_31] : memref<32x128xi32, #tpu.memory_space<vmem>>, vector<1x128xi32>
    %get3A_33 = vector.shape_cast %get3A_32 : vector<1x128xi32> to vector<128xi32>
    %broadcast_in_dim3A_34 = vector.shape_cast %get3A_33 : vector<128xi32> to vector<1x128xi32>
    %eq3A = vector.broadcast %broadcast_in_dim3A_34 : vector<1x128xi32> to vector<128x128xi32>
    %eq3A_35 = arith.cmpi eq, %eq3A, %iota3A : vector<128x128xi32>
    %jit3A = arith.constant 1.000000e+00 : f32
    %jit3A_36 = arith.constant 0.000000e+00 : f32
    %broadcast_in_dim3A_37 = vector.broadcast %jit3A : f32 to vector<128x128xf32>
    %broadcast_in_dim3A_38 = vector.broadcast %jit3A_36 : f32 to vector<128x128xf32>
    %select_n3A = arith.select %eq3A_35, %broadcast_in_dim3A_37, %broadcast_in_dim3A_38 : vector<128x128xi1>, vector<128x128xf32>
    %add3A_39 = arith.addf %broadcast_in_dim3A_29, %select_n3A : vector<128x128xf32>
    %get3A_40 = arith.constant 1 : index
    %get3A_41 = arith.constant 0 : index
    %get3A_42 = vector.load %arg1[%get3A_40, %get3A_41] : memref<32x128xi32, #tpu.memory_space<vmem>>, vector<1x128xi32>
    %get3A_43 = vector.shape_cast %get3A_42 : vector<1x128xi32> to vector<128xi32>
    %broadcast_in_dim3A_44 = vector.shape_cast %get3A_43 : vector<128xi32> to vector<1x128xi32>
    %eq3A_45 = vector.broadcast %broadcast_in_dim3A_44 : vector<1x128xi32> to vector<128x128xi32>
    %eq3A_46 = arith.cmpi eq, %eq3A_45, %iota3A : vector<128x128xi32>
    %jit3A_47 = arith.constant 1.000000e+00 : f32
    %jit3A_48 = arith.constant 0.000000e+00 : f32
    %broadcast_in_dim3A_49 = vector.broadcast %jit3A_47 : f32 to vector<128x128xf32>
    %broadcast_in_dim3A_50 = vector.broadcast %jit3A_48 : f32 to vector<128x128xf32>
    %select_n3A_51 = arith.select %eq3A_46, %broadcast_in_dim3A_49, %broadcast_in_dim3A_50 : vector<128x128xi1>, vector<128x128xf32>
    %add3A_52 = arith.addf %add3A_39, %select_n3A_51 : vector<128x128xf32>
    %get3A_53 = arith.constant 2 : index
    %get3A_54 = arith.constant 0 : index
    %get3A_55 = vector.load %arg1[%get3A_53, %get3A_54] : memref<32x128xi32, #tpu.memory_space<vmem>>, vector<1x128xi32>
    %get3A_56 = vector.shape_cast %get3A_55 : vector<1x128xi32> to vector<128xi32>
    %broadcast_in_dim3A_57 = vector.shape_cast %get3A_56 : vector<128xi32> to vector<1x128xi32>
    %eq3A_58 = vector.broadcast %broadcast_in_dim3A_57 : vector<1x128xi32> to vector<128x128xi32>
    %eq3A_59 = arith.cmpi eq, %eq3A_58, %iota3A : vector<128x128xi32>
    %jit3A_60 = arith.constant 1.000000e+00 : f32
    %jit3A_61 = arith.constant 0.000000e+00 : f32
    %broadcast_in_dim3A_62 = vector.broadcast %jit3A_60 : f32 to vector<128x128xf32>
    %broadcast_in_dim3A_63 = vector.broadcast %jit3A_61 : f32 to vector<128x128xf32>
    %select_n3A_64 = arith.select %eq3A_59, %broadcast_in_dim3A_62, %broadcast_in_dim3A_63 : vector<128x128xi1>, vector<128x128xf32>
    %add3A_65 = arith.addf %add3A_52, %select_n3A_64 : vector<128x128xf32>
    %get3A_66 = arith.constant 3 : index
    %get3A_67 = arith.constant 0 : index
    %get3A_68 = vector.load %arg1[%get3A_66, %get3A_67] : memref<32x128xi32, #tpu.memory_space<vmem>>, vector<1x128xi32>
    %get3A_69 = vector.shape_cast %get3A_68 : vector<1x128xi32> to vector<128xi32>
    %broadcast_in_dim3A_70 = vector.shape_cast %get3A_69 : vector<128xi32> to vector<1x128xi32>
    %eq3A_71 = vector.broadcast %broadcast_in_dim3A_70 : vector<1x128xi32> to vector<128x128xi32>
    %eq3A_72 = arith.cmpi eq, %eq3A_71, %iota3A : vector<128x128xi32>
    %jit3A_73 = arith.constant 1.000000e+00 : f32
    %jit3A_74 = arith.constant 0.000000e+00 : f32
    %broadcast_in_dim3A_75 = vector.broadcast %jit3A_73 : f32 to vector<128x128xf32>
    %broadcast_in_dim3A_76 = vector.broadcast %jit3A_74 : f32 to vector<128x128xf32>
    %select_n3A_77 = arith.select %eq3A_72, %broadcast_in_dim3A_75, %broadcast_in_dim3A_76 : vector<128x128xi1>, vector<128x128xf32>
    %add3A_78 = arith.addf %add3A_65, %select_n3A_77 : vector<128x128xf32>
    %get3A_79 = arith.constant 4 : index
    %get3A_80 = arith.constant 0 : index
    %get3A_81 = vector.load %arg1[%get3A_79, %get3A_80] : memref<32x128xi32, #tpu.memory_space<vmem>>, vector<1x128xi32>
    %get3A_82 = vector.shape_cast %get3A_81 : vector<1x128xi32> to vector<128xi32>
    %broadcast_in_dim3A_83 = vector.shape_cast %get3A_82 : vector<128xi32> to vector<1x128xi32>
    %eq3A_84 = vector.broadcast %broadcast_in_dim3A_83 : vector<1x128xi32> to vector<128x128xi32>
    %eq3A_85 = arith.cmpi eq, %eq3A_84, %iota3A : vector<128x128xi32>
    %jit3A_86 = arith.constant 1.000000e+00 : f32
    %jit3A_87 = arith.constant 0.000000e+00 : f32
    %broadcast_in_dim3A_88 = vector.broadcast %jit3A_86 : f32 to vector<128x128xf32>
    %broadcast_in_dim3A_89 = vector.broadcast %jit3A_87 : f32 to vector<128x128xf32>
    %select_n3A_90 = arith.select %eq3A_85, %broadcast_in_dim3A_88, %broadcast_in_dim3A_89 : vector<128x128xi1>, vector<128x128xf32>
    %add3A_91 = arith.addf %add3A_78, %select_n3A_90 : vector<128x128xf32>
    %get3A_92 = arith.constant 5 : index
    %get3A_93 = arith.constant 0 : index
    %get3A_94 = vector.load %arg1[%get3A_92, %get3A_93] : memref<32x128xi32, #tpu.memory_space<vmem>>, vector<1x128xi32>
    %get3A_95 = vector.shape_cast %get3A_94 : vector<1x128xi32> to vector<128xi32>
    %broadcast_in_dim3A_96 = vector.shape_cast %get3A_95 : vector<128xi32> to vector<1x128xi32>
    %eq3A_97 = vector.broadcast %broadcast_in_dim3A_96 : vector<1x128xi32> to vector<128x128xi32>
    %eq3A_98 = arith.cmpi eq, %eq3A_97, %iota3A : vector<128x128xi32>
    %jit3A_99 = arith.constant 1.000000e+00 : f32
    %jit3A_100 = arith.constant 0.000000e+00 : f32
    %broadcast_in_dim3A_101 = vector.broadcast %jit3A_99 : f32 to vector<128x128xf32>
    %broadcast_in_dim3A_102 = vector.broadcast %jit3A_100 : f32 to vector<128x128xf32>
    %select_n3A_103 = arith.select %eq3A_98, %broadcast_in_dim3A_101, %broadcast_in_dim3A_102 : vector<128x128xi1>, vector<128x128xf32>
    %add3A_104 = arith.addf %add3A_91, %select_n3A_103 : vector<128x128xf32>
    %get3A_105 = arith.constant 6 : index
    %get3A_106 = arith.constant 0 : index
    %get3A_107 = vector.load %arg1[%get3A_105, %get3A_106] : memref<32x128xi32, #tpu.memory_space<vmem>>, vector<1x128xi32>
    %get3A_108 = vector.shape_cast %get3A_107 : vector<1x128xi32> to vector<128xi32>
    %broadcast_in_dim3A_109 = vector.shape_cast %get3A_108 : vector<128xi32> to vector<1x128xi32>
    %eq3A_110 = vector.broadcast %broadcast_in_dim3A_109 : vector<1x128xi32> to vector<128x128xi32>
    %eq3A_111 = arith.cmpi eq, %eq3A_110, %iota3A : vector<128x128xi32>
    %jit3A_112 = arith.constant 1.000000e+00 : f32
    %jit3A_113 = arith.constant 0.000000e+00 : f32
    %broadcast_in_dim3A_114 = vector.broadcast %jit3A_112 : f32 to vector<128x128xf32>
    %broadcast_in_dim3A_115 = vector.broadcast %jit3A_113 : f32 to vector<128x128xf32>
    %select_n3A_116 = arith.select %eq3A_111, %broadcast_in_dim3A_114, %broadcast_in_dim3A_115 : vector<128x128xi1>, vector<128x128xf32>
    %add3A_117 = arith.addf %add3A_104, %select_n3A_116 : vector<128x128xf32>
    %get3A_118 = arith.constant 7 : index
    %get3A_119 = arith.constant 0 : index
    %get3A_120 = vector.load %arg1[%get3A_118, %get3A_119] : memref<32x128xi32, #tpu.memory_space<vmem>>, vector<1x128xi32>
    %get3A_121 = vector.shape_cast %get3A_120 : vector<1x128xi32> to vector<128xi32>
    %broadcast_in_dim3A_122 = vector.shape_cast %get3A_121 : vector<128xi32> to vector<1x128xi32>
    %eq3A_123 = vector.broadcast %broadcast_in_dim3A_122 : vector<1x128xi32> to vector<128x128xi32>
    %eq3A_124 = arith.cmpi eq, %eq3A_123, %iota3A : vector<128x128xi32>
    %jit3A_125 = arith.constant 1.000000e+00 : f32
    %jit3A_126 = arith.constant 0.000000e+00 : f32
    %broadcast_in_dim3A_127 = vector.broadcast %jit3A_125 : f32 to vector<128x128xf32>
    %broadcast_in_dim3A_128 = vector.broadcast %jit3A_126 : f32 to vector<128x128xf32>
    %select_n3A_129 = arith.select %eq3A_124, %broadcast_in_dim3A_127, %broadcast_in_dim3A_128 : vector<128x128xi1>, vector<128x128xf32>
    %add3A_130 = arith.addf %add3A_117, %select_n3A_129 : vector<128x128xf32>
    %get3A_131 = arith.constant 8 : index
    %get3A_132 = arith.constant 0 : index
    %get3A_133 = vector.load %arg1[%get3A_131, %get3A_132] : memref<32x128xi32, #tpu.memory_space<vmem>>, vector<1x128xi32>
    %get3A_134 = vector.shape_cast %get3A_133 : vector<1x128xi32> to vector<128xi32>
    %broadcast_in_dim3A_135 = vector.shape_cast %get3A_134 : vector<128xi32> to vector<1x128xi32>
    %eq3A_136 = vector.broadcast %broadcast_in_dim3A_135 : vector<1x128xi32> to vector<128x128xi32>
    %eq3A_137 = arith.cmpi eq, %eq3A_136, %iota3A : vector<128x128xi32>
    %jit3A_138 = arith.constant 1.000000e+00 : f32
    %jit3A_139 = arith.constant 0.000000e+00 : f32
    %broadcast_in_dim3A_140 = vector.broadcast %jit3A_138 : f32 to vector<128x128xf32>
    %broadcast_in_dim3A_141 = vector.broadcast %jit3A_139 : f32 to vector<128x128xf32>
    %select_n3A_142 = arith.select %eq3A_137, %broadcast_in_dim3A_140, %broadcast_in_dim3A_141 : vector<128x128xi1>, vector<128x128xf32>
    %add3A_143 = arith.addf %add3A_130, %select_n3A_142 : vector<128x128xf32>
    %get3A_144 = arith.constant 9 : index
    %get3A_145 = arith.constant 0 : index
    %get3A_146 = vector.load %arg1[%get3A_144, %get3A_145] : memref<32x128xi32, #tpu.memory_space<vmem>>, vector<1x128xi32>
    %get3A_147 = vector.shape_cast %get3A_146 : vector<1x128xi32> to vector<128xi32>
    %broadcast_in_dim3A_148 = vector.shape_cast %get3A_147 : vector<128xi32> to vector<1x128xi32>
    %eq3A_149 = vector.broadcast %broadcast_in_dim3A_148 : vector<1x128xi32> to vector<128x128xi32>
    %eq3A_150 = arith.cmpi eq, %eq3A_149, %iota3A : vector<128x128xi32>
    %jit3A_151 = arith.constant 1.000000e+00 : f32
    %jit3A_152 = arith.constant 0.000000e+00 : f32
    %broadcast_in_dim3A_153 = vector.broadcast %jit3A_151 : f32 to vector<128x128xf32>
    %broadcast_in_dim3A_154 = vector.broadcast %jit3A_152 : f32 to vector<128x128xf32>
    %select_n3A_155 = arith.select %eq3A_150, %broadcast_in_dim3A_153, %broadcast_in_dim3A_154 : vector<128x128xi1>, vector<128x128xf32>
    %add3A_156 = arith.addf %add3A_143, %select_n3A_155 : vector<128x128xf32>
    %get3A_157 = arith.constant 10 : index
    %get3A_158 = arith.constant 0 : index
    %get3A_159 = vector.load %arg1[%get3A_157, %get3A_158] : memref<32x128xi32, #tpu.memory_space<vmem>>, vector<1x128xi32>
    %get3A_160 = vector.shape_cast %get3A_159 : vector<1x128xi32> to vector<128xi32>
    %broadcast_in_dim3A_161 = vector.shape_cast %get3A_160 : vector<128xi32> to vector<1x128xi32>
    %eq3A_162 = vector.broadcast %broadcast_in_dim3A_161 : vector<1x128xi32> to vector<128x128xi32>
    %eq3A_163 = arith.cmpi eq, %eq3A_162, %iota3A : vector<128x128xi32>
    %jit3A_164 = arith.constant 1.000000e+00 : f32
    %jit3A_165 = arith.constant 0.000000e+00 : f32
    %broadcast_in_dim3A_166 = vector.broadcast %jit3A_164 : f32 to vector<128x128xf32>
    %broadcast_in_dim3A_167 = vector.broadcast %jit3A_165 : f32 to vector<128x128xf32>
    %select_n3A_168 = arith.select %eq3A_163, %broadcast_in_dim3A_166, %broadcast_in_dim3A_167 : vector<128x128xi1>, vector<128x128xf32>
    %add3A_169 = arith.addf %add3A_156, %select_n3A_168 : vector<128x128xf32>
    %get3A_170 = arith.constant 11 : index
    %get3A_171 = arith.constant 0 : index
    %get3A_172 = vector.load %arg1[%get3A_170, %get3A_171] : memref<32x128xi32, #tpu.memory_space<vmem>>, vector<1x128xi32>
    %get3A_173 = vector.shape_cast %get3A_172 : vector<1x128xi32> to vector<128xi32>
    %broadcast_in_dim3A_174 = vector.shape_cast %get3A_173 : vector<128xi32> to vector<1x128xi32>
    %eq3A_175 = vector.broadcast %broadcast_in_dim3A_174 : vector<1x128xi32> to vector<128x128xi32>
    %eq3A_176 = arith.cmpi eq, %eq3A_175, %iota3A : vector<128x128xi32>
    %jit3A_177 = arith.constant 1.000000e+00 : f32
    %jit3A_178 = arith.constant 0.000000e+00 : f32
    %broadcast_in_dim3A_179 = vector.broadcast %jit3A_177 : f32 to vector<128x128xf32>
    %broadcast_in_dim3A_180 = vector.broadcast %jit3A_178 : f32 to vector<128x128xf32>
    %select_n3A_181 = arith.select %eq3A_176, %broadcast_in_dim3A_179, %broadcast_in_dim3A_180 : vector<128x128xi1>, vector<128x128xf32>
    %add3A_182 = arith.addf %add3A_169, %select_n3A_181 : vector<128x128xf32>
    %get3A_183 = arith.constant 12 : index
    %get3A_184 = arith.constant 0 : index
    %get3A_185 = vector.load %arg1[%get3A_183, %get3A_184] : memref<32x128xi32, #tpu.memory_space<vmem>>, vector<1x128xi32>
    %get3A_186 = vector.shape_cast %get3A_185 : vector<1x128xi32> to vector<128xi32>
    %broadcast_in_dim3A_187 = vector.shape_cast %get3A_186 : vector<128xi32> to vector<1x128xi32>
    %eq3A_188 = vector.broadcast %broadcast_in_dim3A_187 : vector<1x128xi32> to vector<128x128xi32>
    %eq3A_189 = arith.cmpi eq, %eq3A_188, %iota3A : vector<128x128xi32>
    %jit3A_190 = arith.constant 1.000000e+00 : f32
    %jit3A_191 = arith.constant 0.000000e+00 : f32
    %broadcast_in_dim3A_192 = vector.broadcast %jit3A_190 : f32 to vector<128x128xf32>
    %broadcast_in_dim3A_193 = vector.broadcast %jit3A_191 : f32 to vector<128x128xf32>
    %select_n3A_194 = arith.select %eq3A_189, %broadcast_in_dim3A_192, %broadcast_in_dim3A_193 : vector<128x128xi1>, vector<128x128xf32>
    %add3A_195 = arith.addf %add3A_182, %select_n3A_194 : vector<128x128xf32>
    %get3A_196 = arith.constant 13 : index
    %get3A_197 = arith.constant 0 : index
    %get3A_198 = vector.load %arg1[%get3A_196, %get3A_197] : memref<32x128xi32, #tpu.memory_space<vmem>>, vector<1x128xi32>
    %get3A_199 = vector.shape_cast %get3A_198 : vector<1x128xi32> to vector<128xi32>
    %broadcast_in_dim3A_200 = vector.shape_cast %get3A_199 : vector<128xi32> to vector<1x128xi32>
    %eq3A_201 = vector.broadcast %broadcast_in_dim3A_200 : vector<1x128xi32> to vector<128x128xi32>
    %eq3A_202 = arith.cmpi eq, %eq3A_201, %iota3A : vector<128x128xi32>
    %jit3A_203 = arith.constant 1.000000e+00 : f32
    %jit3A_204 = arith.constant 0.000000e+00 : f32
    %broadcast_in_dim3A_205 = vector.broadcast %jit3A_203 : f32 to vector<128x128xf32>
    %broadcast_in_dim3A_206 = vector.broadcast %jit3A_204 : f32 to vector<128x128xf32>
    %select_n3A_207 = arith.select %eq3A_202, %broadcast_in_dim3A_205, %broadcast_in_dim3A_206 : vector<128x128xi1>, vector<128x128xf32>
    %add3A_208 = arith.addf %add3A_195, %select_n3A_207 : vector<128x128xf32>
    %get3A_209 = arith.constant 14 : index
    %get3A_210 = arith.constant 0 : index
    %get3A_211 = vector.load %arg1[%get3A_209, %get3A_210] : memref<32x128xi32, #tpu.memory_space<vmem>>, vector<1x128xi32>
    %get3A_212 = vector.shape_cast %get3A_211 : vector<1x128xi32> to vector<128xi32>
    %broadcast_in_dim3A_213 = vector.shape_cast %get3A_212 : vector<128xi32> to vector<1x128xi32>
    %eq3A_214 = vector.broadcast %broadcast_in_dim3A_213 : vector<1x128xi32> to vector<128x128xi32>
    %eq3A_215 = arith.cmpi eq, %eq3A_214, %iota3A : vector<128x128xi32>
    %jit3A_216 = arith.constant 1.000000e+00 : f32
    %jit3A_217 = arith.constant 0.000000e+00 : f32
    %broadcast_in_dim3A_218 = vector.broadcast %jit3A_216 : f32 to vector<128x128xf32>
    %broadcast_in_dim3A_219 = vector.broadcast %jit3A_217 : f32 to vector<128x128xf32>
    %select_n3A_220 = arith.select %eq3A_215, %broadcast_in_dim3A_218, %broadcast_in_dim3A_219 : vector<128x128xi1>, vector<128x128xf32>
    %add3A_221 = arith.addf %add3A_208, %select_n3A_220 : vector<128x128xf32>
    %get3A_222 = arith.constant 15 : index
    %get3A_223 = arith.constant 0 : index
    %get3A_224 = vector.load %arg1[%get3A_222, %get3A_223] : memref<32x128xi32, #tpu.memory_space<vmem>>, vector<1x128xi32>
    %get3A_225 = vector.shape_cast %get3A_224 : vector<1x128xi32> to vector<128xi32>
    %broadcast_in_dim3A_226 = vector.shape_cast %get3A_225 : vector<128xi32> to vector<1x128xi32>
    %eq3A_227 = vector.broadcast %broadcast_in_dim3A_226 : vector<1x128xi32> to vector<128x128xi32>
    %eq3A_228 = arith.cmpi eq, %eq3A_227, %iota3A : vector<128x128xi32>
    %jit3A_229 = arith.constant 1.000000e+00 : f32
    %jit3A_230 = arith.constant 0.000000e+00 : f32
    %broadcast_in_dim3A_231 = vector.broadcast %jit3A_229 : f32 to vector<128x128xf32>
    %broadcast_in_dim3A_232 = vector.broadcast %jit3A_230 : f32 to vector<128x128xf32>
    %select_n3A_233 = arith.select %eq3A_228, %broadcast_in_dim3A_231, %broadcast_in_dim3A_232 : vector<128x128xi1>, vector<128x128xf32>
    %add3A_234 = arith.addf %add3A_221, %select_n3A_233 : vector<128x128xf32>
    %get3A_235 = arith.constant 16 : index
    %get3A_236 = arith.constant 0 : index
    %get3A_237 = vector.load %arg1[%get3A_235, %get3A_236] : memref<32x128xi32, #tpu.memory_space<vmem>>, vector<1x128xi32>
    %get3A_238 = vector.shape_cast %get3A_237 : vector<1x128xi32> to vector<128xi32>
    %broadcast_in_dim3A_239 = vector.shape_cast %get3A_238 : vector<128xi32> to vector<1x128xi32>
    %eq3A_240 = vector.broadcast %broadcast_in_dim3A_239 : vector<1x128xi32> to vector<128x128xi32>
    %eq3A_241 = arith.cmpi eq, %eq3A_240, %iota3A : vector<128x128xi32>
    %jit3A_242 = arith.constant 1.000000e+00 : f32
    %jit3A_243 = arith.constant 0.000000e+00 : f32
    %broadcast_in_dim3A_244 = vector.broadcast %jit3A_242 : f32 to vector<128x128xf32>
    %broadcast_in_dim3A_245 = vector.broadcast %jit3A_243 : f32 to vector<128x128xf32>
    %select_n3A_246 = arith.select %eq3A_241, %broadcast_in_dim3A_244, %broadcast_in_dim3A_245 : vector<128x128xi1>, vector<128x128xf32>
    %add3A_247 = arith.addf %add3A_234, %select_n3A_246 : vector<128x128xf32>
    %get3A_248 = arith.constant 17 : index
    %get3A_249 = arith.constant 0 : index
    %get3A_250 = vector.load %arg1[%get3A_248, %get3A_249] : memref<32x128xi32, #tpu.memory_space<vmem>>, vector<1x128xi32>
    %get3A_251 = vector.shape_cast %get3A_250 : vector<1x128xi32> to vector<128xi32>
    %broadcast_in_dim3A_252 = vector.shape_cast %get3A_251 : vector<128xi32> to vector<1x128xi32>
    %eq3A_253 = vector.broadcast %broadcast_in_dim3A_252 : vector<1x128xi32> to vector<128x128xi32>
    %eq3A_254 = arith.cmpi eq, %eq3A_253, %iota3A : vector<128x128xi32>
    %jit3A_255 = arith.constant 1.000000e+00 : f32
    %jit3A_256 = arith.constant 0.000000e+00 : f32
    %broadcast_in_dim3A_257 = vector.broadcast %jit3A_255 : f32 to vector<128x128xf32>
    %broadcast_in_dim3A_258 = vector.broadcast %jit3A_256 : f32 to vector<128x128xf32>
    %select_n3A_259 = arith.select %eq3A_254, %broadcast_in_dim3A_257, %broadcast_in_dim3A_258 : vector<128x128xi1>, vector<128x128xf32>
    %add3A_260 = arith.addf %add3A_247, %select_n3A_259 : vector<128x128xf32>
    %get3A_261 = arith.constant 18 : index
    %get3A_262 = arith.constant 0 : index
    %get3A_263 = vector.load %arg1[%get3A_261, %get3A_262] : memref<32x128xi32, #tpu.memory_space<vmem>>, vector<1x128xi32>
    %get3A_264 = vector.shape_cast %get3A_263 : vector<1x128xi32> to vector<128xi32>
    %broadcast_in_dim3A_265 = vector.shape_cast %get3A_264 : vector<128xi32> to vector<1x128xi32>
    %eq3A_266 = vector.broadcast %broadcast_in_dim3A_265 : vector<1x128xi32> to vector<128x128xi32>
    %eq3A_267 = arith.cmpi eq, %eq3A_266, %iota3A : vector<128x128xi32>
    %jit3A_268 = arith.constant 1.000000e+00 : f32
    %jit3A_269 = arith.constant 0.000000e+00 : f32
    %broadcast_in_dim3A_270 = vector.broadcast %jit3A_268 : f32 to vector<128x128xf32>
    %broadcast_in_dim3A_271 = vector.broadcast %jit3A_269 : f32 to vector<128x128xf32>
    %select_n3A_272 = arith.select %eq3A_267, %broadcast_in_dim3A_270, %broadcast_in_dim3A_271 : vector<128x128xi1>, vector<128x128xf32>
    %add3A_273 = arith.addf %add3A_260, %select_n3A_272 : vector<128x128xf32>
    %get3A_274 = arith.constant 19 : index
    %get3A_275 = arith.constant 0 : index
    %get3A_276 = vector.load %arg1[%get3A_274, %get3A_275] : memref<32x128xi32, #tpu.memory_space<vmem>>, vector<1x128xi32>
    %get3A_277 = vector.shape_cast %get3A_276 : vector<1x128xi32> to vector<128xi32>
    %broadcast_in_dim3A_278 = vector.shape_cast %get3A_277 : vector<128xi32> to vector<1x128xi32>
    %eq3A_279 = vector.broadcast %broadcast_in_dim3A_278 : vector<1x128xi32> to vector<128x128xi32>
    %eq3A_280 = arith.cmpi eq, %eq3A_279, %iota3A : vector<128x128xi32>
    %jit3A_281 = arith.constant 1.000000e+00 : f32
    %jit3A_282 = arith.constant 0.000000e+00 : f32
    %broadcast_in_dim3A_283 = vector.broadcast %jit3A_281 : f32 to vector<128x128xf32>
    %broadcast_in_dim3A_284 = vector.broadcast %jit3A_282 : f32 to vector<128x128xf32>
    %select_n3A_285 = arith.select %eq3A_280, %broadcast_in_dim3A_283, %broadcast_in_dim3A_284 : vector<128x128xi1>, vector<128x128xf32>
    %add3A_286 = arith.addf %add3A_273, %select_n3A_285 : vector<128x128xf32>
    %get3A_287 = arith.constant 20 : index
    %get3A_288 = arith.constant 0 : index
    %get3A_289 = vector.load %arg1[%get3A_287, %get3A_288] : memref<32x128xi32, #tpu.memory_space<vmem>>, vector<1x128xi32>
    %get3A_290 = vector.shape_cast %get3A_289 : vector<1x128xi32> to vector<128xi32>
    %broadcast_in_dim3A_291 = vector.shape_cast %get3A_290 : vector<128xi32> to vector<1x128xi32>
    %eq3A_292 = vector.broadcast %broadcast_in_dim3A_291 : vector<1x128xi32> to vector<128x128xi32>
    %eq3A_293 = arith.cmpi eq, %eq3A_292, %iota3A : vector<128x128xi32>
    %jit3A_294 = arith.constant 1.000000e+00 : f32
    %jit3A_295 = arith.constant 0.000000e+00 : f32
    %broadcast_in_dim3A_296 = vector.broadcast %jit3A_294 : f32 to vector<128x128xf32>
    %broadcast_in_dim3A_297 = vector.broadcast %jit3A_295 : f32 to vector<128x128xf32>
    %select_n3A_298 = arith.select %eq3A_293, %broadcast_in_dim3A_296, %broadcast_in_dim3A_297 : vector<128x128xi1>, vector<128x128xf32>
    %add3A_299 = arith.addf %add3A_286, %select_n3A_298 : vector<128x128xf32>
    %get3A_300 = arith.constant 21 : index
    %get3A_301 = arith.constant 0 : index
    %get3A_302 = vector.load %arg1[%get3A_300, %get3A_301] : memref<32x128xi32, #tpu.memory_space<vmem>>, vector<1x128xi32>
    %get3A_303 = vector.shape_cast %get3A_302 : vector<1x128xi32> to vector<128xi32>
    %broadcast_in_dim3A_304 = vector.shape_cast %get3A_303 : vector<128xi32> to vector<1x128xi32>
    %eq3A_305 = vector.broadcast %broadcast_in_dim3A_304 : vector<1x128xi32> to vector<128x128xi32>
    %eq3A_306 = arith.cmpi eq, %eq3A_305, %iota3A : vector<128x128xi32>
    %jit3A_307 = arith.constant 1.000000e+00 : f32
    %jit3A_308 = arith.constant 0.000000e+00 : f32
    %broadcast_in_dim3A_309 = vector.broadcast %jit3A_307 : f32 to vector<128x128xf32>
    %broadcast_in_dim3A_310 = vector.broadcast %jit3A_308 : f32 to vector<128x128xf32>
    %select_n3A_311 = arith.select %eq3A_306, %broadcast_in_dim3A_309, %broadcast_in_dim3A_310 : vector<128x128xi1>, vector<128x128xf32>
    %add3A_312 = arith.addf %add3A_299, %select_n3A_311 : vector<128x128xf32>
    %get3A_313 = arith.constant 22 : index
    %get3A_314 = arith.constant 0 : index
    %get3A_315 = vector.load %arg1[%get3A_313, %get3A_314] : memref<32x128xi32, #tpu.memory_space<vmem>>, vector<1x128xi32>
    %get3A_316 = vector.shape_cast %get3A_315 : vector<1x128xi32> to vector<128xi32>
    %broadcast_in_dim3A_317 = vector.shape_cast %get3A_316 : vector<128xi32> to vector<1x128xi32>
    %eq3A_318 = vector.broadcast %broadcast_in_dim3A_317 : vector<1x128xi32> to vector<128x128xi32>
    %eq3A_319 = arith.cmpi eq, %eq3A_318, %iota3A : vector<128x128xi32>
    %jit3A_320 = arith.constant 1.000000e+00 : f32
    %jit3A_321 = arith.constant 0.000000e+00 : f32
    %broadcast_in_dim3A_322 = vector.broadcast %jit3A_320 : f32 to vector<128x128xf32>
    %broadcast_in_dim3A_323 = vector.broadcast %jit3A_321 : f32 to vector<128x128xf32>
    %select_n3A_324 = arith.select %eq3A_319, %broadcast_in_dim3A_322, %broadcast_in_dim3A_323 : vector<128x128xi1>, vector<128x128xf32>
    %add3A_325 = arith.addf %add3A_312, %select_n3A_324 : vector<128x128xf32>
    %get3A_326 = arith.constant 23 : index
    %get3A_327 = arith.constant 0 : index
    %get3A_328 = vector.load %arg1[%get3A_326, %get3A_327] : memref<32x128xi32, #tpu.memory_space<vmem>>, vector<1x128xi32>
    %get3A_329 = vector.shape_cast %get3A_328 : vector<1x128xi32> to vector<128xi32>
    %broadcast_in_dim3A_330 = vector.shape_cast %get3A_329 : vector<128xi32> to vector<1x128xi32>
    %eq3A_331 = vector.broadcast %broadcast_in_dim3A_330 : vector<1x128xi32> to vector<128x128xi32>
    %eq3A_332 = arith.cmpi eq, %eq3A_331, %iota3A : vector<128x128xi32>
    %jit3A_333 = arith.constant 1.000000e+00 : f32
    %jit3A_334 = arith.constant 0.000000e+00 : f32
    %broadcast_in_dim3A_335 = vector.broadcast %jit3A_333 : f32 to vector<128x128xf32>
    %broadcast_in_dim3A_336 = vector.broadcast %jit3A_334 : f32 to vector<128x128xf32>
    %select_n3A_337 = arith.select %eq3A_332, %broadcast_in_dim3A_335, %broadcast_in_dim3A_336 : vector<128x128xi1>, vector<128x128xf32>
    %add3A_338 = arith.addf %add3A_325, %select_n3A_337 : vector<128x128xf32>
    %get3A_339 = arith.constant 24 : index
    %get3A_340 = arith.constant 0 : index
    %get3A_341 = vector.load %arg1[%get3A_339, %get3A_340] : memref<32x128xi32, #tpu.memory_space<vmem>>, vector<1x128xi32>
    %get3A_342 = vector.shape_cast %get3A_341 : vector<1x128xi32> to vector<128xi32>
    %broadcast_in_dim3A_343 = vector.shape_cast %get3A_342 : vector<128xi32> to vector<1x128xi32>
    %eq3A_344 = vector.broadcast %broadcast_in_dim3A_343 : vector<1x128xi32> to vector<128x128xi32>
    %eq3A_345 = arith.cmpi eq, %eq3A_344, %iota3A : vector<128x128xi32>
    %jit3A_346 = arith.constant 1.000000e+00 : f32
    %jit3A_347 = arith.constant 0.000000e+00 : f32
    %broadcast_in_dim3A_348 = vector.broadcast %jit3A_346 : f32 to vector<128x128xf32>
    %broadcast_in_dim3A_349 = vector.broadcast %jit3A_347 : f32 to vector<128x128xf32>
    %select_n3A_350 = arith.select %eq3A_345, %broadcast_in_dim3A_348, %broadcast_in_dim3A_349 : vector<128x128xi1>, vector<128x128xf32>
    %add3A_351 = arith.addf %add3A_338, %select_n3A_350 : vector<128x128xf32>
    %get3A_352 = arith.constant 25 : index
    %get3A_353 = arith.constant 0 : index
    %get3A_354 = vector.load %arg1[%get3A_352, %get3A_353] : memref<32x128xi32, #tpu.memory_space<vmem>>, vector<1x128xi32>
    %get3A_355 = vector.shape_cast %get3A_354 : vector<1x128xi32> to vector<128xi32>
    %broadcast_in_dim3A_356 = vector.shape_cast %get3A_355 : vector<128xi32> to vector<1x128xi32>
    %eq3A_357 = vector.broadcast %broadcast_in_dim3A_356 : vector<1x128xi32> to vector<128x128xi32>
    %eq3A_358 = arith.cmpi eq, %eq3A_357, %iota3A : vector<128x128xi32>
    %jit3A_359 = arith.constant 1.000000e+00 : f32
    %jit3A_360 = arith.constant 0.000000e+00 : f32
    %broadcast_in_dim3A_361 = vector.broadcast %jit3A_359 : f32 to vector<128x128xf32>
    %broadcast_in_dim3A_362 = vector.broadcast %jit3A_360 : f32 to vector<128x128xf32>
    %select_n3A_363 = arith.select %eq3A_358, %broadcast_in_dim3A_361, %broadcast_in_dim3A_362 : vector<128x128xi1>, vector<128x128xf32>
    %add3A_364 = arith.addf %add3A_351, %select_n3A_363 : vector<128x128xf32>
    %get3A_365 = arith.constant 26 : index
    %get3A_366 = arith.constant 0 : index
    %get3A_367 = vector.load %arg1[%get3A_365, %get3A_366] : memref<32x128xi32, #tpu.memory_space<vmem>>, vector<1x128xi32>
    %get3A_368 = vector.shape_cast %get3A_367 : vector<1x128xi32> to vector<128xi32>
    %broadcast_in_dim3A_369 = vector.shape_cast %get3A_368 : vector<128xi32> to vector<1x128xi32>
    %eq3A_370 = vector.broadcast %broadcast_in_dim3A_369 : vector<1x128xi32> to vector<128x128xi32>
    %eq3A_371 = arith.cmpi eq, %eq3A_370, %iota3A : vector<128x128xi32>
    %jit3A_372 = arith.constant 1.000000e+00 : f32
    %jit3A_373 = arith.constant 0.000000e+00 : f32
    %broadcast_in_dim3A_374 = vector.broadcast %jit3A_372 : f32 to vector<128x128xf32>
    %broadcast_in_dim3A_375 = vector.broadcast %jit3A_373 : f32 to vector<128x128xf32>
    %select_n3A_376 = arith.select %eq3A_371, %broadcast_in_dim3A_374, %broadcast_in_dim3A_375 : vector<128x128xi1>, vector<128x128xf32>
    %add3A_377 = arith.addf %add3A_364, %select_n3A_376 : vector<128x128xf32>
    %get3A_378 = arith.constant 27 : index
    %get3A_379 = arith.constant 0 : index
    %get3A_380 = vector.load %arg1[%get3A_378, %get3A_379] : memref<32x128xi32, #tpu.memory_space<vmem>>, vector<1x128xi32>
    %get3A_381 = vector.shape_cast %get3A_380 : vector<1x128xi32> to vector<128xi32>
    %broadcast_in_dim3A_382 = vector.shape_cast %get3A_381 : vector<128xi32> to vector<1x128xi32>
    %eq3A_383 = vector.broadcast %broadcast_in_dim3A_382 : vector<1x128xi32> to vector<128x128xi32>
    %eq3A_384 = arith.cmpi eq, %eq3A_383, %iota3A : vector<128x128xi32>
    %jit3A_385 = arith.constant 1.000000e+00 : f32
    %jit3A_386 = arith.constant 0.000000e+00 : f32
    %broadcast_in_dim3A_387 = vector.broadcast %jit3A_385 : f32 to vector<128x128xf32>
    %broadcast_in_dim3A_388 = vector.broadcast %jit3A_386 : f32 to vector<128x128xf32>
    %select_n3A_389 = arith.select %eq3A_384, %broadcast_in_dim3A_387, %broadcast_in_dim3A_388 : vector<128x128xi1>, vector<128x128xf32>
    %add3A_390 = arith.addf %add3A_377, %select_n3A_389 : vector<128x128xf32>
    %get3A_391 = arith.constant 28 : index
    %get3A_392 = arith.constant 0 : index
    %get3A_393 = vector.load %arg1[%get3A_391, %get3A_392] : memref<32x128xi32, #tpu.memory_space<vmem>>, vector<1x128xi32>
    %get3A_394 = vector.shape_cast %get3A_393 : vector<1x128xi32> to vector<128xi32>
    %broadcast_in_dim3A_395 = vector.shape_cast %get3A_394 : vector<128xi32> to vector<1x128xi32>
    %eq3A_396 = vector.broadcast %broadcast_in_dim3A_395 : vector<1x128xi32> to vector<128x128xi32>
    %eq3A_397 = arith.cmpi eq, %eq3A_396, %iota3A : vector<128x128xi32>
    %jit3A_398 = arith.constant 1.000000e+00 : f32
    %jit3A_399 = arith.constant 0.000000e+00 : f32
    %broadcast_in_dim3A_400 = vector.broadcast %jit3A_398 : f32 to vector<128x128xf32>
    %broadcast_in_dim3A_401 = vector.broadcast %jit3A_399 : f32 to vector<128x128xf32>
    %select_n3A_402 = arith.select %eq3A_397, %broadcast_in_dim3A_400, %broadcast_in_dim3A_401 : vector<128x128xi1>, vector<128x128xf32>
    %add3A_403 = arith.addf %add3A_390, %select_n3A_402 : vector<128x128xf32>
    %get3A_404 = arith.constant 29 : index
    %get3A_405 = arith.constant 0 : index
    %get3A_406 = vector.load %arg1[%get3A_404, %get3A_405] : memref<32x128xi32, #tpu.memory_space<vmem>>, vector<1x128xi32>
    %get3A_407 = vector.shape_cast %get3A_406 : vector<1x128xi32> to vector<128xi32>
    %broadcast_in_dim3A_408 = vector.shape_cast %get3A_407 : vector<128xi32> to vector<1x128xi32>
    %eq3A_409 = vector.broadcast %broadcast_in_dim3A_408 : vector<1x128xi32> to vector<128x128xi32>
    %eq3A_410 = arith.cmpi eq, %eq3A_409, %iota3A : vector<128x128xi32>
    %jit3A_411 = arith.constant 1.000000e+00 : f32
    %jit3A_412 = arith.constant 0.000000e+00 : f32
    %broadcast_in_dim3A_413 = vector.broadcast %jit3A_411 : f32 to vector<128x128xf32>
    %broadcast_in_dim3A_414 = vector.broadcast %jit3A_412 : f32 to vector<128x128xf32>
    %select_n3A_415 = arith.select %eq3A_410, %broadcast_in_dim3A_413, %broadcast_in_dim3A_414 : vector<128x128xi1>, vector<128x128xf32>
    %add3A_416 = arith.addf %add3A_403, %select_n3A_415 : vector<128x128xf32>
    %get3A_417 = arith.constant 30 : index
    %get3A_418 = arith.constant 0 : index
    %get3A_419 = vector.load %arg1[%get3A_417, %get3A_418] : memref<32x128xi32, #tpu.memory_space<vmem>>, vector<1x128xi32>
    %get3A_420 = vector.shape_cast %get3A_419 : vector<1x128xi32> to vector<128xi32>
    %broadcast_in_dim3A_421 = vector.shape_cast %get3A_420 : vector<128xi32> to vector<1x128xi32>
    %eq3A_422 = vector.broadcast %broadcast_in_dim3A_421 : vector<1x128xi32> to vector<128x128xi32>
    %eq3A_423 = arith.cmpi eq, %eq3A_422, %iota3A : vector<128x128xi32>
    %jit3A_424 = arith.constant 1.000000e+00 : f32
    %jit3A_425 = arith.constant 0.000000e+00 : f32
    %broadcast_in_dim3A_426 = vector.broadcast %jit3A_424 : f32 to vector<128x128xf32>
    %broadcast_in_dim3A_427 = vector.broadcast %jit3A_425 : f32 to vector<128x128xf32>
    %select_n3A_428 = arith.select %eq3A_423, %broadcast_in_dim3A_426, %broadcast_in_dim3A_427 : vector<128x128xi1>, vector<128x128xf32>
    %add3A_429 = arith.addf %add3A_416, %select_n3A_428 : vector<128x128xf32>
    %get3A_430 = arith.constant 31 : index
    %get3A_431 = arith.constant 0 : index
    %get3A_432 = vector.load %arg1[%get3A_430, %get3A_431] : memref<32x128xi32, #tpu.memory_space<vmem>>, vector<1x128xi32>
    %get3A_433 = vector.shape_cast %get3A_432 : vector<1x128xi32> to vector<128xi32>
    %broadcast_in_dim3A_434 = vector.shape_cast %get3A_433 : vector<128xi32> to vector<1x128xi32>
    %eq3A_435 = vector.broadcast %broadcast_in_dim3A_434 : vector<1x128xi32> to vector<128x128xi32>
    %eq3A_436 = arith.cmpi eq, %eq3A_435, %iota3A : vector<128x128xi32>
    %jit3A_437 = arith.constant 1.000000e+00 : f32
    %jit3A_438 = arith.constant 0.000000e+00 : f32
    %broadcast_in_dim3A_439 = vector.broadcast %jit3A_437 : f32 to vector<128x128xf32>
    %broadcast_in_dim3A_440 = vector.broadcast %jit3A_438 : f32 to vector<128x128xf32>
    %select_n3A_441 = arith.select %eq3A_436, %broadcast_in_dim3A_439, %broadcast_in_dim3A_440 : vector<128x128xi1>, vector<128x128xf32>
    %add3A_442 = arith.addf %add3A_429, %select_n3A_441 : vector<128x128xf32>
    %reduce_sum3A = arith.constant dense<0.000000e+00> : vector<128xf32>
    %reduce_sum3A_443 = vector.multi_reduction <add>, %add3A_442, %reduce_sum3A [1] : vector<128x128xf32> to vector<128xf32>
    %broadcast_in_dim3A_444 = vector.shape_cast %reduce_sum3A_443 : vector<128xf32> to vector<128x1xf32>
    %get3A_445 = arith.constant 0 : index
    %get3A_446 = arith.constant 0 : index
    %get3A_447 = vector.load %arg2[%get3A_445, %get3A_446] : memref<32x16xf32, #tpu.memory_space<vmem>>, vector<32x16xf32>
    %reduce_sum3A_448 = vector.shape_cast %get3A_447 : vector<32x16xf32> to vector<1x32x16xf32>
    %reduce_sum3A_449 = arith.constant dense<0.000000e+00> : vector<1xf32>
    %reduce_sum3A_450 = vector.multi_reduction <add>, %reduce_sum3A_448, %reduce_sum3A_449 [1, 2] : vector<1x32x16xf32> to vector<1xf32>
    %reduce_sum3A_451 = vector.shape_cast %reduce_sum3A_450 : vector<1xf32> to vector<1x1x1xf32>
    %reduce_sum3A_452 = vector.extract %reduce_sum3A_451[0, 0, 0] : f32 from vector<1x1x1xf32>
    %max3A = arith.constant 1.000000e+00 : f32
    %max3A_453 = vector.broadcast %max3A : f32 to vector<128x1xf32>
    %max3A_454 = arith.maximumf %broadcast_in_dim3A_444, %max3A_453 : vector<128x1xf32>
    %div3A = vector.broadcast %max3A_454 : vector<128x1xf32> to vector<128x512xf32>
    %div3A_455 = arith.divf %add3A_28, %div3A : vector<128x512xf32>
    %mul3A = arith.mulf %div3A_455, %div3A_455 : vector<128x512xf32>
    %reduce_sum3A_456 = arith.constant dense<0.000000e+00> : vector<128xf32>
    %reduce_sum3A_457 = vector.multi_reduction <add>, %mul3A, %reduce_sum3A_456 [1] : vector<128x512xf32> to vector<128xf32>
    %broadcast_in_dim3A_458 = vector.shape_cast %reduce_sum3A_457 : vector<128xf32> to vector<128x1xf32>
    %mul3A_459 = arith.mulf %broadcast_in_dim3A_444, %broadcast_in_dim3A_458 : vector<128x1xf32>
    %reduce_sum3A_460 = vector.shape_cast %mul3A_459 : vector<128x1xf32> to vector<1x128x1xf32>
    %reduce_sum3A_461 = arith.constant dense<0.000000e+00> : vector<1xf32>
    %reduce_sum3A_462 = vector.multi_reduction <add>, %reduce_sum3A_460, %reduce_sum3A_461 [1, 2] : vector<1x128x1xf32> to vector<1xf32>
    %reduce_sum3A_463 = vector.shape_cast %reduce_sum3A_462 : vector<1xf32> to vector<1x1x1xf32>
    %reduce_sum3A_464 = vector.extract %reduce_sum3A_463[0, 0, 0] : f32 from vector<1x1x1xf32>
    %sub3A = arith.subf %reduce_sum3A_452, %reduce_sum3A_464 : f32
    %div3A_465 = arith.constant 4.096000e+03 : f32
    %div3A_466 = arith.divf %sub3A, %div3A_465 : f32
    %dot_general3A = arith.constant dense<0.000000e+00> : vector<128x128xf32>
    %dot_general3A_467 = tpu.matmul %div3A_455, %div3A_455, %dot_general3A {dimension_numbers = #tpu.dot_dimension_numbers<[1], [1], [0], [0], [0, 0, 1, 0], [], []>, transpose_lhs_hint = false} : vector<128x512xf32>, vector<128x512xf32>, vector<128x128xf32> -> vector<128x128xf32>
    %broadcast_in_dim3A_468 = arith.constant 1.000000e+00 : f32
    %broadcast_in_dim3A_469 = vector.broadcast %broadcast_in_dim3A_468 : f32 to vector<128x1xf32>
    %dot_general3A_470 = arith.constant dense<0.000000e+00> : vector<128x128xf32>
    %dot_general3A_471 = tpu.matmul %broadcast_in_dim3A_469, %broadcast_in_dim3A_458, %dot_general3A_470 {dimension_numbers = #tpu.dot_dimension_numbers<[1], [1], [0], [0], [0, 0, 1, 0], [], []>, transpose_lhs_hint = false} : vector<128x1xf32>, vector<128x1xf32>, vector<128x128xf32> -> vector<128x128xf32>
    %add3A_472 = vector.broadcast %broadcast_in_dim3A_458 : vector<128x1xf32> to vector<128x128xf32>
    %add3A_473 = arith.addf %add3A_472, %dot_general3A_471 : vector<128x128xf32>
    %mul3A_474 = arith.constant 2.000000e+00 : f32
    %mul3A_475 = vector.broadcast %mul3A_474 : f32 to vector<128x128xf32>
    %mul3A_476 = arith.mulf %mul3A_475, %dot_general3A_467 : vector<128x128xf32>
    %sub3A_477 = arith.subf %add3A_473, %mul3A_476 : vector<128x128xf32>
    %sub3A_478 = arith.constant 2.000000e+00 : f32
    %sub3A_479 = vector.broadcast %sub3A_478 : f32 to vector<128x128xf32>
    %sub3A_480 = arith.subf %sub3A_479, %sub3A_477 : vector<128x128xf32>
    %max3A_481 = arith.constant 0.000000e+00 : f32
    %max3A_482 = vector.broadcast %max3A_481 : f32 to vector<128x128xf32>
    %max3A_483 = arith.maximumf %sub3A_480, %max3A_482 : vector<128x128xf32>
    %iota3A_484 = tpu.iota {dimensions = array<i32: 0>} : vector<128x128xi32>
    %iota3A_485 = tpu.iota {dimensions = array<i32: 1>} : vector<128x128xi32>
    %ne3A = arith.cmpi ne, %iota3A_484, %iota3A_485 : vector<128x128xi32>
    %lt3A = arith.constant 100 : i32
    %lt3A_486 = vector.broadcast %lt3A : i32 to vector<128x128xi32>
    %lt3A_487 = arith.cmpi slt, %iota3A_484, %lt3A_486 : vector<128x128xi32>
    %and3A = arith.andi %ne3A, %lt3A_487 : vector<128x128xi1>
    %lt3A_488 = arith.constant 100 : i32
    %lt3A_489 = vector.broadcast %lt3A_488 : i32 to vector<128x128xi32>
    %lt3A_490 = arith.cmpi slt, %iota3A_485, %lt3A_489 : vector<128x128xi32>
    %and3A_491 = arith.andi %and3A, %lt3A_490 : vector<128x128xi1>
    %jit3A_492 = arith.constant 0.000000e+00 : f32
    %broadcast_in_dim3A_493 = vector.broadcast %jit3A_492 : f32 to vector<128x128xf32>
    %select_n3A_494 = arith.select %and3A_491, %max3A_483, %broadcast_in_dim3A_493 : vector<128x128xi1>, vector<128x128xf32>
    %reduce_sum3A_495 = vector.shape_cast %select_n3A_494 : vector<128x128xf32> to vector<1x128x128xf32>
    %reduce_sum3A_496 = arith.constant dense<0.000000e+00> : vector<1xf32>
    %reduce_sum3A_497 = vector.multi_reduction <add>, %reduce_sum3A_495, %reduce_sum3A_496 [1, 2] : vector<1x128x128xf32> to vector<1xf32>
    %reduce_sum3A_498 = vector.shape_cast %reduce_sum3A_497 : vector<1xf32> to vector<1x1x1xf32>
    %reduce_sum3A_499 = vector.extract %reduce_sum3A_498[0, 0, 0] : f32 from vector<1x1x1xf32>
    %mul3A_500 = arith.constant 5.000000e-01 : f32
    %mul3A_501 = arith.mulf %reduce_sum3A_499, %mul3A_500 : f32
    %eq3A_502 = arith.constant 1 : i32
    %eq3A_503 = vector.broadcast %eq3A_502 : i32 to vector<128x128xi32>
    %eq3A_504 = arith.cmpi eq, %iota3A_484, %eq3A_503 : vector<128x128xi32>
    %eq3A_505 = arith.constant 2 : i32
    %eq3A_506 = vector.broadcast %eq3A_505 : i32 to vector<128x128xi32>
    %eq3A_507 = arith.cmpi eq, %iota3A_485, %eq3A_506 : vector<128x128xi32>
    %and3A_508 = arith.andi %eq3A_504, %eq3A_507 : vector<128x128xi1>
    %jit3A_509 = arith.constant 0.000000e+00 : f32
    %broadcast_in_dim3A_510 = vector.broadcast %jit3A_509 : f32 to vector<128x128xf32>
    %select_n3A_511 = arith.select %and3A_508, %max3A_483, %broadcast_in_dim3A_510 : vector<128x128xi1>, vector<128x128xf32>
    %reduce_sum3A_512 = vector.shape_cast %select_n3A_511 : vector<128x128xf32> to vector<1x128x128xf32>
    %reduce_sum3A_513 = arith.constant dense<0.000000e+00> : vector<1xf32>
    %reduce_sum3A_514 = vector.multi_reduction <add>, %reduce_sum3A_512, %reduce_sum3A_513 [1, 2] : vector<1x128x128xf32> to vector<1xf32>
    %reduce_sum3A_515 = vector.shape_cast %reduce_sum3A_514 : vector<1xf32> to vector<1x1x1xf32>
    %reduce_sum3A_516 = vector.extract %reduce_sum3A_515[0, 0, 0] : f32 from vector<1x1x1xf32>
    %add3A_517 = arith.addf %mul3A_501, %reduce_sum3A_516 : f32
    %div3A_518 = arith.constant 4.950000e+03 : f32
    %div3A_519 = arith.divf %add3A_517, %div3A_518 : f32
    %add3A_520 = arith.addf %div3A_466, %div3A_519 : f32
    %broadcast_in_dim3A_521 = vector.broadcast %add3A_520 : f32 to vector<1x1xf32>
    %swap3A = arith.constant 0 : index
    %swap3A_522 = arith.constant 0 : index
    %swap3A_523 = vector.load %arg3[%swap3A, %swap3A_522] : memref<1x1xf32, #tpu.memory_space<vmem>>, vector<1x1xf32>
    tpu.vector_store %arg3[%swap3A, %swap3A_522], %broadcast_in_dim3A_521 {strides = array<i32>} : memref<1x1xf32, #tpu.memory_space<vmem>>, vector<1x1xf32>,
    return
  }
}

</mosaic_0001>

<sc_bundles>
// kernel: kernel.4.cloned.1.call-start
scs
__scs_entry_jumppad:
0x0: {  	(pc) =	sbr.rel $0x88, $3  }
0x1: {  	(tag) =	ssettag $0x0;
	lr =	simm.s32 $0x1  }
0x2: {  	[smem:$0x3F9F] =	sst lr;
	_ =	strace $0xD0000000  }
0x3: {  	_ = 	snop  }
0x4: {  	_ = 	snop  }
0x5: {  	_ = 	snop  }
0x6: {  	_ = 	snop  }
0x7: {  	_ = 	snop  }
__scs_overlays_trampoline_lowered:
0x8: {  	[smem:$0x3FAE] =	sst s0  }
0x9: {  	[smem:$0x3FAF] =	sst s1  }
0xa: {  	[smem:$0x3FB0] =	sst s2  }
0xb: {  	[smem:$0x3FB1] =	sst s3  }
0xc: {  	[smem:$0x3FB2] =	sst s4  }
0xd: {  	[smem:$0x3FB3] =	sst s5  }
0xe: {  	[smem:$0x3FB4] =	sst s6  }
0xf: {  	[smem:$0x3FB5] =	sst s7  }
0x10: {  	[smem:$0x3FB6] =	sst s8  }
0x11: {  	[smem:$0x3FB7] =	sst s9;
	s0 =	simm.s32 @!p0 $0x0  }
0x12: {  	s1 =	sld [smem:$0x3F9D];
	s0 =	simm.s32 @p0 $0x1  }
0x13: {  	[smem:$0x3FB8] =	sst s0;
	s0 =	simm.s32 @!p1 $0x0  }
0x14: {  	s2 =	sld [smem:$0x3F9C];
	s0 =	simm.s32 @p1 $0x1  }
0x15: {  	[smem:$0x3FB9] =	sst s0;
	s0 =	simm.s32 @!p2 $0x0  }
0x16: {  	s3 =	sld [smem:$0x3FDB];
	s0 =	simm.s32 @p2 $0x1  }
0x17: {  	s4 =	simm.s32 $0x1BF5;
	[smem:$0x3FBB] =	sst s0  }
0x18: {  	s0 =	sld [smem:$0x3F9E];
	_ =	swait.ge [sflag:s4], $0x0  }
0x19: {  	s7 =	sld [smem:$0x3F9F]  }
0x1a: {  	s8 =	sadd.s32 $0xFFFFE003, lr  }
0x1b: {  	s9 =	sadd.s32 $0xFFFFFEF7, lr;
	s5 =	simm.s32 $0xFFFFFFFF;
	p2 =	slt.u32 s8, $0xFFFFF086  }
0x1c: {  	p1 =	slt.u32 s9, $0xF7A;
	s5 =	simm.s32 @!p2 $0x0  }
0x1d: {  	s5 =	simm.s32 @p1 $0x1;
	p0 =	seq.s32 s7, s2  }
0x1e: {  	s7 =	smul.u32 @!p0 $0xF7A, s2;
	p2 =	seq.s32 @!p0 s5, $0x0  }
0x1f: {  	s9 =	smul.u32 $0xF7A, s1;
	s8 =	simm.s32 @!p0 $0x1BF5;
	p2 =	por !p2, p0  }
0x20: {  	[sflag:s8] =	ssyncset.s32 @!p0 $0xFFFFF086;
	s6 =	sadd.s32 @!p0 s3, s7;
	s7 =	simm.s32 @!p0 $0x108  }
0x21: {  	s3 =	sadd.s32 s3, s9;
	s6 =	sadd.s32 @!p0 $0x88, s6;
	s7 =	simm.s32 @p2 $0x1082  }
0x22: {  	[simem:s7], [sflag:s8] =	dma.local @!p0 [hbm:s6], $0xF7A  }
0x23: {  	s9 =	sor.u32 $0xD0000000, s2;
	s6 =	simm.s32 $0x108;
	_ =	swait.ge @!p0 [sflag:s8], $0x0  }
0x24: {  	s3 =	sadd.s32 $0x88, s3;
	s6 =	simm.s32 @!p1 $0x1082;
	[sflag:s4] =	ssyncset.s32 $0xFFFFF086  }
0x25: {  	[simem:s6], [sflag:s4] =	dma.local [hbm:s3], $0xF7A  }
0x26: {  	[smem:$0x3F9F] =	sst s1;
	(tag) =	ssettag s2;
	_ =	strace s9  }
0x27: {  	s1 =	sld [smem:$0x3FAF]  }
0x28: {  	s2 =	sld [smem:$0x3FB0]  }
0x29: {  	s4 =	sld [smem:$0x3FB2]  }
0x2a: {  	p0 =	seq.s32 s5, $0x0;
	s5 =	sld [smem:$0x3FB3]  }
0x2b: {  	s6 =	sld [smem:$0x3FB4]  }
0x2c: {  	s7 =	sld [smem:$0x3FB5]  }
0x2d: {  	s3 =	simm.s32 $0x108;
	s8 =	sld [smem:$0x3FB6]  }
0x2e: {  	s3 =	simm.s32 @!p0 $0x1082;
	s9 =	sld [smem:$0x3FB7]  }
0x2f: {  	lr =	sadd.s32 s0, s3;
	s0 =	sld [smem:$0x3FAE]  }
0x30: {  	s3 =	sld [smem:$0x3FB1]  }
0x31: {  	[smem:$0x3FBA] =	sst s10  }
0x32: {  	s10 =	sld [smem:$0x3FB8];
	_ =	sdelay $0x3  }
0x33: {  	p0 =	seq.s32 s10, $0x1;
	s10 =	sld [smem:$0x3FBA];
	_ =	sdelay $0x3  }
0x34: {  	[smem:$0x3FBA] =	sst s10  }
0x35: {  	s10 =	sld [smem:$0x3FB9];
	_ =	sdelay $0x3  }
0x36: {  	p1 =	seq.s32 s10, $0x1;
	s10 =	sld [smem:$0x3FBA];
	_ =	sdelay $0x3  }
0x37: {  	[smem:$0x3FBA] =	sst s10  }
0x38: {  	s10 =	sld [smem:$0x3FBB]  }
0x39: {  	_ = 	snop;
	(pc) =	sbr.ind lr, $3  }
0x3a: {  	_ = 	snop  }
0x3b: {  	_ = 	snop  }
0x3c: {  	p2 =	seq.s32 s10, $0x1;
	s10 =	sld [smem:$0x3FBA]  }
0x3d: {  	_ =	shalt  }
0x3e: {  	_ =	shalt  }
0x3f: {  	_ =	shalt  }
0x40: {  	_ =	shalt  }
0x41: {  	_ =	shalt  }
0x42: {  	_ =	shalt  }
0x43: {  	_ =	shalt  }
0x44: {  	_ =	shalt  }
0x45: {  	_ =	shalt  }
0x46: {  	_ =	shalt  }
0x47: {  	_ =	shalt  }
0x48: {  	_ =	shalt  }
0x49: {  	_ =	shalt  }
0x4a: {  	_ =	shalt  }
0x4b: {  	_ =	shalt  }
0x4c: {  	_ =	shalt  }
0x4d: {  	_ =	shalt  }
0x4e: {  	_ =	shalt  }
0x4f: {  	_ =	shalt  }
0x50: {  	_ =	shalt  }
0x51: {  	_ =	shalt  }
0x52: {  	_ =	shalt  }
0x53: {  	_ =	shalt  }
0x54: {  	_ =	shalt  }
0x55: {  	_ =	shalt  }
0x56: {  	_ =	shalt  }
0x57: {  	_ =	shalt  }
0x58: {  	_ =	shalt  }
0x59: {  	_ =	shalt  }
0x5a: {  	_ =	shalt  }
0x5b: {  	_ =	shalt  }
0x5c: {  	_ =	shalt  }
0x5d: {  	_ =	shalt  }
0x5e: {  	_ =	shalt  }
0x5f: {  	_ =	shalt  }
0x60: {  	_ =	shalt  }
0x61: {  	_ =	shalt  }
0x62: {  	_ =	shalt  }
0x63: {  	_ =	shalt  }
0x64: {  	_ =	shalt  }
0x65: {  	_ =	shalt  }
0x66: {  	_ =	shalt  }
0x67: {  	_ =	shalt  }
0x68: {  	_ =	shalt  }
0x69: {  	_ =	shalt  }
0x6a: {  	_ =	shalt  }
0x6b: {  	_ =	shalt  }
0x6c: {  	_ =	shalt  }
0x6d: {  	_ =	shalt  }
0x6e: {  	_ =	shalt  }
0x6f: {  	_ =	shalt  }
0x70: {  	_ =	shalt  }
0x71: {  	_ =	shalt  }
0x72: {  	_ =	shalt  }
0x73: {  	_ =	shalt  }
0x74: {  	_ =	shalt  }
0x75: {  	_ =	shalt  }
0x76: {  	_ =	shalt  }
0x77: {  	_ =	shalt  }
0x78: {  	_ =	shalt  }
0x79: {  	_ =	shalt  }
0x7a: {  	_ =	shalt  }
0x7b: {  	_ =	shalt  }
0x7c: {  	_ =	shalt  }
0x7d: {  	_ =	shalt  }
0x7e: {  	_ =	shalt  }
0x7f: {  	_ =	shalt  }
0x80: {  	_ =	shalt  }
0x81: {  	_ =	shalt  }
0x82: {  	_ =	shalt  }
0x83: {  	_ =	shalt  }
0x84: {  	_ =	shalt  }
0x85: {  	_ =	shalt  }
0x86: {  	_ =	shalt  }
0x87: {  	_ =	shalt  }
.Lfunc_end0:
.L_simem_size_0:
called_computation_lowered:
.L_overlay_start_0:
0x88: {  	s2 =	sld [smem:$0x3FD9]  }
0x89: {  	s3 =	sld [smem:$0x3FFE];
	_ =	sdelay $0x1  }
0x8a: {  	s1 =	srdreg.scid  }
0x8b: {  	s0 =	sand.u32 $0x1, s1  }
0x8c: {  	s17 =	sshll.u32 s0, $0xA;
	s2 =	sadd.s32 s3, s2  }
0x8d: {  	s2 =	sadd.s32 s2, s17  }
0x8e: {  	[smem:$0x3FC6] =	sst s2  }
0x8f: {  	_ = 	snop  }
0x90: {  	s2 =	sld [smem:$0x3FC9]  }
0x91: {  	s18 =	sld [smem:$0x3FC8];
	(tm) =	ssettm $0x1  }
0x92: {  	s4 =	sld [smem:$0x3FFB];
	_ =	sdelay $0x3  }
0x93: {  	_ =	strace s4  }
0x94: {  	s4 =	sld [smem:$0x3FFC];
	_ =	sdelay $0x3  }
0x95: {  	_ =	strace s4  }
0x96: {  	s4 =	sld [smem:$0x3FFD];
	_ =	sdelay $0x3  }
0x97: {  	_ =	strace s4  }
0x98: {  	_ =	strace $0x8FFFFFFF  }
0x99: {  	s19 =	sld [smem:$0x3FDB];
	_ =	sdelay $0x1  }
0x9a: {  	s5 =	simm.s32 $_scs_section_size  }
0x9b: {  	s6 =	simm.s32 $_size__tile_overlayer_lowered;
	s7 =	simm.s32 $_tile_overlayer_lowered  }
0x9c: {  	s22 =	simm.s32 $0x1BFF;
	s21 =	sshll.u32 s7, $0x1;
	s4 =	sadd.s32 s5, s19  }
0x9d: {  	s8 =	simm.s32 $0x0;
	s20 =	sshll.u32 s6, $0x1;
	s6 =	sadd.s32 s21, s4  }
0x9e: {  	[timem:s8], [sflag:s22] =	dma.local [hbm:s6], s20  }
0x9f: {  	_ =	swait.ge [sflag:s22], s20  }
0xa0: {  	s5 =	ssub.s32 $0x0, s20;
	[sflag:s22] =	ssyncset.done $0x0  }
0xa1: {  	[sflag:s22] =	ssyncadd.s32 s5;
	_ =	sdelay $0x1  }
0xa2: {  	s23 =	simm.s32 $0x1B8B  }
0xa3: {  	_ =	swait.ge [sflag:s23], $0x1  }
0xa4: {  	[sflag:s23] =	ssyncset.done $0x0  }
0xa5: {  	s25 =	simm.s32 $0x1B8E;
	s24 =	sld [smem:$0x3FFE];
	[sflag:s23] =	ssyncadd.s32 $0xFFFFFFFF  }
0xa6: {  	s26 =	simm.s32 $execute0_lowered;
	[smem:$0x3FD2] =	sst s25  }
0xa7: {  	s6 =	sshll.u32 s26, $0x1;
	_ =	strace $0x80000046;
	[dreg:$0x1] =	wrdreg $0xFFFFFFFF  }
0xa8: {  	s28 =	simm.s32 $_size_execute0_lowered;
	s4 =	sadd.s32 s4, s6;
	[dreg:$0x0] =	wrdreg $0x0  }
0xa9: {  	s6 =	sshll.u32 s28, $0x1;
	[dreg:$0x2] =	wrdreg s4  }
0xaa: {  	[dreg:$0x3] =	wrdreg s6  }
0xab: {  	[dreg:$0x4] =	wrdreg $0xC0  }
0xac: {  	_ =	task [dreg:s8], $0x5FFFF  }
0xad: {  	[dreg:$0x1] =	wrdreg $0xFFFFFFFF  }
0xae: {  	[dreg:$0x0] =	wrdreg $0x60  }
0xaf: {  	[dreg:$0x2] =	wrdreg s2  }
0xb0: {  	[dreg:$0x3] =	wrdreg s18  }
0xb1: {  	[dreg:$0x4] =	wrdreg s24  }
0xb2: {  	[dreg:$0x5] =	wrdreg $0x9  }
0xb3: {  	_ =	task.clear_ibuf [dreg:s8], $0x6FFFF;
	_ =	strace $0x90000046  }
0xb4: {  	s29 =	simm.s32 $0x9;
	_ =	strace $0x80000048  }
0xb5: {  	_ =	swait.ge [sflag:s29], $0x1  }
0xb6: {  	[sflag:s29] =	ssyncadd.s32 $0xFFFFFFFF  }
0xb7: {  	_ =	strace $0x90000048  }
0xb8: {  	_ =	sfence  }
0xb9: {  	s30 =	sld [smem:$0x0];
	_ =	sdelay $0x2  }
0xba: {  	s31 =	sshll.u32 s1, $0xD;
	s1 =	sshrl.u32 s1, $0x2  }
0xbb: {  	s3 =	sand.u32 $0x4000, s31;
	s1 =	sadd.s32 s1, s30  }
0xbc: {  	s0 =	sor.u32 s3, s0;
	s1 =	sshll.u32 s1, $0x11  }
0xbd: {  	s0 =	sor.u32 s1, s0  }
0xbe: {  	s0 =	sadd.s32 $0x8F2B, s0  }
0xbf: {  	[sflag:s0] =	ssyncadd.remote.s32 $0x1  }
0xc0: {  	_ =	sfence.sel $0xFFFF  }
0xc1: {  	[dreg:$0x0] =	wrdreg $0xFFFFFFFF;
	(pc) =	sbr.abs _section_cstart, $3  }
0xc2: {  	[dreg:$0x1] =	wrdreg $0xFFFFFFFF  }
0xc3: {  	_ =	task.clear_ibuf [dreg:s8], $0x2FFFF;
	_ =	strace $0x9FFFFFFF  }
0xc4: {  	(tm) =	ssettm $0x7FFFFFFF  }
0xc5: {  	_ =	shalt  }
tec
execute0_lowered:
.L_overlay_start_1:
0x0: {  	(tag) =	ssettag $0x1  }
0x1: {  	s6 =	rddreg [dreg:$0x0]  }
0x2: {  	s0 =	srdreg.scid;
	s7 =	rddreg [dreg:$0x1];
	s8 =	simm.s32 $0x1  }
0x3: {  	s9 =	rddreg [dreg:$0x2];
	s2 =	simm.s32 $0x0;
	s14 =	simm.s32 $0x8200  }
0x4: {  	s15 =	simm.s32 $0x10200;
	s16 =	simm.s32 $0x14200;
	s17 =	simm.s32 $0x3  }
0x5: {  	s18 =	simm.s32 $0x18200;
	s19 =	simm.s32 $0x4;
	s20 =	simm.s32 $0x0  }
0x6: {  	s4 =	sand.u32 $0x1, s0;
	s0 =	stileid.u32;
	[smem:$0x7FF] =	sst s2  }
0x7: {  	s1 =	sshll.u32 s4, $0x4;
	s3 =	sand.u32 $0x3, s0;
	s12 =	sshll.u32 s0, $0x4  }
0x8: {  	s4 =	ssub.s32 $0x2, s4;
	s5 =	sor.u32 s0, s1;
	p0 =	sne.s32 s3, $0x0  }
0x9: {  	s1 =	rddreg [dreg:$0x3];
	s26 =	sshll.u32 s3, $0xA;
	p1 =	seq.s32 s5, $0x0  }
0xa: {  	_ =	strace $0x80000047;
	s3 =	simm.s32 $0x1;
	p0 =	por !p0, !p1  }
0xb: {  	s12 =	sand.u32 $0x70, s12;
	s13 =	sshrl.u32 s4, $0x1;
	p0 =	por !p0, !p0  }
0xc: {  	s10 =	sshrl.u32 s5, $0x2;
	s28 =	ssub.s32 s4, s13;
	s8 =	simm.s32 @!p0 $0x0  }
0xd: {  	s5 =	sshll.u32 s5, $0x4;
	s13 =	simm.s32 $0x2;
	s8 =	ssub.s32 s10, s8  }
0xe: {  	s30 =	sand.u32 $0x180, s5;
	s11 =	sshll.u32 s8, $0x10;
	s29 =	sshll.u32 s8, $0x12  }
0xf: {  	s8 =	sshll.u32 s8, $0x6;
	s11 =	sor.u32 s26, s11;
	s4 =	sor.u32 s26, s29  }
0x10: {  	s8 =	sand.u32 $0x1FFFFFC0, s8;
	s11 =	sshrl.u32 s11, $0x3;
	s10 =	sshrl.u32 s4, $0x3  }
0x11: {  	v0 =	vlaneseq.u32;
	s4 =	sadd.s32 s7, s8;
	s11 =	sadd.s32 s11, s9;
	s9 =	sadd.s32 s12, s9  }
0x12: {  	v1 =	vimm.f32 $0.0e+00;
	v2 =	vor.u32 $0x10, v0;
	s5 =	sadd.s32 s6, s10;
	s10 =	simm.s32 $0x400;
	s12 =	simm.s32 $0x200  }
0x13: {  	v3 =	vor.u32 $0x20, v0;
	v4 =	vor.u32 $0x30, v0;
	v5 =	vor.u32 $0x40, v0;
	s31 =	sadd.s32 s30, s9;
	s6 =	sadd.s32 $0x4000, s5;
	s8 =	sadd.s32 $0xE00, s11  }
0x14: {  	v6 =	vor.u32 $0x50, v0;
	v7 =	vor.u32 $0x60, v0;
	v8 =	vor.u32 $0x70, v0;
	s9 =	smax.u32 s28, $0x1;
	s11 =	simm.s32 $0x1000;
	s7 =	sadd.s32 $0x10E00, s31  }
.LBB2_1:
0x15: {  	[tilespmem:s2], [sflag:$0x1] =	stream.linear.gather [hbm4b:s4+s2], $0x200, $0x38;
	[tilespmem:$0x18280] =	vst v63  }
0x16: {  	s21 =	simm.s32 $0x0;
	s22 =	simm.s32 $0x800  }
0x17: {  	[tilespmem:s12], [sflag:$0x2] =	stream.strided.gather [hbm4b:s5+s10], $0x8000, s11, s10, $0x38;
	[tilespmem:$0x18280] =	vst v63  }
.LBB2_2:
0x18: {  	p0 =	sne.s32 s22, $0xF800;
	[tilespmem:s21+$0x143F0] =	vst v1  }
0x19: {  	[tilespmem:s21+$0x10200] =	vst v1  }
0x1a: {  	[tilespmem:s21+$0x14200] =	vst v1  }
0x1b: {  	[tilespmem:s21+$0x10210] =	vst v1  }
0x1c: {  	[tilespmem:s21+$0x14210] =	vst v1  }
0x1d: {  	[tilespmem:s21+$0x10220] =	vst v1  }
0x1e: {  	[tilespmem:s21+$0x14220] =	vst v1  }
0x1f: {  	[tilespmem:s21+$0x10230] =	vst v1  }
0x20: {  	[tilespmem:s21+$0x14230] =	vst v1  }
0x21: {  	[tilespmem:s21+$0x10240] =	vst v1  }
0x22: {  	[tilespmem:s21+$0x14240] =	vst v1  }
0x23: {  	[tilespmem:s21+$0x10250] =	vst v1  }
0x24: {  	[tilespmem:s21+$0x14250] =	vst v1  }
0x25: {  	[tilespmem:s21+$0x10260] =	vst v1  }
0x26: {  	[tilespmem:s21+$0x14260] =	vst v1  }
0x27: {  	[tilespmem:s21+$0x10270] =	vst v1  }
0x28: {  	[tilespmem:s21+$0x14270] =	vst v1  }
0x29: {  	[tilespmem:s21+$0x10280] =	vst v1  }
0x2a: {  	[tilespmem:s21+$0x14280] =	vst v1  }
0x2b: {  	[tilespmem:s21+$0x10290] =	vst v1  }
0x2c: {  	[tilespmem:s21+$0x14290] =	vst v1  }
0x2d: {  	[tilespmem:s21+$0x102A0] =	vst v1  }
0x2e: {  	[tilespmem:s21+$0x142A0] =	vst v1  }
0x2f: {  	[tilespmem:s21+$0x102B0] =	vst v1  }
0x30: {  	[tilespmem:s21+$0x142B0] =	vst v1  }
0x31: {  	[tilespmem:s21+$0x102C0] =	vst v1  }
0x32: {  	[tilespmem:s21+$0x142C0] =	vst v1  }
0x33: {  	[tilespmem:s21+$0x102D0] =	vst v1  }
0x34: {  	[tilespmem:s21+$0x142D0] =	vst v1  }
0x35: {  	[tilespmem:s21+$0x102E0] =	vst v1  }
0x36: {  	[tilespmem:s21+$0x142E0] =	vst v1  }
0x37: {  	[tilespmem:s21+$0x102F0] =	vst v1  }
0x38: {  	[tilespmem:s21+$0x142F0] =	vst v1  }
0x39: {  	[tilespmem:s21+$0x10300] =	vst v1  }
0x3a: {  	[tilespmem:s21+$0x14300] =	vst v1  }
0x3b: {  	[tilespmem:s21+$0x10310] =	vst v1  }
0x3c: {  	[tilespmem:s21+$0x14310] =	vst v1  }
0x3d: {  	[tilespmem:s21+$0x10320] =	vst v1  }
0x3e: {  	[tilespmem:s21+$0x14320] =	vst v1  }
0x3f: {  	[tilespmem:s21+$0x10330] =	vst v1  }
0x40: {  	[tilespmem:s21+$0x14330] =	vst v1  }
0x41: {  	[tilespmem:s21+$0x10340] =	vst v1  }
0x42: {  	[tilespmem:s21+$0x14340] =	vst v1  }
0x43: {  	[tilespmem:s21+$0x10350] =	vst v1  }
0x44: {  	[tilespmem:s21+$0x14350] =	vst v1  }
0x45: {  	[tilespmem:s21+$0x10360] =	vst v1  }
0x46: {  	[tilespmem:s21+$0x14360] =	vst v1  }
0x47: {  	[tilespmem:s21+$0x10370] =	vst v1  }
0x48: {  	[tilespmem:s21+$0x14370] =	vst v1  }
0x49: {  	[tilespmem:s21+$0x10380] =	vst v1  }
0x4a: {  	[tilespmem:s21+$0x14380] =	vst v1  }
0x4b: {  	[tilespmem:s21+$0x10390] =	vst v1  }
0x4c: {  	[tilespmem:s21+$0x14390] =	vst v1  }
0x4d: {  	[tilespmem:s21+$0x103A0] =	vst v1  }
0x4e: {  	[tilespmem:s21+$0x143A0] =	vst v1  }
0x4f: {  	[tilespmem:s21+$0x103B0] =	vst v1  }
0x50: {  	[tilespmem:s21+$0x143B0] =	vst v1  }
0x51: {  	[tilespmem:s21+$0x103C0] =	vst v1  }
0x52: {  	[tilespmem:s21+$0x143C0] =	vst v1  }
.Ltmp0:
0x53: {  	[tilespmem:s21+$0x103D0] =	vst v1;
	(pc) =	sbr.rel @p0 .LBB2_2-.Ltmp0, $4  }
0x54: {  	[tilespmem:s21+$0x143D0] =	vst v1  }
0x55: {  	[tilespmem:s21+$0x103E0] =	vst v1  }
0x56: {  	[tilespmem:s21+$0x143E0] =	vst v1  }
0x57: {  	[tilespmem:s21+$0x103F0] =	vst v1;
	s21 =	sshra.s32 s22, $0x2;
	s22 =	sadd.s32 $0x800, s22  }
0x58: {  	[tilespmem:s21+$0x143F0] =	vst v1  }
0x59: {  	[tilespmem:s21+$0x10200] =	vst v1  }
0x5a: {  	[tilespmem:s21+$0x14200] =	vst v1  }
0x5b: {  	[tilespmem:s21+$0x10210] =	vst v1  }
0x5c: {  	[tilespmem:s21+$0x14210] =	vst v1  }
0x5d: {  	[tilespmem:s21+$0x10220] =	vst v1  }
0x5e: {  	[tilespmem:s21+$0x14220] =	vst v1  }
0x5f: {  	[tilespmem:s21+$0x10230] =	vst v1  }
0x60: {  	[tilespmem:s21+$0x14230] =	vst v1  }
0x61: {  	[tilespmem:s21+$0x10240] =	vst v1  }
0x62: {  	[tilespmem:s21+$0x14240] =	vst v1  }
0x63: {  	[tilespmem:s21+$0x10250] =	vst v1  }
0x64: {  	[tilespmem:s21+$0x14250] =	vst v1  }
0x65: {  	[tilespmem:s21+$0x10260] =	vst v1  }
0x66: {  	[tilespmem:s21+$0x14260] =	vst v1  }
0x67: {  	[tilespmem:s21+$0x10270] =	vst v1  }
0x68: {  	[tilespmem:s21+$0x14270] =	vst v1  }
0x69: {  	[tilespmem:s21+$0x10280] =	vst v1  }
0x6a: {  	[tilespmem:s21+$0x14280] =	vst v1  }
0x6b: {  	[tilespmem:s21+$0x10290] =	vst v1  }
0x6c: {  	[tilespmem:s21+$0x14290] =	vst v1  }
0x6d: {  	[tilespmem:s21+$0x102A0] =	vst v1  }
0x6e: {  	[tilespmem:s21+$0x142A0] =	vst v1  }
0x6f: {  	[tilespmem:s21+$0x102B0] =	vst v1  }
0x70: {  	[tilespmem:s21+$0x142B0] =	vst v1  }
0x71: {  	[tilespmem:s21+$0x102C0] =	vst v1  }
0x72: {  	[tilespmem:s21+$0x142C0] =	vst v1  }
0x73: {  	[tilespmem:s21+$0x102D0] =	vst v1  }
0x74: {  	[tilespmem:s21+$0x142D0] =	vst v1  }
0x75: {  	[tilespmem:s21+$0x102E0] =	vst v1  }
0x76: {  	[tilespmem:s21+$0x142E0] =	vst v1  }
0x77: {  	[tilespmem:s21+$0x102F0] =	vst v1  }
0x78: {  	[tilespmem:s21+$0x142F0] =	vst v1  }
0x79: {  	[tilespmem:s21+$0x10300] =	vst v1  }
0x7a: {  	[tilespmem:s21+$0x14300] =	vst v1  }
0x7b: {  	[tilespmem:s21+$0x10310] =	vst v1  }
0x7c: {  	[tilespmem:s21+$0x14310] =	vst v1  }
0x7d: {  	[tilespmem:s21+$0x10320] =	vst v1  }
0x7e: {  	[tilespmem:s21+$0x14320] =	vst v1  }
0x7f: {  	[tilespmem:s21+$0x10330] =	vst v1  }
0x80: {  	[tilespmem:s21+$0x14330] =	vst v1  }
0x81: {  	[tilespmem:s21+$0x10340] =	vst v1  }
0x82: {  	[tilespmem:s21+$0x14340] =	vst v1  }
0x83: {  	[tilespmem:s21+$0x10350] =	vst v1  }
0x84: {  	[tilespmem:s21+$0x14350] =	vst v1  }
0x85: {  	[tilespmem:s21+$0x10360] =	vst v1  }
0x86: {  	[tilespmem:s21+$0x14360] =	vst v1  }
0x87: {  	[tilespmem:s21+$0x10370] =	vst v1  }
0x88: {  	[tilespmem:s21+$0x14370] =	vst v1  }
0x89: {  	[tilespmem:s21+$0x10380] =	vst v1  }
0x8a: {  	[tilespmem:s21+$0x14380] =	vst v1  }
0x8b: {  	[tilespmem:s21+$0x10390] =	vst v1  }
0x8c: {  	[tilespmem:s21+$0x14390] =	vst v1  }
0x8d: {  	[tilespmem:s21+$0x103A0] =	vst v1  }
0x8e: {  	[tilespmem:s21+$0x143A0] =	vst v1  }
0x8f: {  	[tilespmem:s21+$0x103B0] =	vst v1  }
0x90: {  	[tilespmem:s21+$0x143B0] =	vst v1  }
0x91: {  	[tilespmem:s21+$0x103C0] =	vst v1  }
0x92: {  	[tilespmem:s21+$0x143C0] =	vst v1  }
0x93: {  	[tilespmem:s21+$0x103D0] =	vst v1  }
0x94: {  	[tilespmem:s21+$0x143D0] =	vst v1  }
0x95: {  	[tilespmem:s21+$0x103E0] =	vst v1  }
0x96: {  	[tilespmem:s21+$0x143E0] =	vst v1;
	s22 =	simm.s32 $0x0  }
0x97: {  	[tilespmem:s21+$0x103F0] =	vst v1;
	v9 =	vmov s22  }
0x98: {  	_ =	swait.ge [sflag:s3], $0x200;
	v9 =	vand.u32 $0xFFFFFFFC, v9  }
0x99: {  	[sflag:s3] =	ssyncset.done $0x0;
	v9 =	vbroadcast v9, $0x0  }
0x9a: {  	[sflag:s3] =	ssyncadd.s32 $0xFFFFFE00  }
0x9b: {  	_ =	swait.ge [sflag:s13], $0x8000  }
0x9c: {  	s29 =	simm.s32 $0x1;
	[sflag:s13] =	ssyncset.done $0x0  }
0x9d: {  	v10 =	vmov s29;
	[sflag:s13] =	ssyncadd.s32 $0xFFFF8000  }
0x9e: {  	v10 =	vand.u32 $0xFFFFFFFD, v10;
	[tilespmem:s14], [sflag:$0x3] =	stream.strided.gather [hbm4b:s6+s10], $0x8000, s11, s10, $0x38;
	[tilespmem:$0x18280] =	vst v63  }
0x9f: {  	v10 =	vbroadcast v10, $0x0;
	v9 =	vld.idx.msk [tilespmem:v9+s2+$0x0], $0xffff  }
0xa0: {  	s30 =	simm.s32 $0x2  }
0xa1: {  	v11 =	vmov s30  }
0xa2: {  	s31 =	simm.s32 $0x3;
	v11 =	vand.u32 $0xFFFFFFFE, v11  }
0xa3: {  	s21 =	simm.s32 $0x300;
	v12 =	vmov s31;
	v11 =	vbroadcast v11, $0x0  }
0xa4: {  	v13 =	vld [tilespmem:s21+$0xFFFFFF00];
	v9 =	vshll.u32 v9, $0x7  }
0xa5: {  	v10 =	vld.idx.msk [tilespmem:v10+s2+$0x0], $0xffff;
	v14 =	vor.u32 v0, v9;
	_ =	sdelay $0x2  }
0xa6: {  	v12 =	vld.idx.msk [tilespmem:v12+s2+$0x0], $0xffff  }
0xa7: {  	v11 =	vld.idx.msk [tilespmem:v11+s2+$0x0], $0xffff  }
0xa8: {  	v10 =	vshll.u32 v10, $0x7;
	[tilespmem:v14+s15+$0x0] =	vst.idx.add.f32.msk $0xffff, v13  }
0xa9: {  	v15 =	vor.u32 v0, v10;
	v14 =	vld [tilespmem:s21+$0xFFFFFF80];
	_ =	sdelay $0x4  }
0xaa: {  	v16 =	vshll.u32 v11, $0x7;
	[tilespmem:v15+s16+$0x0] =	vst.idx.add.f32.msk $0xffff, v14  }
0xab: {  	v11 =	vor.u32 v0, v16;
	v15 =	vld [tilespmem:s21+$0x0];
	_ =	sdelay $0x4  }
0xac: {  	[tilespmem:v11+s15+$0x0] =	vst.idx.add.f32.msk $0xffff, v15;
	v11 =	vshll.u32 v12, $0x7  }
0xad: {  	v12 =	vld [tilespmem:s21+$0x80];
	v17 =	vor.u32 v0, v11;
	_ =	sdelay $0x4  }
0xae: {  	[tilespmem:v17+s16+$0x0] =	vst.idx.add.f32.msk $0xffff, v12  }
0xaf: {  	v18 =	vor.u32 v2, v9;
	v17 =	vld [tilespmem:s21+$0xFFFFFF10];
	_ =	sdelay $0x4  }
0xb0: {  	[tilespmem:v18+s15+$0x0] =	vst.idx.add.f32.msk $0xffff, v17  }
0xb1: {  	v19 =	vor.u32 v2, v10;
	v18 =	vld [tilespmem:s21+$0xFFFFFF90];
	_ =	sdelay $0x4  }
0xb2: {  	[tilespmem:v19+s16+$0x0] =	vst.idx.add.f32.msk $0xffff, v18  }
0xb3: {  	v20 =	vor.u32 v2, v16;
	v19 =	vld [tilespmem:s21+$0x10];
	_ =	sdelay $0x4  }
0xb4: {  	[tilespmem:v20+s15+$0x0] =	vst.idx.add.f32.msk $0xffff, v19  }
0xb5: {  	v21 =	vor.u32 v2, v11;
	v20 =	vld [tilespmem:s21+$0x90];
	_ =	sdelay $0x4  }
0xb6: {  	[tilespmem:v21+s16+$0x0] =	vst.idx.add.f32.msk $0xffff, v20  }
0xb7: {  	v22 =	vor.u32 v3, v9;
	v21 =	vld [tilespmem:s21+$0xFFFFFF20];
	_ =	sdelay $0x4  }
0xb8: {  	[tilespmem:v22+s15+$0x0] =	vst.idx.add.f32.msk $0xffff, v21  }
0xb9: {  	v23 =	vor.u32 v3, v10;
	v22 =	vld [tilespmem:s21+$0xFFFFFFA0];
	_ =	sdelay $0x4  }
0xba: {  	[tilespmem:v23+s16+$0x0] =	vst.idx.add.f32.msk $0xffff, v22  }
0xbb: {  	v24 =	vor.u32 v3, v16;
	v23 =	vld [tilespmem:s21+$0x20];
	_ =	sdelay $0x4  }
0xbc: {  	[tilespmem:v24+s15+$0x0] =	vst.idx.add.f32.msk $0xffff, v23  }
0xbd: {  	v25 =	vor.u32 v3, v11;
	v24 =	vld [tilespmem:s21+$0xA0];
	_ =	sdelay $0x4  }
0xbe: {  	[tilespmem:v25+s16+$0x0] =	vst.idx.add.f32.msk $0xffff, v24  }
0xbf: {  	v26 =	vor.u32 v4, v9;
	v25 =	vld [tilespmem:s21+$0xFFFFFF30];
	_ =	sdelay $0x4  }
0xc0: {  	[tilespmem:v26+s15+$0x0] =	vst.idx.add.f32.msk $0xffff, v25  }
0xc1: {  	v27 =	vor.u32 v4, v10;
	v26 =	vld [tilespmem:s21+$0xFFFFFFB0];
	_ =	sdelay $0x4  }
0xc2: {  	[tilespmem:v27+s16+$0x0] =	vst.idx.add.f32.msk $0xffff, v26  }
0xc3: {  	v28 =	vor.u32 v4, v16;
	v27 =	vld [tilespmem:s21+$0x30];
	_ =	sdelay $0x4  }
0xc4: {  	[tilespmem:v28+s15+$0x0] =	vst.idx.add.f32.msk $0xffff, v27  }
0xc5: {  	v29 =	vor.u32 v4, v11;
	v28 =	vld [tilespmem:s21+$0xB0];
	_ =	sdelay $0x4  }
0xc6: {  	[tilespmem:v29+s16+$0x0] =	vst.idx.add.f32.msk $0xffff, v28  }
0xc7: {  	v30 =	vor.u32 v5, v9;
	v29 =	vld [tilespmem:s21+$0xFFFFFF40];
	_ =	sdelay $0x4  }
0xc8: {  	[tilespmem:v30+s15+$0x0] =	vst.idx.add.f32.msk $0xffff, v29  }
0xc9: {  	v31 =	vor.u32 v5, v10;
	v30 =	vld [tilespmem:s21+$0xFFFFFFC0];
	_ =	sdelay $0x4  }
0xca: {  	[tilespmem:v31+s16+$0x0] =	vst.idx.add.f32.msk $0xffff, v30  }
0xcb: {  	v32 =	vor.u32 v5, v16;
	v31 =	vld [tilespmem:s21+$0x40];
	_ =	sdelay $0x4  }
0xcc: {  	[tilespmem:v32+s15+$0x0] =	vst.idx.add.f32.msk $0xffff, v31  }
0xcd: {  	v33 =	vor.u32 v5, v11;
	v32 =	vld [tilespmem:s21+$0xC0];
	_ =	sdelay $0x4  }
0xce: {  	[tilespmem:v33+s16+$0x0] =	vst.idx.add.f32.msk $0xffff, v32  }
0xcf: {  	v34 =	vor.u32 v6, v9;
	v33 =	vld [tilespmem:s21+$0xFFFFFF50];
	_ =	sdelay $0x4  }
0xd0: {  	[tilespmem:v34+s15+$0x0] =	vst.idx.add.f32.msk $0xffff, v33  }
0xd1: {  	v35 =	vor.u32 v6, v10;
	v34 =	vld [tilespmem:s21+$0xFFFFFFD0];
	_ =	sdelay $0x4  }
0xd2: {  	[tilespmem:v35+s16+$0x0] =	vst.idx.add.f32.msk $0xffff, v34  }
0xd3: {  	v36 =	vor.u32 v6, v16;
	v35 =	vld [tilespmem:s21+$0x50];
	_ =	sdelay $0x4  }
0xd4: {  	[tilespmem:v36+s15+$0x0] =	vst.idx.add.f32.msk $0xffff, v35  }
0xd5: {  	v37 =	vor.u32 v6, v11;
	v36 =	vld [tilespmem:s21+$0xD0];
	_ =	sdelay $0x4  }
0xd6: {  	[tilespmem:v37+s16+$0x0] =	vst.idx.add.f32.msk $0xffff, v36  }
0xd7: {  	v38 =	vor.u32 v7, v9;
	v37 =	vld [tilespmem:s21+$0xFFFFFF60];
	_ =	sdelay $0x4  }
0xd8: {  	[tilespmem:v38+s15+$0x0] =	vst.idx.add.f32.msk $0xffff, v37  }
0xd9: {  	v39 =	vor.u32 v7, v10;
	v38 =	vld [tilespmem:s21+$0xFFFFFFE0];
	_ =	sdelay $0x4  }
0xda: {  	[tilespmem:v39+s16+$0x0] =	vst.idx.add.f32.msk $0xffff, v38  }
0xdb: {  	v40 =	vor.u32 v7, v16;
	v39 =	vld [tilespmem:s21+$0x60];
	_ =	sdelay $0x4  }
0xdc: {  	[tilespmem:v40+s15+$0x0] =	vst.idx.add.f32.msk $0xffff, v39  }
0xdd: {  	v41 =	vor.u32 v7, v11;
	v40 =	vld [tilespmem:s21+$0xE0];
	_ =	sdelay $0x3  }
0xde: {  	v13 =	vmul.f32 v13, v13  }
0xdf: {  	v42 =	vimm.f32 $0.0e+00;
	v17 =	vmul.f32 v17, v17;
	[tilespmem:v41+s16+$0x0] =	vst.idx.add.f32.msk $0xffff, v40  }
0xe0: {  	v9 =	vor.u32 v8, v9;
	v13 =	vadd.f32 v13, v42;
	v14 =	vmul.f32 v14, v14;
	v41 =	vld [tilespmem:s21+$0xFFFFFF70]  }
0xe1: {  	v17 =	vadd.f32 v17, v42;
	v18 =	vmul.f32 v18, v18  }
0xe2: {  	v13 =	vadd.f32 v14, v13;
	v15 =	vmul.f32 v15, v15  }
0xe3: {  	v56 =	vor.u32 v8, v10;
	v14 =	vadd.f32 v18, v17;
	v17 =	vmul.f32 v19, v19  }
0xe4: {  	v16 =	vor.u32 v8, v16;
	v13 =	vadd.f32 v15, v13;
	v18 =	vmul.f32 v21, v21  }
0xe5: {  	v15 =	vadd.f32 v17, v14;
	v14 =	vmul.f32 v25, v25;
	[tilespmem:v9+s15+$0x0] =	vst.idx.add.f32.msk $0xffff, v41  }
0xe6: {  	v10 =	vmul.f32 v12, v12;
	v18 =	vadd.f32 v18, v42;
	v17 =	vmul.f32 v22, v22;
	v19 =	vld [tilespmem:s21+$0xFFFFFFF0]  }
0xe7: {  	v12 =	vmul.f32 v20, v20;
	v14 =	vadd.f32 v14, v42;
	v9 =	vmul.f32 v26, v26  }
0xe8: {  	v17 =	vadd.f32 v17, v18;
	v18 =	vmul.f32 v23, v23;
	v20 =	vmul.f32 v27, v27  }
0xe9: {  	v57 =	vmul.f32 v33, v33;
	v59 =	vmul.f32 v35, v35;
	v9 =	vadd.f32 v9, v14  }
0xea: {  	v14 =	vadd.f32 v10, v13;
	v10 =	vadd.f32 v12, v15;
	v12 =	vmul.f32 v29, v29  }
0xeb: {  	v13 =	vadd.f32 v18, v17;
	v15 =	vmul.f32 v24, v24;
	[tilespmem:v56+s16+$0x0] =	vst.idx.add.f32.msk $0xffff, v19  }
0xec: {  	v17 =	vmul.f32 v30, v30;
	v9 =	vadd.f32 v20, v9;
	v18 =	vadd.f32 v12, v42;
	v58 =	vld [tilespmem:s21+$0x70]  }
0xed: {  	v20 =	vmul.f32 v28, v28;
	v12 =	vadd.f32 v15, v13;
	v15 =	vmul.f32 v31, v31  }
0xee: {  	v13 =	vadd.f32 v17, v18;
	v17 =	vmul.f32 v34, v34;
	v18 =	vadd.f32 v57, v42  }
0xef: {  	s22 =	simm.s32 $0x4;
	v60 =	vmul.f32 v38, v38;
	v9 =	vadd.f32 v20, v9;
	v20 =	vmul.f32 v37, v37  }
0xf0: {  	v13 =	vadd.f32 v15, v13;
	v17 =	vadd.f32 v17, v18;
	v18 =	vmov s22  }
0xf1: {  	v15 =	vmul.f32 v32, v32;
	v20 =	vadd.f32 v20, v42;
	v18 =	vand.u32 $0xFFFFFFFC, v18;
	[tilespmem:v16+s15+$0x0] =	vst.idx.add.f32.msk $0xffff, v58  }
0xf2: {  	v62 =	vor.u32 v8, v11;
	v18 =	vbroadcast v18, $0x0;
	v16 =	vmul.f32 v41, v41;
	v61 =	vld [tilespmem:s21+$0xF0]  }
0xf3: {  	v15 =	vadd.f32 v15, v13;
	v11 =	vadd.f32 v60, v20;
	v13 =	vmul.f32 v39, v39  }
0xf4: {  	v63 =	vmul.f32 v40, v40;
	v19 =	vmul.f32 v19, v19;
	v16 =	vadd.f32 v16, v42  }
0xf5: {  	s23 =	simm.s32 $0x5;
	v17 =	vadd.f32 v59, v17;
	v20 =	vmul.f32 v36, v36;
	v11 =	vadd.f32 v13, v11  }
0xf6: {  	v22 =	vmul.f32 v58, v58;
	v16 =	vadd.f32 v19, v16;
	v19 =	vmov s23  }
0xf7: {  	v13 =	vadd.f32 v20, v17;
	v11 =	vadd.f32 v63, v11;
	v19 =	vand.u32 $0xFFFFFFFD, v19;
	[tilespmem:v62+s16+$0x0] =	vst.idx.add.f32.msk $0xffff, v61  }
0xf8: {  	s23 =	simm.s32 $0x8;
	v16 =	vadd.f32 v22, v16;
	v17 =	vmul.f32 v61, v61;
	v19 =	vbroadcast v19, $0x0;
	v18 =	vld.idx.msk [tilespmem:v18+s2+$0x0], $0xffff  }
.LBB2_4:
0xf9: {  	p0 =	sne.s32 s23, $0xFC  }
0xfa: {  	v16 =	vadd.f32 v17, v16;
	s21 =	sadd.s32 $0x200, s21;
	s24 =	smov.u32 s23;
	s23 =	sadd.s32 $0x4, s23  }
0xfb: {  	s25 =	sadd.s32 $0x2, s22  }
0xfc: {  	v17 =	vmov s25  }
0xfd: {  	s25 =	sadd.s32 $0x3, s22;
	s22 =	smov.u32 s24;
	v17 =	vand.u32 $0xFFFFFFFE, v17  }
0xfe: {  	v21 =	vmov s25;
	v20 =	vbroadcast v17, $0x0  }
0xff: {  	v17 =	vshll.u32 v18, $0x7;
	v19 =	vld.idx.msk [tilespmem:v19+s2+$0x0], $0xffff  }
0x100: {  	v22 =	vor.u32 v0, v17;
	v18 =	vld [tilespmem:s21+$0xFFFFFF00];
	_ =	sdelay $0x2  }
0x101: {  	v21 =	vld.idx.msk [tilespmem:v21+s2+$0x0], $0xffff  }
0x102: {  	v23 =	vld.idx.msk [tilespmem:v20+s2+$0x0], $0xffff  }
0x103: {  	v20 =	vshll.u32 v19, $0x7;
	[tilespmem:v22+s15+$0x0] =	vst.idx.add.f32.msk $0xffff, v18;
	v22 =	vmul.f32 v18, v18  }
0x104: {  	v24 =	vor.u32 v0, v20;
	v19 =	vld [tilespmem:s21+$0xFFFFFF80];
	_ =	sdelay $0x3  }
0x105: {  	v18 =	vshll.u32 v23, $0x7  }
0x106: {  	[tilespmem:v24+s16+$0x0] =	vst.idx.add.f32.msk $0xffff, v19;
	v23 =	vmul.f32 v19, v19  }
0x107: {  	v24 =	vor.u32 v0, v18;
	v19 =	vld [tilespmem:s21+$0x0];
	_ =	sdelay $0x4  }
0x108: {  	[tilespmem:v24+s15+$0x0] =	vst.idx.add.f32.msk $0xffff, v19;
	v24 =	vmul.f32 v19, v19;
	v19 =	vshll.u32 v21, $0x7  }
0x109: {  	v21 =	vld [tilespmem:s21+$0x80];
	v25 =	vor.u32 v0, v19  }
0x10a: {  	v14 =	vadd.f32 v22, v14;
	_ =	sdelay $0x1  }
0x10b: {  	v14 =	vadd.f32 v23, v14;
	_ =	sdelay $0x1  }
0x10c: {  	v14 =	vadd.f32 v24, v14;
	[tilespmem:v25+s16+$0x0] =	vst.idx.add.f32.msk $0xffff, v21;
	v21 =	vmul.f32 v21, v21  }
0x10d: {  	v23 =	vor.u32 v2, v17;
	v22 =	vld [tilespmem:s21+$0xFFFFFF10]  }
0x10e: {  	v14 =	vadd.f32 v21, v14;
	_ =	sdelay $0x3  }
0x10f: {  	[tilespmem:v23+s15+$0x0] =	vst.idx.add.f32.msk $0xffff, v22  }
0x110: {  	v23 =	vor.u32 v2, v20;
	v21 =	vld [tilespmem:s21+$0xFFFFFF90];
	_ =	sdelay $0x4  }
0x111: {  	[tilespmem:v23+s16+$0x0] =	vst.idx.add.f32.msk $0xffff, v21  }
0x112: {  	v24 =	vor.u32 v2, v18;
	v23 =	vld [tilespmem:s21+$0x10];
	_ =	sdelay $0x4  }
0x113: {  	v22 =	vmul.f32 v22, v22;
	[tilespmem:v24+s15+$0x0] =	vst.idx.add.f32.msk $0xffff, v23;
	v23 =	vmul.f32 v23, v23  }
0x114: {  	v25 =	vor.u32 v2, v19;
	v24 =	vld [tilespmem:s21+$0x90]  }
0x115: {  	v10 =	vadd.f32 v22, v10;
	v21 =	vmul.f32 v21, v21;
	_ =	sdelay $0x1  }
0x116: {  	v10 =	vadd.f32 v21, v10;
	_ =	sdelay $0x1  }
0x117: {  	v10 =	vadd.f32 v23, v10;
	[tilespmem:v25+s16+$0x0] =	vst.idx.add.f32.msk $0xffff, v24;
	v21 =	vmul.f32 v24, v24  }
0x118: {  	v23 =	vor.u32 v3, v17;
	v22 =	vld [tilespmem:s21+$0xFFFFFF20]  }
0x119: {  	v10 =	vadd.f32 v21, v10;
	_ =	sdelay $0x3  }
0x11a: {  	[tilespmem:v23+s15+$0x0] =	vst.idx.add.f32.msk $0xffff, v22;
	v21 =	vmul.f32 v22, v22  }
0x11b: {  	v23 =	vor.u32 v3, v20;
	v22 =	vld [tilespmem:s21+$0xFFFFFFA0];
	_ =	sdelay $0x4  }
0x11c: {  	[tilespmem:v23+s16+$0x0] =	vst.idx.add.f32.msk $0xffff, v22;
	v22 =	vmul.f32 v22, v22  }
0x11d: {  	v24 =	vor.u32 v3, v18;
	v23 =	vld [tilespmem:s21+$0x20];
	_ =	sdelay $0x4  }
0x11e: {  	[tilespmem:v24+s15+$0x0] =	vst.idx.add.f32.msk $0xffff, v23;
	v23 =	vmul.f32 v23, v23  }
0x11f: {  	v25 =	vor.u32 v3, v19;
	v24 =	vld [tilespmem:s21+$0xA0]  }
0x120: {  	v12 =	vadd.f32 v21, v12;
	_ =	sdelay $0x1  }
0x121: {  	v12 =	vadd.f32 v22, v12;
	_ =	sdelay $0x1  }
0x122: {  	v12 =	vadd.f32 v23, v12;
	[tilespmem:v25+s16+$0x0] =	vst.idx.add.f32.msk $0xffff, v24;
	v21 =	vmul.f32 v24, v24  }
0x123: {  	v23 =	vor.u32 v4, v17;
	v22 =	vld [tilespmem:s21+$0xFFFFFF30]  }
0x124: {  	v12 =	vadd.f32 v21, v12;
	_ =	sdelay $0x3  }
0x125: {  	[tilespmem:v23+s15+$0x0] =	vst.idx.add.f32.msk $0xffff, v22;
	v21 =	vmul.f32 v22, v22  }
0x126: {  	v23 =	vor.u32 v4, v20;
	v22 =	vld [tilespmem:s21+$0xFFFFFFB0];
	_ =	sdelay $0x4  }
0x127: {  	[tilespmem:v23+s16+$0x0] =	vst.idx.add.f32.msk $0xffff, v22;
	v22 =	vmul.f32 v22, v22  }
0x128: {  	v24 =	vor.u32 v4, v18;
	v23 =	vld [tilespmem:s21+$0x30];
	_ =	sdelay $0x4  }
0x129: {  	[tilespmem:v24+s15+$0x0] =	vst.idx.add.f32.msk $0xffff, v23  }
0x12a: {  	v25 =	vor.u32 v4, v19;
	v24 =	vld [tilespmem:s21+$0xB0]  }
0x12b: {  	v9 =	vadd.f32 v21, v9;
	_ =	sdelay $0x1  }
0x12c: {  	v9 =	vadd.f32 v22, v9;
	v21 =	vmul.f32 v23, v23;
	_ =	sdelay $0x1  }
0x12d: {  	v9 =	vadd.f32 v21, v9;
	[tilespmem:v25+s16+$0x0] =	vst.idx.add.f32.msk $0xffff, v24;
	v21 =	vmul.f32 v24, v24  }
0x12e: {  	v23 =	vor.u32 v5, v17;
	v22 =	vld [tilespmem:s21+$0xFFFFFF40]  }
0x12f: {  	v9 =	vadd.f32 v21, v9;
	_ =	sdelay $0x3  }
0x130: {  	[tilespmem:v23+s15+$0x0] =	vst.idx.add.f32.msk $0xffff, v22;
	v21 =	vmul.f32 v22, v22  }
0x131: {  	v23 =	vor.u32 v5, v20;
	v22 =	vld [tilespmem:s21+$0xFFFFFFC0];
	_ =	sdelay $0x4  }
0x132: {  	[tilespmem:v23+s16+$0x0] =	vst.idx.add.f32.msk $0xffff, v22;
	v22 =	vmul.f32 v22, v22  }
0x133: {  	v24 =	vor.u32 v5, v18;
	v23 =	vld [tilespmem:s21+$0x40];
	_ =	sdelay $0x4  }
0x134: {  	[tilespmem:v24+s15+$0x0] =	vst.idx.add.f32.msk $0xffff, v23;
	v23 =	vmul.f32 v23, v23  }
0x135: {  	v25 =	vor.u32 v5, v19;
	v24 =	vld [tilespmem:s21+$0xC0]  }
0x136: {  	v15 =	vadd.f32 v21, v15;
	_ =	sdelay $0x1  }
0x137: {  	v15 =	vadd.f32 v22, v15;
	_ =	sdelay $0x1  }
0x138: {  	v15 =	vadd.f32 v23, v15;
	[tilespmem:v25+s16+$0x0] =	vst.idx.add.f32.msk $0xffff, v24;
	v21 =	vmul.f32 v24, v24  }
0x139: {  	v23 =	vor.u32 v6, v17;
	v22 =	vld [tilespmem:s21+$0xFFFFFF50]  }
0x13a: {  	v15 =	vadd.f32 v21, v15;
	_ =	sdelay $0x3  }
0x13b: {  	[tilespmem:v23+s15+$0x0] =	vst.idx.add.f32.msk $0xffff, v22;
	v21 =	vmul.f32 v22, v22  }
0x13c: {  	v23 =	vor.u32 v6, v20;
	v22 =	vld [tilespmem:s21+$0xFFFFFFD0];
	_ =	sdelay $0x4  }
0x13d: {  	[tilespmem:v23+s16+$0x0] =	vst.idx.add.f32.msk $0xffff, v22;
	v22 =	vmul.f32 v22, v22  }
0x13e: {  	v24 =	vor.u32 v6, v18;
	v23 =	vld [tilespmem:s21+$0x50];
	_ =	sdelay $0x4  }
0x13f: {  	[tilespmem:v24+s15+$0x0] =	vst.idx.add.f32.msk $0xffff, v23;
	v23 =	vmul.f32 v23, v23  }
0x140: {  	v25 =	vor.u32 v6, v19;
	v24 =	vld [tilespmem:s21+$0xD0]  }
0x141: {  	v13 =	vadd.f32 v21, v13;
	_ =	sdelay $0x1  }
0x142: {  	v13 =	vadd.f32 v22, v13;
	_ =	sdelay $0x1  }
0x143: {  	v13 =	vadd.f32 v23, v13;
	[tilespmem:v25+s16+$0x0] =	vst.idx.add.f32.msk $0xffff, v24;
	v21 =	vmul.f32 v24, v24  }
0x144: {  	v23 =	vor.u32 v7, v17;
	v22 =	vld [tilespmem:s21+$0xFFFFFF60]  }
0x145: {  	v13 =	vadd.f32 v21, v13;
	_ =	sdelay $0x3  }
0x146: {  	[tilespmem:v23+s15+$0x0] =	vst.idx.add.f32.msk $0xffff, v22  }
0x147: {  	v23 =	vor.u32 v7, v20;
	v21 =	vld [tilespmem:s21+$0xFFFFFFE0];
	_ =	sdelay $0x4  }
0x148: {  	[tilespmem:v23+s16+$0x0] =	vst.idx.add.f32.msk $0xffff, v21;
	v21 =	vmul.f32 v21, v21  }
0x149: {  	v24 =	vor.u32 v7, v18;
	v23 =	vld [tilespmem:s21+$0x60];
	_ =	sdelay $0x4  }
0x14a: {  	v22 =	vmul.f32 v22, v22;
	[tilespmem:v24+s15+$0x0] =	vst.idx.add.f32.msk $0xffff, v23;
	v23 =	vmul.f32 v23, v23  }
0x14b: {  	v25 =	vor.u32 v7, v19;
	v24 =	vld [tilespmem:s21+$0xE0]  }
0x14c: {  	v11 =	vadd.f32 v22, v11;
	_ =	sdelay $0x1  }
0x14d: {  	v11 =	vadd.f32 v21, v11;
	_ =	sdelay $0x1  }
0x14e: {  	v11 =	vadd.f32 v23, v11;
	[tilespmem:v25+s16+$0x0] =	vst.idx.add.f32.msk $0xffff, v24;
	v21 =	vmul.f32 v24, v24  }
0x14f: {  	v17 =	vor.u32 v8, v17;
	v22 =	vld [tilespmem:s21+$0xFFFFFF70]  }
0x150: {  	v11 =	vadd.f32 v21, v11;
	_ =	sdelay $0x3  }
0x151: {  	[tilespmem:v17+s15+$0x0] =	vst.idx.add.f32.msk $0xffff, v22;
	v17 =	vmul.f32 v22, v22  }
0x152: {  	v20 =	vor.u32 v8, v20;
	v21 =	vld [tilespmem:s21+$0xFFFFFFF0];
	_ =	sdelay $0x4  }
0x153: {  	[tilespmem:v20+s16+$0x0] =	vst.idx.add.f32.msk $0xffff, v21;
	v20 =	vmul.f32 v21, v21  }
0x154: {  	v18 =	vor.u32 v8, v18;
	v21 =	vld [tilespmem:s21+$0x70];
	_ =	sdelay $0x3  }
0x155: {  	v22 =	vmov s22  }
0x156: {  	v22 =	vand.u32 $0xFFFFFFFC, v22;
	[tilespmem:v18+s15+$0x0] =	vst.idx.add.f32.msk $0xffff, v21;
	v18 =	vmul.f32 v21, v21  }
0x157: {  	v19 =	vor.u32 v8, v19;
	v21 =	vbroadcast v22, $0x0;
	v22 =	vld [tilespmem:s21+$0xF0]  }
0x158: {  	v16 =	vadd.f32 v17, v16  }
.Ltmp1:
0x159: {  	(pc) =	sbr.rel @p0 .LBB2_4-.Ltmp1, $4  }
0x15a: {  	s24 =	sadd.s32 $0x1, s22;
	v16 =	vadd.f32 v20, v16  }
0x15b: {  	v17 =	vmov s24  }
0x15c: {  	v20 =	vand.u32 $0xFFFFFFFD, v17;
	v16 =	vadd.f32 v18, v16;
	[tilespmem:v19+s16+$0x0] =	vst.idx.add.f32.msk $0xffff, v22;
	v17 =	vmul.f32 v22, v22  }
0x15d: {  	v19 =	vbroadcast v20, $0x0;
	v18 =	vld.idx.msk [tilespmem:v21+s2+$0x0], $0xffff  }
0x15e: {  	_ = 	snop  }
0x15f: {  	s23 =	sadd.s32 $0x2, s22  }
0x160: {  	v20 =	vmov s23  }
0x161: {  	s24 =	sadd.s32 $0x3, s22;
	v20 =	vand.u32 $0xFFFFFFFE, v20  }
0x162: {  	v21 =	vmov s24;
	v20 =	vbroadcast v20, $0x0  }
0x163: {  	s21 =	sadd.s32 $0x200, s21;
	v19 =	vld.idx.msk [tilespmem:v19+s2+$0x0], $0xffff;
	v18 =	vshll.u32 v18, $0x7  }
0x164: {  	v34 =	vld [tilespmem:s21+$0xFFFFFF00];
	v22 =	vor.u32 v0, v18;
	_ =	sdelay $0x2  }
0x165: {  	v21 =	vld.idx.msk [tilespmem:v21+s2+$0x0], $0xffff  }
0x166: {  	v20 =	vld.idx.msk [tilespmem:v20+s2+$0x0], $0xffff  }
0x167: {  	v19 =	vshll.u32 v19, $0x7;
	[tilespmem:v22+s15+$0x0] =	vst.idx.add.f32.msk $0xffff, v34  }
0x168: {  	v22 =	vor.u32 v0, v19;
	v23 =	vld [tilespmem:s21+$0xFFFFFF80];
	_ =	sdelay $0x4  }
0x169: {  	v20 =	vshll.u32 v20, $0x7;
	[tilespmem:v22+s16+$0x0] =	vst.idx.add.f32.msk $0xffff, v23  }
0x16a: {  	[tilespmem:$0x1FEF0] =	vst v23;
	v22 =	vor.u32 v0, v20;
	v23 =	vld [tilespmem:s21+$0x0];
	_ =	sdelay $0x4  }
0x16b: {  	v21 =	vshll.u32 v21, $0x7;
	[tilespmem:v22+s15+$0x0] =	vst.idx.add.f32.msk $0xffff, v23  }
0x16c: {  	[tilespmem:$0x1FF00] =	vst v23;
	v22 =	vor.u32 v0, v21;
	v23 =	vld [tilespmem:s21+$0x80];
	_ =	sdelay $0x4  }
0x16d: {  	[tilespmem:v22+s16+$0x0] =	vst.idx.add.f32.msk $0xffff, v23  }
0x16e: {  	[tilespmem:$0x1FF20] =	vst v23;
	v22 =	vor.u32 v2, v18;
	v23 =	vld [tilespmem:s21+$0xFFFFFF10];
	_ =	sdelay $0x4  }
0x16f: {  	[tilespmem:v22+s15+$0x0] =	vst.idx.add.f32.msk $0xffff, v23  }
0x170: {  	[tilespmem:$0x1FF10] =	vst v23;
	v22 =	vor.u32 v2, v19;
	v23 =	vld [tilespmem:s21+$0xFFFFFF90];
	_ =	sdelay $0x4  }
0x171: {  	[tilespmem:v22+s16+$0x0] =	vst.idx.add.f32.msk $0xffff, v23  }
0x172: {  	[tilespmem:$0x1FF30] =	vst v23;
	v22 =	vor.u32 v2, v20;
	v23 =	vld [tilespmem:s21+$0x10];
	_ =	sdelay $0x4  }
0x173: {  	[tilespmem:v22+s15+$0x0] =	vst.idx.add.f32.msk $0xffff, v23  }
0x174: {  	[tilespmem:$0x1FF50] =	vst v23;
	v22 =	vor.u32 v2, v21;
	v23 =	vld [tilespmem:s21+$0x90];
	_ =	sdelay $0x4  }
0x175: {  	[tilespmem:v22+s16+$0x0] =	vst.idx.add.f32.msk $0xffff, v23  }
0x176: {  	v22 =	vor.u32 v3, v18;
	v41 =	vld [tilespmem:s21+$0xFFFFFF20];
	_ =	sdelay $0x4  }
0x177: {  	[tilespmem:v22+s15+$0x0] =	vst.idx.add.f32.msk $0xffff, v41  }
0x178: {  	[tilespmem:$0x1FF70] =	vst v23;
	v22 =	vor.u32 v3, v19;
	v23 =	vld [tilespmem:s21+$0xFFFFFFA0];
	_ =	sdelay $0x4  }
0x179: {  	[tilespmem:v22+s16+$0x0] =	vst.idx.add.f32.msk $0xffff, v23  }
0x17a: {  	[tilespmem:$0x1FF40] =	vst v23;
	v22 =	vor.u32 v3, v20;
	v23 =	vld [tilespmem:s21+$0x20];
	_ =	sdelay $0x4  }
0x17b: {  	[tilespmem:v22+s15+$0x0] =	vst.idx.add.f32.msk $0xffff, v23  }
0x17c: {  	[tilespmem:$0x1FF60] =	vst v23;
	v22 =	vor.u32 v3, v21;
	v23 =	vld [tilespmem:s21+$0xA0];
	_ =	sdelay $0x4  }
0x17d: {  	[tilespmem:v22+s16+$0x0] =	vst.idx.add.f32.msk $0xffff, v23  }
0x17e: {  	v22 =	vor.u32 v4, v18;
	v38 =	vld [tilespmem:s21+$0xFFFFFF30];
	_ =	sdelay $0x4  }
0x17f: {  	[tilespmem:v22+s15+$0x0] =	vst.idx.add.f32.msk $0xffff, v38  }
0x180: {  	[tilespmem:$0x1FF80] =	vst v23;
	v22 =	vor.u32 v4, v19;
	v23 =	vld [tilespmem:s21+$0xFFFFFFB0];
	_ =	sdelay $0x4  }
0x181: {  	[tilespmem:v22+s16+$0x0] =	vst.idx.add.f32.msk $0xffff, v23  }
0x182: {  	[tilespmem:$0x1FF90] =	vst v23;
	v22 =	vor.u32 v4, v20;
	v23 =	vld [tilespmem:s21+$0x30];
	_ =	sdelay $0x4  }
0x183: {  	[tilespmem:v22+s15+$0x0] =	vst.idx.add.f32.msk $0xffff, v23  }
0x184: {  	[tilespmem:$0x1FFA0] =	vst v23;
	v22 =	vor.u32 v4, v21;
	v23 =	vld [tilespmem:s21+$0xB0];
	_ =	sdelay $0x4  }
0x185: {  	[tilespmem:v22+s16+$0x0] =	vst.idx.add.f32.msk $0xffff, v23  }
0x186: {  	v22 =	vor.u32 v5, v18;
	v47 =	vld [tilespmem:s21+$0xFFFFFF40];
	_ =	sdelay $0x4  }
0x187: {  	[tilespmem:v22+s15+$0x0] =	vst.idx.add.f32.msk $0xffff, v47  }
0x188: {  	v22 =	vor.u32 v5, v19;
	v44 =	vld [tilespmem:s21+$0xFFFFFFC0];
	_ =	sdelay $0x4  }
0x189: {  	[tilespmem:v22+s16+$0x0] =	vst.idx.add.f32.msk $0xffff, v44  }
0x18a: {  	v22 =	vor.u32 v5, v20;
	v42 =	vld [tilespmem:s21+$0x40];
	_ =	sdelay $0x4  }
0x18b: {  	[tilespmem:v22+s15+$0x0] =	vst.idx.add.f32.msk $0xffff, v42  }
0x18c: {  	[tilespmem:$0x1FFB0] =	vst v23;
	v22 =	vor.u32 v5, v21;
	v23 =	vld [tilespmem:s21+$0xC0];
	_ =	sdelay $0x4  }
0x18d: {  	[tilespmem:v22+s16+$0x0] =	vst.idx.add.f32.msk $0xffff, v23  }
0x18e: {  	v22 =	vor.u32 v6, v18;
	v45 =	vld [tilespmem:s21+$0xFFFFFF50];
	_ =	sdelay $0x4  }
0x18f: {  	[tilespmem:v22+s15+$0x0] =	vst.idx.add.f32.msk $0xffff, v45  }
0x190: {  	v22 =	vor.u32 v6, v19;
	v39 =	vld [tilespmem:s21+$0xFFFFFFD0];
	_ =	sdelay $0x4  }
0x191: {  	[tilespmem:v22+s16+$0x0] =	vst.idx.add.f32.msk $0xffff, v39  }
0x192: {  	[tilespmem:$0x1FFC0] =	vst v23;
	v22 =	vor.u32 v6, v20;
	v23 =	vld [tilespmem:s21+$0x50];
	_ =	sdelay $0x4  }
0x193: {  	[tilespmem:v22+s15+$0x0] =	vst.idx.add.f32.msk $0xffff, v23  }
0x194: {  	[tilespmem:$0x1FFD0] =	vst v23;
	v22 =	vor.u32 v6, v21;
	v23 =	vld [tilespmem:s21+$0xD0];
	_ =	sdelay $0x4  }
0x195: {  	[tilespmem:v22+s16+$0x0] =	vst.idx.add.f32.msk $0xffff, v23  }
0x196: {  	v22 =	vor.u32 v7, v18;
	v51 =	vld [tilespmem:s21+$0xFFFFFF60];
	_ =	sdelay $0x4  }
0x197: {  	[tilespmem:v22+s15+$0x0] =	vst.idx.add.f32.msk $0xffff, v51  }
0x198: {  	v22 =	vor.u32 v7, v19;
	v49 =	vld [tilespmem:s21+$0xFFFFFFE0];
	_ =	sdelay $0x4  }
0x199: {  	[tilespmem:v22+s16+$0x0] =	vst.idx.add.f32.msk $0xffff, v49  }
0x19a: {  	v22 =	vor.u32 v7, v20;
	v48 =	vld [tilespmem:s21+$0x60];
	_ =	sdelay $0x4  }
0x19b: {  	[tilespmem:v22+s15+$0x0] =	vst.idx.add.f32.msk $0xffff, v48  }
0x19c: {  	v22 =	vor.u32 v7, v21;
	v40 =	vld [tilespmem:s21+$0xE0];
	_ =	sdelay $0x4  }
0x19d: {  	[tilespmem:v22+s16+$0x0] =	vst.idx.add.f32.msk $0xffff, v40  }
0x19e: {  	v18 =	vor.u32 v8, v18;
	v50 =	vld [tilespmem:s21+$0xFFFFFF70];
	_ =	sdelay $0x4  }
0x19f: {  	[tilespmem:v18+s15+$0x0] =	vst.idx.add.f32.msk $0xffff, v50  }
0x1a0: {  	v18 =	vor.u32 v8, v19;
	v46 =	vld [tilespmem:s21+$0xFFFFFFF0];
	_ =	sdelay $0x4  }
0x1a1: {  	[tilespmem:v18+s16+$0x0] =	vst.idx.add.f32.msk $0xffff, v46  }
0x1a2: {  	v18 =	vor.u32 v8, v20;
	v43 =	vld [tilespmem:s21+$0x70];
	_ =	sdelay $0x4  }
0x1a3: {  	[tilespmem:v18+s15+$0x0] =	vst.idx.add.f32.msk $0xffff, v43  }
0x1a4: {  	s25 =	simm.s32 $0x0;
	v20 =	vld [tilespmem:s21+$0xF0]  }
0x1a5: {  	v19 =	vmov s25;
	v18 =	vor.u32 v8, v21  }
0x1a6: {  	v19 =	vadd.s32 $0x100, v19  }
0x1a7: {  	v19 =	vand.u32 $0xFFFFFFFC, v19  }
0x1a8: {  	[tilespmem:$0x1FFE0] =	vst v23;
	v19 =	vbroadcast v19, $0x0  }
0x1a9: {  	[tilespmem:$0x1FFF0] =	vst v20  }
0x1aa: {  	s26 =	simm.s32 $0x1;
	[tilespmem:v18+s16+$0x0] =	vst.idx.add.f32.msk $0xffff, v20  }
0x1ab: {  	v18 =	vmov s26;
	_ =	swait.ge [sflag:s17], $0x8000  }
0x1ac: {  	v18 =	vadd.s32 $0x100, v18;
	[sflag:s17] =	ssyncset.done $0x0  }
0x1ad: {  	v18 =	vand.u32 $0xFFFFFFFD, v18;
	[sflag:s17] =	ssyncadd.s32 $0xFFFF8000  }
0x1ae: {  	s28 =	simm.s32 $0x2;
	s29 =	simm.s32 $0x3;
	v18 =	vbroadcast v18, $0x0;
	v19 =	vld.idx.msk [tilespmem:v19+s2+$0x0], $0xffff  }
0x1af: {  	v21 =	vmov s29;
	v20 =	vmov s28  }
0x1b0: {  	v21 =	vadd.s32 $0x100, v21;
	v20 =	vadd.s32 $0x100, v20  }
0x1b1: {  	v21 =	vbroadcast v21, $0x0;
	v20 =	vand.u32 $0xFFFFFFFE, v20  }
0x1b2: {  	s30 =	simm.s32 $0x8300;
	v20 =	vbroadcast v20, $0x0  }
0x1b3: {  	v62 =	vld [tilespmem:s30+$0xFFFFFF00];
	v53 =	vshll.u32 v19, $0x7  }
0x1b4: {  	v18 =	vld.idx.msk [tilespmem:v18+s2+$0x0], $0xffff;
	v19 =	vor.u32 v0, v53;
	_ =	sdelay $0x2  }
0x1b5: {  	v21 =	vld.idx.msk [tilespmem:v21+s2+$0x0], $0xffff  }
0x1b6: {  	v20 =	vld.idx.msk [tilespmem:v20+s2+$0x0], $0xffff  }
0x1b7: {  	v52 =	vshll.u32 v18, $0x7;
	[tilespmem:v19+s15+$0x0] =	vst.idx.add.f32.msk $0xffff, v62  }
0x1b8: {  	v18 =	vor.u32 v0, v52;
	v63 =	vld [tilespmem:s30+$0xFFFFFF80];
	_ =	sdelay $0x4  }
0x1b9: {  	v36 =	vshll.u32 v20, $0x7;
	[tilespmem:v18+s16+$0x0] =	vst.idx.add.f32.msk $0xffff, v63  }
0x1ba: {  	v19 =	vor.u32 v0, v36;
	v59 =	vld [tilespmem:s30+$0x0];
	_ =	sdelay $0x4  }
0x1bb: {  	v21 =	vshll.u32 v21, $0x7;
	[tilespmem:v19+s15+$0x0] =	vst.idx.add.f32.msk $0xffff, v59  }
0x1bc: {  	v19 =	vor.u32 v0, v21;
	v55 =	vld [tilespmem:s30+$0x80];
	_ =	sdelay $0x4  }
0x1bd: {  	[tilespmem:v19+s16+$0x0] =	vst.idx.add.f32.msk $0xffff, v55  }
0x1be: {  	v19 =	vor.u32 v2, v53;
	v33 =	vld [tilespmem:s30+$0xFFFFFF10];
	_ =	sdelay $0x4  }
0x1bf: {  	[tilespmem:v19+s15+$0x0] =	vst.idx.add.f32.msk $0xffff, v33  }
0x1c0: {  	v19 =	vor.u32 v2, v52;
	v60 =	vld [tilespmem:s30+$0xFFFFFF90];
	_ =	sdelay $0x4  }
0x1c1: {  	[tilespmem:v19+s16+$0x0] =	vst.idx.add.f32.msk $0xffff, v60  }
0x1c2: {  	v19 =	vor.u32 v2, v36;
	v57 =	vld [tilespmem:s30+$0x10];
	_ =	sdelay $0x4  }
0x1c3: {  	[tilespmem:v19+s15+$0x0] =	vst.idx.add.f32.msk $0xffff, v57  }
0x1c4: {  	v19 =	vor.u32 v2, v21;
	v54 =	vld [tilespmem:s30+$0x90];
	_ =	sdelay $0x4  }
0x1c5: {  	[tilespmem:v19+s16+$0x0] =	vst.idx.add.f32.msk $0xffff, v54  }
0x1c6: {  	v19 =	vor.u32 v3, v53;
	v26 =	vld [tilespmem:s30+$0xFFFFFF20];
	_ =	sdelay $0x4  }
0x1c7: {  	[tilespmem:v19+s15+$0x0] =	vst.idx.add.f32.msk $0xffff, v26  }
0x1c8: {  	v19 =	vor.u32 v3, v52;
	v29 =	vld [tilespmem:s30+$0xFFFFFFA0];
	_ =	sdelay $0x4  }
0x1c9: {  	[tilespmem:v19+s16+$0x0] =	vst.idx.add.f32.msk $0xffff, v29  }
0x1ca: {  	v19 =	vor.u32 v3, v36;
	v32 =	vld [tilespmem:s30+$0x20];
	_ =	sdelay $0x4  }
0x1cb: {  	[tilespmem:v19+s15+$0x0] =	vst.idx.add.f32.msk $0xffff, v32  }
0x1cc: {  	v19 =	vor.u32 v3, v21;
	v61 =	vld [tilespmem:s30+$0xA0];
	_ =	sdelay $0x4  }
0x1cd: {  	[tilespmem:v19+s16+$0x0] =	vst.idx.add.f32.msk $0xffff, v61  }
0x1ce: {  	v19 =	vor.u32 v4, v53;
	v28 =	vld [tilespmem:s30+$0xFFFFFF30];
	_ =	sdelay $0x4  }
0x1cf: {  	[tilespmem:v19+s15+$0x0] =	vst.idx.add.f32.msk $0xffff, v28  }
0x1d0: {  	v19 =	vor.u32 v4, v52;
	v35 =	vld [tilespmem:s30+$0xFFFFFFB0];
	_ =	sdelay $0x4  }
0x1d1: {  	[tilespmem:v19+s16+$0x0] =	vst.idx.add.f32.msk $0xffff, v35  }
0x1d2: {  	v19 =	vor.u32 v4, v36;
	v37 =	vld [tilespmem:s30+$0x30];
	_ =	sdelay $0x4  }
0x1d3: {  	[tilespmem:v19+s15+$0x0] =	vst.idx.add.f32.msk $0xffff, v37  }
0x1d4: {  	v19 =	vor.u32 v4, v21;
	v56 =	vld [tilespmem:s30+$0xB0];
	_ =	sdelay $0x4  }
0x1d5: {  	[tilespmem:v19+s16+$0x0] =	vst.idx.add.f32.msk $0xffff, v56  }
0x1d6: {  	v20 =	vor.u32 v5, v53;
	v22 =	vld [tilespmem:s30+$0xFFFFFF40];
	_ =	sdelay $0x4  }
0x1d7: {  	[tilespmem:v20+s15+$0x0] =	vst.idx.add.f32.msk $0xffff, v22  }
0x1d8: {  	v20 =	vor.u32 v5, v52;
	v25 =	vld [tilespmem:s30+$0xFFFFFFC0];
	_ =	sdelay $0x4  }
0x1d9: {  	[tilespmem:v20+s16+$0x0] =	vst.idx.add.f32.msk $0xffff, v25  }
0x1da: {  	v20 =	vor.u32 v5, v36;
	v27 =	vld [tilespmem:s30+$0x40];
	_ =	sdelay $0x4  }
0x1db: {  	[tilespmem:v20+s15+$0x0] =	vst.idx.add.f32.msk $0xffff, v27  }
0x1dc: {  	v20 =	vor.u32 v5, v21;
	v31 =	vld [tilespmem:s30+$0xC0];
	_ =	sdelay $0x4  }
0x1dd: {  	[tilespmem:v20+s16+$0x0] =	vst.idx.add.f32.msk $0xffff, v31  }
0x1de: {  	v24 =	vor.u32 v6, v53;
	v23 =	vld [tilespmem:s30+$0xFFFFFF50];
	_ =	sdelay $0x4  }
0x1df: {  	[tilespmem:v24+s15+$0x0] =	vst.idx.add.f32.msk $0xffff, v23  }
0x1e0: {  	v30 =	vor.u32 v6, v52;
	v24 =	vld [tilespmem:s30+$0xFFFFFFD0];
	_ =	sdelay $0x4  }
0x1e1: {  	[tilespmem:v30+s16+$0x0] =	vst.idx.add.f32.msk $0xffff, v24  }
0x1e2: {  	v58 =	vor.u32 v6, v36;
	v30 =	vld [tilespmem:s30+$0x50];
	_ =	sdelay $0x4  }
0x1e3: {  	[tilespmem:v58+s15+$0x0] =	vst.idx.add.f32.msk $0xffff, v30  }
0x1e4: {  	v18 =	vor.u32 v6, v21;
	v58 =	vld [tilespmem:s30+$0xD0];
	_ =	sdelay $0x3  }
0x1e5: {  	v19 =	vld [tilespmem:$0x1FEF0]  }
0x1e6: {  	[tilespmem:v18+s16+$0x0] =	vst.idx.add.f32.msk $0xffff, v58  }
0x1e7: {  	v18 =	vld [tilespmem:$0x1FF00]  }
0x1e8: {  	v34 =	vmul.f32 v34, v34;
	_ =	sdelay $0x1  }
0x1e9: {  	v14 =	vadd.f32 v34, v14;
	v34 =	vmul.f32 v19, v19;
	_ =	sdelay $0x1  }
0x1ea: {  	v19 =	vld [tilespmem:$0x1FF10];
	v14 =	vadd.f32 v34, v14;
	v18 =	vmul.f32 v18, v18;
	_ =	sdelay $0x1  }
0x1eb: {  	v14 =	vadd.f32 v18, v14;
	v18 =	vmul.f32 v41, v41;
	v41 =	vld [tilespmem:$0x1FF20];
	_ =	sdelay $0x2  }
0x1ec: {  	v34 =	vmul.f32 v19, v19  }
0x1ed: {  	v16 =	vadd.f32 v17, v16;
	v17 =	vld [tilespmem:$0x1FF40]  }
0x1ee: {  	v10 =	vadd.f32 v34, v10;
	v34 =	vmul.f32 v41, v41;
	v41 =	vld [tilespmem:$0x1FF30];
	_ =	sdelay $0x1  }
0x1ef: {  	v12 =	vadd.f32 v18, v12;
	v18 =	vld [tilespmem:$0x1FF50];
	_ =	sdelay $0x1  }
0x1f0: {  	v17 =	vmul.f32 v17, v17  }
0x1f1: {  	v41 =	vmul.f32 v41, v41  }
0x1f2: {  	v12 =	vadd.f32 v17, v12;
	v17 =	vld [tilespmem:$0x1FF60]  }
0x1f3: {  	v18 =	vmul.f32 v18, v18;
	v10 =	vadd.f32 v41, v10;
	_ =	sdelay $0x1  }
0x1f4: {  	v10 =	vadd.f32 v18, v10;
	v18 =	vmul.f32 v38, v38;
	_ =	sdelay $0x1  }
0x1f5: {  	v17 =	vmul.f32 v17, v17;
	v9 =	vadd.f32 v18, v9;
	v18 =	vld [tilespmem:$0x1FF80];
	_ =	sdelay $0x1  }
0x1f6: {  	v12 =	vadd.f32 v17, v12;
	v17 =	vld [tilespmem:$0x1FF70];
	_ =	sdelay $0x2  }
0x1f7: {  	v38 =	vmul.f32 v47, v47;
	v47 =	vld [tilespmem:$0x1FF90];
	v18 =	vmul.f32 v18, v18;
	_ =	sdelay $0x1  }
0x1f8: {  	v17 =	vmul.f32 v17, v17;
	v12 =	vadd.f32 v18, v12;
	v18 =	vld [tilespmem:$0x1FFA0];
	_ =	sdelay $0x1  }
0x1f9: {  	v15 =	vadd.f32 v38, v15;
	v10 =	vadd.f32 v17, v10;
	v17 =	vmul.f32 v44, v44  }
0x1fa: {  	v41 =	vmul.f32 v47, v47  }
0x1fb: {  	v15 =	vadd.f32 v17, v15;
	v17 =	vmul.f32 v42, v42  }
0x1fc: {  	v9 =	vadd.f32 v41, v9;
	v18 =	vmul.f32 v18, v18  }
0x1fd: {  	v15 =	vadd.f32 v17, v15;
	v17 =	vld [tilespmem:$0x1FFB0]  }
0x1fe: {  	v9 =	vadd.f32 v18, v9;
	v18 =	vmul.f32 v45, v45  }
0x1ff: {  	v19 =	vor.u32 v7, v53;
	v20 =	vld [tilespmem:s30+$0xFFFFFF60]  }
0x200: {  	v13 =	vadd.f32 v18, v13;
	v18 =	vld [tilespmem:$0x1FFC0];
	_ =	sdelay $0x1  }
0x201: {  	v17 =	vmul.f32 v17, v17  }
0x202: {  	v47 =	vmul.f32 v51, v51  }
0x203: {  	[tilespmem:v19+s15+$0x0] =	vst.idx.add.f32.msk $0xffff, v20;
	v17 =	vadd.f32 v17, v9  }
0x204: {  	v9 =	vadd.f32 v47, v11;
	v11 =	vmul.f32 v49, v49;
	v18 =	vmul.f32 v18, v18  }
0x205: {  	v19 =	vld [tilespmem:s30+$0xFFFFFFE0];
	v14 =	vadd.f32 v34, v14;
	v34 =	vor.u32 v7, v52  }
0x206: {  	v9 =	vadd.f32 v11, v9;
	v11 =	vmul.f32 v48, v48;
	v15 =	vadd.f32 v18, v15;
	v18 =	vld [tilespmem:$0x1FFD0];
	_ =	sdelay $0x1  }
0x207: {  	v9 =	vadd.f32 v11, v9;
	v11 =	vld [tilespmem:$0x1FFE0]  }
0x208: {  	v39 =	vmul.f32 v39, v39  }
0x209: {  	[tilespmem:v34+s16+$0x0] =	vst.idx.add.f32.msk $0xffff, v19  }
0x20a: {  	v34 =	vld [tilespmem:s30+$0x60];
	v45 =	vor.u32 v7, v36;
	v13 =	vadd.f32 v39, v13;
	v18 =	vmul.f32 v18, v18;
	_ =	sdelay $0x1  }
0x20b: {  	v49 =	vmul.f32 v62, v62;
	v11 =	vmul.f32 v11, v11;
	v13 =	vadd.f32 v18, v13;
	_ =	sdelay $0x1  }
0x20c: {  	v51 =	vadd.f32 v11, v13;
	v11 =	vadd.f32 v49, v14;
	v13 =	vmul.f32 v63, v63  }
0x20d: {  	v48 =	vor.u32 v7, v21;
	[tilespmem:v45+s15+$0x0] =	vst.idx.add.f32.msk $0xffff, v34  }
0x20e: {  	v38 =	vld [tilespmem:s30+$0xE0];
	v18 =	vmul.f32 v50, v50;
	v11 =	vadd.f32 v13, v11;
	v13 =	vmul.f32 v59, v59  }
0x20f: {  	v50 =	vmul.f32 v46, v46  }
0x210: {  	v16 =	vadd.f32 v18, v16;
	v18 =	vmul.f32 v40, v40;
	v11 =	vadd.f32 v13, v11;
	v13 =	vld [tilespmem:$0x1FFF0];
	_ =	sdelay $0x1  }
0x211: {  	v14 =	vadd.f32 v18, v9;
	v9 =	vadd.f32 v50, v16;
	v16 =	vmul.f32 v43, v43  }
0x212: {  	[tilespmem:v48+s16+$0x0] =	vst.idx.add.f32.msk $0xffff, v38  }
0x213: {  	v53 =	vor.u32 v8, v53;
	v18 =	vld [tilespmem:s30+$0xFFFFFF70];
	v9 =	vadd.f32 v16, v9;
	v16 =	vmul.f32 v33, v33  }
0x214: {  	v26 =	vmul.f32 v26, v26;
	v13 =	vmul.f32 v13, v13  }
0x215: {  	v10 =	vadd.f32 v16, v10;
	v16 =	vmul.f32 v55, v55;
	v55 =	vmul.f32 v60, v60  }
0x216: {  	v12 =	vadd.f32 v26, v12;
	v59 =	vadd.f32 v13, v9;
	v13 =	vmul.f32 v29, v29  }
0x217: {  	v10 =	vadd.f32 v55, v10;
	v9 =	vadd.f32 v16, v11;
	v11 =	vmul.f32 v57, v57  }
0x218: {  	[tilespmem:v53+s15+$0x0] =	vst.idx.add.f32.msk $0xffff, v18;
	v12 =	vadd.f32 v13, v12;
	v13 =	vmul.f32 v32, v32  }
0x219: {  	v60 =	vor.u32 v8, v52;
	v16 =	vld [tilespmem:s30+$0xFFFFFFF0];
	v10 =	vadd.f32 v11, v10;
	v11 =	vmul.f32 v28, v28  }
0x21a: {  	v22 =	vmul.f32 v22, v22;
	v12 =	vadd.f32 v13, v12;
	v13 =	vmul.f32 v54, v54  }
0x21b: {  	v17 =	vadd.f32 v11, v17;
	v11 =	vmul.f32 v61, v61;
	v61 =	vmul.f32 v35, v35  }
0x21c: {  	v13 =	vadd.f32 v13, v10;
	v10 =	vadd.f32 v22, v15;
	v15 =	vmul.f32 v25, v25  }
0x21d: {  	v11 =	vadd.f32 v11, v12;
	v12 =	vadd.f32 v61, v17;
	v17 =	vmul.f32 v37, v37  }
0x21e: {  	[tilespmem:v60+s16+$0x0] =	vst.idx.add.f32.msk $0xffff, v16;
	v10 =	vadd.f32 v15, v10;
	v15 =	vmul.f32 v27, v27  }
0x21f: {  	v22 =	vld [tilespmem:s30+$0x70];
	v12 =	vadd.f32 v17, v12;
	v17 =	vmul.f32 v23, v23;
	v23 =	vor.u32 v8, v36  }
0x220: {  	v24 =	vmul.f32 v24, v24;
	v10 =	vadd.f32 v15, v10;
	v15 =	vmul.f32 v56, v56  }
0x221: {  	s22 =	simm.s32 $0x4;
	v20 =	vmul.f32 v20, v20;
	v19 =	vmul.f32 v19, v19;
	v21 =	vor.u32 v8, v21  }
0x222: {  	v17 =	vadd.f32 v17, v51;
	v12 =	vadd.f32 v15, v12;
	v15 =	vmov s22  }
0x223: {  	v14 =	vadd.f32 v20, v14;
	v18 =	vmul.f32 v18, v18;
	v15 =	vadd.s32 $0x100, v15  }
0x224: {  	v20 =	vmul.f32 v30, v30;
	v17 =	vadd.f32 v24, v17;
	[tilespmem:v23+s15+$0x0] =	vst.idx.add.f32.msk $0xffff, v22;
	v15 =	vand.u32 $0xFFFFFFFC, v15  }
0x225: {  	v18 =	vadd.f32 v18, v59;
	v16 =	vmul.f32 v16, v16;
	v63 =	vld [tilespmem:s30+$0xF0];
	v23 =	vbroadcast v15, $0x0  }
0x226: {  	v14 =	vadd.f32 v19, v14;
	v15 =	vadd.f32 v20, v17;
	v17 =	vmul.f32 v34, v34  }
0x227: {  	s31 =	simm.s32 $0x5;
	v62 =	vmul.f32 v31, v31;
	v19 =	vmul.f32 v58, v58;
	v16 =	vadd.f32 v16, v18  }
0x228: {  	v20 =	vmul.f32 v38, v38;
	v17 =	vadd.f32 v17, v14;
	v14 =	vmov s31  }
0x229: {  	v10 =	vadd.f32 v62, v10;
	v22 =	vmul.f32 v22, v22;
	v18 =	vadd.s32 $0x100, v14  }
0x22a: {  	v14 =	vadd.f32 v19, v15;
	v15 =	vadd.f32 v20, v17;
	v20 =	vand.u32 $0xFFFFFFFD, v18;
	[tilespmem:v21+s16+$0x0] =	vst.idx.add.f32.msk $0xffff, v63  }
0x22b: {  	s24 =	simm.s32 $0x8;
	s21 =	simm.s32 $0x8500;
	v17 =	vadd.f32 v22, v16;
	v18 =	vmul.f32 v63, v63;
	v20 =	vbroadcast v20, $0x0;
	v19 =	vld.idx.msk [tilespmem:v23+s2+$0x0], $0xffff  }
.LBB2_6:
0x22c: {  	s25 =	sadd.s32 $0x2, s22  }
0x22d: {  	s26 =	sadd.s32 $0x3, s22;
	v16 =	vadd.f32 v18, v17;
	s22 =	smov.u32 s24;
	s23 =	sadd.s32 $0x4, s24  }
0x22e: {  	p0 =	sne.s32 s24, $0xFC;
	v17 =	vmov s25;
	v18 =	vmov s26  }
0x22f: {  	v17 =	vadd.s32 $0x100, v17;
	v18 =	vadd.s32 $0x100, v18  }
0x230: {  	v17 =	vand.u32 $0xFFFFFFFE, v17;
	v21 =	vbroadcast v18, $0x0  }
0x231: {  	v17 =	vbroadcast v17, $0x0  }
0x232: {  	v18 =	vshll.u32 v19, $0x7;
	v20 =	vld.idx.msk [tilespmem:v20+s2+$0x0], $0xffff  }
0x233: {  	v22 =	vor.u32 v0, v18;
	v19 =	vld [tilespmem:s21+$0xFFFFFF00];
	_ =	sdelay $0x2  }
0x234: {  	v21 =	vld.idx.msk [tilespmem:v21+s2+$0x0], $0xffff  }
0x235: {  	v23 =	vld.idx.msk [tilespmem:v17+s2+$0x0], $0xffff  }
0x236: {  	v20 =	vshll.u32 v20, $0x7;
	[tilespmem:v22+s15+$0x0] =	vst.idx.add.f32.msk $0xffff, v19;
	v22 =	vmul.f32 v19, v19  }
0x237: {  	v25 =	vor.u32 v0, v20;
	v24 =	vld [tilespmem:s21+$0xFFFFFF80];
	_ =	sdelay $0x2  }
0x238: {  	v17 =	vshll.u32 v21, $0x7  }
0x239: {  	v19 =	vshll.u32 v23, $0x7  }
0x23a: {  	[tilespmem:v25+s16+$0x0] =	vst.idx.add.f32.msk $0xffff, v24;
	v21 =	vmul.f32 v24, v24  }
0x23b: {  	v24 =	vor.u32 v0, v19;
	v23 =	vld [tilespmem:s21+$0x0];
	_ =	sdelay $0x4  }
0x23c: {  	[tilespmem:v24+s15+$0x0] =	vst.idx.add.f32.msk $0xffff, v23;
	v23 =	vmul.f32 v23, v23  }
0x23d: {  	v25 =	vor.u32 v0, v17;
	v24 =	vld [tilespmem:s21+$0x80]  }
0x23e: {  	v9 =	vadd.f32 v22, v9;
	_ =	sdelay $0x1  }
0x23f: {  	v9 =	vadd.f32 v21, v9;
	_ =	sdelay $0x1  }
0x240: {  	v9 =	vadd.f32 v23, v9;
	[tilespmem:v25+s16+$0x0] =	vst.idx.add.f32.msk $0xffff, v24;
	v21 =	vmul.f32 v24, v24  }
0x241: {  	v23 =	vor.u32 v2, v18;
	v22 =	vld [tilespmem:s21+$0xFFFFFF10]  }
0x242: {  	v9 =	vadd.f32 v21, v9;
	_ =	sdelay $0x3  }
0x243: {  	[tilespmem:v23+s15+$0x0] =	vst.idx.add.f32.msk $0xffff, v22;
	v21 =	vmul.f32 v22, v22  }
0x244: {  	v23 =	vor.u32 v2, v20;
	v22 =	vld [tilespmem:s21+$0xFFFFFF90];
	_ =	sdelay $0x4  }
0x245: {  	[tilespmem:v23+s16+$0x0] =	vst.idx.add.f32.msk $0xffff, v22  }
0x246: {  	v24 =	vor.u32 v2, v19;
	v23 =	vld [tilespmem:s21+$0x10];
	_ =	sdelay $0x4  }
0x247: {  	[tilespmem:v24+s15+$0x0] =	vst.idx.add.f32.msk $0xffff, v23  }
0x248: {  	v25 =	vor.u32 v2, v17;
	v24 =	vld [tilespmem:s21+$0x90]  }
0x249: {  	v13 =	vadd.f32 v21, v13;
	v21 =	vmul.f32 v22, v22;
	_ =	sdelay $0x1  }
0x24a: {  	v13 =	vadd.f32 v21, v13;
	v21 =	vmul.f32 v23, v23;
	_ =	sdelay $0x1  }
0x24b: {  	v13 =	vadd.f32 v21, v13;
	[tilespmem:v25+s16+$0x0] =	vst.idx.add.f32.msk $0xffff, v24;
	v21 =	vmul.f32 v24, v24  }
0x24c: {  	v23 =	vor.u32 v3, v18;
	v22 =	vld [tilespmem:s21+$0xFFFFFF20]  }
0x24d: {  	v13 =	vadd.f32 v21, v13;
	_ =	sdelay $0x3  }
0x24e: {  	[tilespmem:v23+s15+$0x0] =	vst.idx.add.f32.msk $0xffff, v22;
	v21 =	vmul.f32 v22, v22  }
0x24f: {  	v23 =	vor.u32 v3, v20;
	v22 =	vld [tilespmem:s21+$0xFFFFFFA0];
	_ =	sdelay $0x4  }
0x250: {  	[tilespmem:v23+s16+$0x0] =	vst.idx.add.f32.msk $0xffff, v22;
	v22 =	vmul.f32 v22, v22  }
0x251: {  	v24 =	vor.u32 v3, v19;
	v23 =	vld [tilespmem:s21+$0x20];
	_ =	sdelay $0x4  }
0x252: {  	[tilespmem:v24+s15+$0x0] =	vst.idx.add.f32.msk $0xffff, v23;
	v23 =	vmul.f32 v23, v23  }
0x253: {  	v25 =	vor.u32 v3, v17;
	v24 =	vld [tilespmem:s21+$0xA0]  }
0x254: {  	v11 =	vadd.f32 v21, v11;
	_ =	sdelay $0x1  }
0x255: {  	v11 =	vadd.f32 v22, v11;
	_ =	sdelay $0x1  }
0x256: {  	v11 =	vadd.f32 v23, v11;
	[tilespmem:v25+s16+$0x0] =	vst.idx.add.f32.msk $0xffff, v24;
	v21 =	vmul.f32 v24, v24  }
0x257: {  	v23 =	vor.u32 v4, v18;
	v22 =	vld [tilespmem:s21+$0xFFFFFF30]  }
0x258: {  	v11 =	vadd.f32 v21, v11;
	_ =	sdelay $0x3  }
0x259: {  	[tilespmem:v23+s15+$0x0] =	vst.idx.add.f32.msk $0xffff, v22  }
0x25a: {  	v23 =	vor.u32 v4, v20;
	v21 =	vld [tilespmem:s21+$0xFFFFFFB0];
	_ =	sdelay $0x4  }
0x25b: {  	[tilespmem:v23+s16+$0x0] =	vst.idx.add.f32.msk $0xffff, v21;
	v21 =	vmul.f32 v21, v21  }
0x25c: {  	v24 =	vor.u32 v4, v19;
	v23 =	vld [tilespmem:s21+$0x30];
	_ =	sdelay $0x4  }
0x25d: {  	v22 =	vmul.f32 v22, v22;
	[tilespmem:v24+s15+$0x0] =	vst.idx.add.f32.msk $0xffff, v23;
	v23 =	vmul.f32 v23, v23  }
0x25e: {  	v25 =	vor.u32 v4, v17;
	v24 =	vld [tilespmem:s21+$0xB0]  }
0x25f: {  	v12 =	vadd.f32 v22, v12;
	_ =	sdelay $0x1  }
0x260: {  	v12 =	vadd.f32 v21, v12;
	_ =	sdelay $0x1  }
0x261: {  	v12 =	vadd.f32 v23, v12;
	[tilespmem:v25+s16+$0x0] =	vst.idx.add.f32.msk $0xffff, v24;
	v21 =	vmul.f32 v24, v24  }
0x262: {  	v23 =	vor.u32 v5, v18;
	v22 =	vld [tilespmem:s21+$0xFFFFFF40]  }
0x263: {  	v12 =	vadd.f32 v21, v12;
	_ =	sdelay $0x3  }
0x264: {  	[tilespmem:v23+s15+$0x0] =	vst.idx.add.f32.msk $0xffff, v22;
	v21 =	vmul.f32 v22, v22  }
0x265: {  	v23 =	vor.u32 v5, v20;
	v22 =	vld [tilespmem:s21+$0xFFFFFFC0];
	_ =	sdelay $0x4  }
0x266: {  	[tilespmem:v23+s16+$0x0] =	vst.idx.add.f32.msk $0xffff, v22;
	v22 =	vmul.f32 v22, v22  }
0x267: {  	v24 =	vor.u32 v5, v19;
	v23 =	vld [tilespmem:s21+$0x40];
	_ =	sdelay $0x4  }
0x268: {  	[tilespmem:v24+s15+$0x0] =	vst.idx.add.f32.msk $0xffff, v23;
	v23 =	vmul.f32 v23, v23  }
0x269: {  	v25 =	vor.u32 v5, v17;
	v24 =	vld [tilespmem:s21+$0xC0]  }
0x26a: {  	v10 =	vadd.f32 v21, v10;
	_ =	sdelay $0x1  }
0x26b: {  	v10 =	vadd.f32 v22, v10;
	_ =	sdelay $0x1  }
0x26c: {  	v10 =	vadd.f32 v23, v10;
	[tilespmem:v25+s16+$0x0] =	vst.idx.add.f32.msk $0xffff, v24;
	v21 =	vmul.f32 v24, v24  }
0x26d: {  	v23 =	vor.u32 v6, v18;
	v22 =	vld [tilespmem:s21+$0xFFFFFF50]  }
0x26e: {  	v10 =	vadd.f32 v21, v10;
	_ =	sdelay $0x3  }
0x26f: {  	[tilespmem:v23+s15+$0x0] =	vst.idx.add.f32.msk $0xffff, v22;
	v21 =	vmul.f32 v22, v22  }
0x270: {  	v23 =	vor.u32 v6, v20;
	v22 =	vld [tilespmem:s21+$0xFFFFFFD0];
	_ =	sdelay $0x4  }
0x271: {  	[tilespmem:v23+s16+$0x0] =	vst.idx.add.f32.msk $0xffff, v22;
	v22 =	vmul.f32 v22, v22  }
0x272: {  	v24 =	vor.u32 v6, v19;
	v23 =	vld [tilespmem:s21+$0x50];
	_ =	sdelay $0x4  }
0x273: {  	[tilespmem:v24+s15+$0x0] =	vst.idx.add.f32.msk $0xffff, v23;
	v23 =	vmul.f32 v23, v23  }
0x274: {  	v25 =	vor.u32 v6, v17;
	v24 =	vld [tilespmem:s21+$0xD0]  }
0x275: {  	v14 =	vadd.f32 v21, v14;
	_ =	sdelay $0x1  }
0x276: {  	v14 =	vadd.f32 v22, v14;
	_ =	sdelay $0x1  }
0x277: {  	v14 =	vadd.f32 v23, v14;
	[tilespmem:v25+s16+$0x0] =	vst.idx.add.f32.msk $0xffff, v24;
	v21 =	vmul.f32 v24, v24  }
0x278: {  	v23 =	vor.u32 v7, v18;
	v22 =	vld [tilespmem:s21+$0xFFFFFF60]  }
0x279: {  	v14 =	vadd.f32 v21, v14;
	_ =	sdelay $0x3  }
0x27a: {  	[tilespmem:v23+s15+$0x0] =	vst.idx.add.f32.msk $0xffff, v22;
	v21 =	vmul.f32 v22, v22  }
0x27b: {  	v23 =	vor.u32 v7, v20;
	v22 =	vld [tilespmem:s21+$0xFFFFFFE0];
	_ =	sdelay $0x4  }
0x27c: {  	v15 =	vadd.f32 v21, v15;
	[tilespmem:v23+s16+$0x0] =	vst.idx.add.f32.msk $0xffff, v22;
	v21 =	vmul.f32 v22, v22  }
0x27d: {  	v23 =	vor.u32 v7, v19;
	v22 =	vld [tilespmem:s21+$0x60]  }
0x27e: {  	v15 =	vadd.f32 v21, v15;
	_ =	sdelay $0x3  }
0x27f: {  	[tilespmem:v23+s15+$0x0] =	vst.idx.add.f32.msk $0xffff, v22;
	v21 =	vmul.f32 v22, v22  }
0x280: {  	v23 =	vor.u32 v7, v17;
	v22 =	vld [tilespmem:s21+$0xE0]  }
0x281: {  	v15 =	vadd.f32 v21, v15;
	_ =	sdelay $0x3  }
0x282: {  	[tilespmem:v23+s16+$0x0] =	vst.idx.add.f32.msk $0xffff, v22;
	v21 =	vmul.f32 v22, v22  }
0x283: {  	v18 =	vor.u32 v8, v18;
	v22 =	vld [tilespmem:s21+$0xFFFFFF70]  }
0x284: {  	v15 =	vadd.f32 v21, v15;
	_ =	sdelay $0x3  }
0x285: {  	[tilespmem:v18+s15+$0x0] =	vst.idx.add.f32.msk $0xffff, v22;
	v18 =	vmul.f32 v22, v22  }
0x286: {  	v20 =	vor.u32 v8, v20;
	v21 =	vld [tilespmem:s21+$0xFFFFFFF0];
	_ =	sdelay $0x4  }
0x287: {  	[tilespmem:v20+s16+$0x0] =	vst.idx.add.f32.msk $0xffff, v21;
	v20 =	vmul.f32 v21, v21  }
0x288: {  	v19 =	vor.u32 v8, v19;
	v21 =	vld [tilespmem:s21+$0x70];
	_ =	sdelay $0x2  }
0x289: {  	v22 =	vmov s22  }
0x28a: {  	v22 =	vadd.s32 $0x100, v22  }
0x28b: {  	v22 =	vand.u32 $0xFFFFFFFC, v22;
	[tilespmem:v19+s15+$0x0] =	vst.idx.add.f32.msk $0xffff, v21;
	v19 =	vmul.f32 v21, v21  }
0x28c: {  	v23 =	vor.u32 v8, v17;
	v21 =	vbroadcast v22, $0x0;
	v22 =	vld [tilespmem:s21+$0xF0]  }
0x28d: {  	v16 =	vadd.f32 v18, v16  }
.Ltmp2:
0x28e: {  	s24 =	sadd.s32 $0x1, s22;
	(pc) =	sbr.rel @p0 .LBB2_6-.Ltmp2, $4  }
0x28f: {  	v17 =	vmov s24;
	v16 =	vadd.f32 v20, v16  }
0x290: {  	v17 =	vadd.s32 $0x100, v17  }
0x291: {  	v20 =	vand.u32 $0xFFFFFFFD, v17;
	v17 =	vadd.f32 v19, v16;
	[tilespmem:v23+s16+$0x0] =	vst.idx.add.f32.msk $0xffff, v22;
	v18 =	vmul.f32 v22, v22  }
0x292: {  	s24 =	smov.u32 s23;
	v20 =	vbroadcast v20, $0x0;
	s21 =	sadd.s32 $0x200, s21;
	v19 =	vld.idx.msk [tilespmem:v21+s2+$0x0], $0xffff  }
0x293: {  	s23 =	sadd.s32 $0x2, s22;
	s31 =	sadd.s32 $0x3, s22  }
0x294: {  	v16 =	vmov s23;
	v21 =	vmov s31  }
0x295: {  	v16 =	vadd.s32 $0x100, v16;
	v21 =	vadd.s32 $0x100, v21  }
0x296: {  	v16 =	vand.u32 $0xFFFFFFFE, v16;
	v21 =	vbroadcast v21, $0x0  }
0x297: {  	v16 =	vbroadcast v16, $0x0  }
0x298: {  	v22 =	vld [tilespmem:s21+$0xFFFFFF00];
	v19 =	vshll.u32 v19, $0x7  }
0x299: {  	v20 =	vld.idx.msk [tilespmem:v20+s2+$0x0], $0xffff;
	v23 =	vor.u32 v0, v19;
	_ =	sdelay $0x2  }
0x29a: {  	v21 =	vld.idx.msk [tilespmem:v21+s2+$0x0], $0xffff  }
0x29b: {  	v16 =	vld.idx.msk [tilespmem:v16+s2+$0x0], $0xffff  }
0x29c: {  	v20 =	vshll.u32 v20, $0x7;
	[tilespmem:v23+s15+$0x0] =	vst.idx.add.f32.msk $0xffff, v22  }
0x29d: {  	v24 =	vor.u32 v0, v20;
	v23 =	vld [tilespmem:s21+$0xFFFFFF80];
	_ =	sdelay $0x4  }
0x29e: {  	v25 =	vshll.u32 v16, $0x7;
	[tilespmem:v24+s16+$0x0] =	vst.idx.add.f32.msk $0xffff, v23  }
0x29f: {  	v26 =	vor.u32 v0, v25;
	v24 =	vld [tilespmem:s21+$0x0];
	_ =	sdelay $0x4  }
0x2a0: {  	v16 =	vshll.u32 v21, $0x7;
	[tilespmem:v26+s15+$0x0] =	vst.idx.add.f32.msk $0xffff, v24  }
0x2a1: {  	v50 =	vor.u32 v0, v16;
	v21 =	vld [tilespmem:s21+$0x80];
	_ =	sdelay $0x4  }
0x2a2: {  	[tilespmem:v50+s16+$0x0] =	vst.idx.add.f32.msk $0xffff, v21  }
0x2a3: {  	v27 =	vor.u32 v2, v19;
	v26 =	vld [tilespmem:s21+$0xFFFFFF10];
	_ =	sdelay $0x4  }
0x2a4: {  	[tilespmem:v27+s15+$0x0] =	vst.idx.add.f32.msk $0xffff, v26  }
0x2a5: {  	v28 =	vor.u32 v2, v20;
	v27 =	vld [tilespmem:s21+$0xFFFFFF90];
	_ =	sdelay $0x4  }
0x2a6: {  	[tilespmem:v28+s16+$0x0] =	vst.idx.add.f32.msk $0xffff, v27  }
0x2a7: {  	v29 =	vor.u32 v2, v25;
	v28 =	vld [tilespmem:s21+$0x10];
	_ =	sdelay $0x4  }
0x2a8: {  	[tilespmem:v29+s15+$0x0] =	vst.idx.add.f32.msk $0xffff, v28  }
0x2a9: {  	v30 =	vor.u32 v2, v16;
	v29 =	vld [tilespmem:s21+$0x90];
	_ =	sdelay $0x4  }
0x2aa: {  	[tilespmem:v30+s16+$0x0] =	vst.idx.add.f32.msk $0xffff, v29  }
0x2ab: {  	v31 =	vor.u32 v3, v19;
	v30 =	vld [tilespmem:s21+$0xFFFFFF20];
	_ =	sdelay $0x4  }
0x2ac: {  	[tilespmem:v31+s15+$0x0] =	vst.idx.add.f32.msk $0xffff, v30  }
0x2ad: {  	v32 =	vor.u32 v3, v20;
	v31 =	vld [tilespmem:s21+$0xFFFFFFA0];
	_ =	sdelay $0x4  }
0x2ae: {  	[tilespmem:v32+s16+$0x0] =	vst.idx.add.f32.msk $0xffff, v31  }
0x2af: {  	v33 =	vor.u32 v3, v25;
	v32 =	vld [tilespmem:s21+$0x20];
	_ =	sdelay $0x4  }
0x2b0: {  	[tilespmem:v33+s15+$0x0] =	vst.idx.add.f32.msk $0xffff, v32  }
0x2b1: {  	v34 =	vor.u32 v3, v16;
	v33 =	vld [tilespmem:s21+$0xA0];
	_ =	sdelay $0x4  }
0x2b2: {  	[tilespmem:v34+s16+$0x0] =	vst.idx.add.f32.msk $0xffff, v33  }
0x2b3: {  	v35 =	vor.u32 v4, v19;
	v34 =	vld [tilespmem:s21+$0xFFFFFF30];
	_ =	sdelay $0x4  }
0x2b4: {  	[tilespmem:v35+s15+$0x0] =	vst.idx.add.f32.msk $0xffff, v34  }
0x2b5: {  	v36 =	vor.u32 v4, v20;
	v35 =	vld [tilespmem:s21+$0xFFFFFFB0];
	_ =	sdelay $0x4  }
0x2b6: {  	[tilespmem:v36+s16+$0x0] =	vst.idx.add.f32.msk $0xffff, v35  }
0x2b7: {  	v37 =	vor.u32 v4, v25;
	v36 =	vld [tilespmem:s21+$0x30];
	_ =	sdelay $0x4  }
0x2b8: {  	[tilespmem:v37+s15+$0x0] =	vst.idx.add.f32.msk $0xffff, v36  }
0x2b9: {  	v38 =	vor.u32 v4, v16;
	v37 =	vld [tilespmem:s21+$0xB0];
	_ =	sdelay $0x4  }
0x2ba: {  	[tilespmem:v38+s16+$0x0] =	vst.idx.add.f32.msk $0xffff, v37  }
0x2bb: {  	v39 =	vor.u32 v5, v19;
	v38 =	vld [tilespmem:s21+$0xFFFFFF40];
	_ =	sdelay $0x4  }
0x2bc: {  	[tilespmem:v39+s15+$0x0] =	vst.idx.add.f32.msk $0xffff, v38  }
0x2bd: {  	v40 =	vor.u32 v5, v20;
	v39 =	vld [tilespmem:s21+$0xFFFFFFC0];
	_ =	sdelay $0x4  }
0x2be: {  	[tilespmem:v40+s16+$0x0] =	vst.idx.add.f32.msk $0xffff, v39  }
0x2bf: {  	v41 =	vor.u32 v5, v25;
	v40 =	vld [tilespmem:s21+$0x40];
	_ =	sdelay $0x4  }
0x2c0: {  	[tilespmem:v41+s15+$0x0] =	vst.idx.add.f32.msk $0xffff, v40  }
0x2c1: {  	v42 =	vor.u32 v5, v16;
	v41 =	vld [tilespmem:s21+$0xC0];
	_ =	sdelay $0x4  }
0x2c2: {  	[tilespmem:v42+s16+$0x0] =	vst.idx.add.f32.msk $0xffff, v41  }
0x2c3: {  	v43 =	vor.u32 v6, v19;
	v42 =	vld [tilespmem:s21+$0xFFFFFF50];
	_ =	sdelay $0x4  }
0x2c4: {  	[tilespmem:v43+s15+$0x0] =	vst.idx.add.f32.msk $0xffff, v42  }
0x2c5: {  	v44 =	vor.u32 v6, v20;
	v43 =	vld [tilespmem:s21+$0xFFFFFFD0];
	_ =	sdelay $0x4  }
0x2c6: {  	[tilespmem:v44+s16+$0x0] =	vst.idx.add.f32.msk $0xffff, v43  }
0x2c7: {  	v45 =	vor.u32 v6, v25;
	v44 =	vld [tilespmem:s21+$0x50];
	_ =	sdelay $0x4  }
0x2c8: {  	[tilespmem:v45+s15+$0x0] =	vst.idx.add.f32.msk $0xffff, v44  }
0x2c9: {  	v46 =	vor.u32 v6, v16;
	v45 =	vld [tilespmem:s21+$0xD0];
	_ =	sdelay $0x4  }
0x2ca: {  	[tilespmem:v46+s16+$0x0] =	vst.idx.add.f32.msk $0xffff, v45  }
0x2cb: {  	v47 =	vor.u32 v7, v19;
	v46 =	vld [tilespmem:s21+$0xFFFFFF60];
	_ =	sdelay $0x4  }
0x2cc: {  	[tilespmem:v47+s15+$0x0] =	vst.idx.add.f32.msk $0xffff, v46  }
0x2cd: {  	v48 =	vor.u32 v7, v20;
	v47 =	vld [tilespmem:s21+$0xFFFFFFE0];
	_ =	sdelay $0x4  }
0x2ce: {  	[tilespmem:v48+s16+$0x0] =	vst.idx.add.f32.msk $0xffff, v47  }
0x2cf: {  	v49 =	vor.u32 v7, v25;
	v48 =	vld [tilespmem:s21+$0x60];
	_ =	sdelay $0x2  }
0x2d0: {  	v22 =	vmul.f32 v22, v22;
	_ =	sdelay $0x1  }
0x2d1: {  	v9 =	vadd.f32 v22, v9;
	v22 =	vmul.f32 v23, v23;
	[tilespmem:v49+s15+$0x0] =	vst.idx.add.f32.msk $0xffff, v48  }
0x2d2: {  	v50 =	vor.u32 v7, v16;
	v49 =	vld [tilespmem:s21+$0xE0]  }
0x2d3: {  	v9 =	vadd.f32 v22, v9;
	v22 =	vmul.f32 v24, v24  }
0x2d4: {  	v23 =	vmul.f32 v26, v26  }
0x2d5: {  	v17 =	vadd.f32 v18, v17;
	v19 =	vor.u32 v8, v19;
	v9 =	vadd.f32 v22, v9  }
0x2d6: {  	v13 =	vadd.f32 v23, v13;
	v23 =	vmul.f32 v27, v27;
	v51 =	vmul.f32 v30, v30  }
0x2d7: {  	v21 =	vmul.f32 v21, v21;
	v18 =	vmul.f32 v34, v34;
	[tilespmem:v50+s16+$0x0] =	vst.idx.add.f32.msk $0xffff, v49  }
0x2d8: {  	v13 =	vadd.f32 v23, v13;
	v11 =	vadd.f32 v51, v11;
	v23 =	vmul.f32 v31, v31;
	v52 =	vld [tilespmem:s21+$0xFFFFFF70]  }
0x2d9: {  	v22 =	vmul.f32 v28, v28;
	v12 =	vadd.f32 v18, v12;
	v18 =	vmul.f32 v35, v35  }
0x2da: {  	v9 =	vadd.f32 v21, v9;
	v11 =	vadd.f32 v23, v11;
	v21 =	vmul.f32 v32, v32  }
0x2db: {  	v13 =	vadd.f32 v22, v13;
	v12 =	vadd.f32 v18, v12;
	v18 =	vmul.f32 v29, v29  }
0x2dc: {  	v11 =	vadd.f32 v21, v11  }
0x2dd: {  	v22 =	vmul.f32 v33, v33;
	v13 =	vadd.f32 v18, v13;
	[tilespmem:v19+s15+$0x0] =	vst.idx.add.f32.msk $0xffff, v52  }
0x2de: {  	v20 =	vor.u32 v8, v20;
	v21 =	vld [tilespmem:s21+$0xFFFFFFF0]  }
0x2df: {  	v11 =	vadd.f32 v22, v11;
	v9 =	vadd.f32 v13, v9  }
0x2e0: {  	v18 =	vmul.f32 v42, v42;
	v19 =	vmul.f32 v38, v38  }
0x2e1: {  	v9 =	vadd.f32 v11, v9  }
0x2e2: {  	v23 =	vmul.f32 v39, v39;
	v14 =	vadd.f32 v18, v14;
	v10 =	vadd.f32 v19, v10  }
0x2e3: {  	v22 =	vmul.f32 v43, v43;
	v19 =	vmul.f32 v36, v36;
	[tilespmem:v20+s16+$0x0] =	vst.idx.add.f32.msk $0xffff, v21  }
0x2e4: {  	v10 =	vadd.f32 v23, v10;
	v23 =	vor.u32 v8, v25;
	v20 =	vmul.f32 v40, v40;
	v18 =	vld [tilespmem:s21+$0x70]  }
0x2e5: {  	v14 =	vadd.f32 v22, v14;
	v12 =	vadd.f32 v19, v12;
	v19 =	vmul.f32 v37, v37  }
0x2e6: {  	v22 =	vmul.f32 v46, v46;
	v10 =	vadd.f32 v20, v10;
	v20 =	vmul.f32 v44, v44  }
0x2e7: {  	v11 =	vmul.f32 v45, v45;
	v12 =	vadd.f32 v19, v12;
	v19 =	vmul.f32 v41, v41  }
0x2e8: {  	v13 =	vadd.f32 v20, v14;
	v14 =	vadd.f32 v22, v15;
	v15 =	vmul.f32 v47, v47  }
0x2e9: {  	v10 =	vadd.f32 v19, v10;
	v19 =	vmul.f32 v52, v52;
	[tilespmem:v23+s15+$0x0] =	vst.idx.add.f32.msk $0xffff, v18  }
0x2ea: {  	v9 =	vadd.f32 v12, v9;
	v14 =	vadd.f32 v15, v14;
	v15 =	vmul.f32 v48, v48;
	v20 =	vld [tilespmem:s21+$0xF0]  }
0x2eb: {  	v21 =	vmul.f32 v21, v21;
	v17 =	vadd.f32 v19, v17;
	v11 =	vadd.f32 v11, v13  }
0x2ec: {  	v13 =	vmul.f32 v49, v49;
	v9 =	vadd.f32 v10, v9;
	v12 =	vadd.f32 v15, v14  }
0x2ed: {  	v14 =	vmul.f32 v18, v18;
	v15 =	vadd.f32 v21, v17  }
0x2ee: {  	v9 =	vadd.f32 v11, v9;
	v10 =	vadd.f32 v13, v12  }
0x2ef: {  	v12 =	vor.u32 v8, v16;
	v13 =	vadd.f32 v14, v15;
	v14 =	vmul.f32 v20, v20;
	_ =	sdelay $0x1  }
0x2f0: {  	v9 =	vadd.f32 v10, v9;
	v11 =	vadd.f32 v14, v13;
	_ =	sdelay $0x1  }
0x2f1: {  	v9 =	vadd.f32 v11, v9  }
0x2f2: {  	[tilespmem:v12+s16+$0x0] =	vst.idx.add.f32.msk $0xffff, v20  }
0x2f3: {  	s21 =	simm.s32 $0x0;
	[tilespmem:$0x18200] =	vst v9  }
0x2f4: {  	v15 =	vld [tilespmem:s21+$0x14200]  }
0x2f5: {  	v16 =	vld [tilespmem:s21+$0x14210]  }
0x2f6: {  	v17 =	vld [tilespmem:s21+$0x14220]  }
0x2f7: {  	v18 =	vld [tilespmem:s21+$0x14230]  }
0x2f8: {  	v19 =	vld [tilespmem:s21+$0x14240]  }
0x2f9: {  	v20 =	vld [tilespmem:s21+$0x14250]  }
0x2fa: {  	v21 =	vld [tilespmem:s21+$0x14260]  }
0x2fb: {  	v22 =	vld [tilespmem:s21+$0x14270]  }
0x2fc: {  	v23 =	vld [tilespmem:s21+$0x14280]  }
0x2fd: {  	v53 =	vld [tilespmem:s21+$0x14290]  }
0x2fe: {  	v14 =	vld [tilespmem:s21+$0x142A0]  }
0x2ff: {  	v13 =	vld [tilespmem:s21+$0x142B0]  }
0x300: {  	v12 =	vld [tilespmem:s21+$0x142C0]  }
0x301: {  	v11 =	vld [tilespmem:s21+$0x142D0]  }
0x302: {  	v10 =	vld [tilespmem:s21+$0x142E0]  }
0x303: {  	v9 =	vld [tilespmem:s21+$0x142F0]  }
0x304: {  	v54 =	vld [tilespmem:s21+$0x10200]  }
0x305: {  	v55 =	vld [tilespmem:s21+$0x10210]  }
0x306: {  	v56 =	vld [tilespmem:s21+$0x10220]  }
0x307: {  	v57 =	vld [tilespmem:s21+$0x10230]  }
0x308: {  	v58 =	vld [tilespmem:s21+$0x10240]  }
0x309: {  	v59 =	vld [tilespmem:s21+$0x10250];
	v15 =	vadd.f32 v15, v54  }
0x30a: {  	v60 =	vld [tilespmem:s21+$0x10260];
	v16 =	vadd.f32 v16, v55  }
0x30b: {  	v61 =	vld [tilespmem:s21+$0x10270];
	[tilespmem:s21+$0x10200] =	vst v15;
	v15 =	vadd.f32 v17, v56  }
0x30c: {  	v62 =	vld [tilespmem:s21+$0x10280];
	[tilespmem:s21+$0x10210] =	vst v16;
	v16 =	vadd.f32 v18, v57  }
0x30d: {  	v63 =	vld [tilespmem:s21+$0x10290];
	[tilespmem:s21+$0x10220] =	vst v15;
	v15 =	vadd.f32 v19, v58  }
0x30e: {  	v17 =	vadd.f32 v20, v59;
	[tilespmem:s21+$0x10230] =	vst v16;
	v16 =	vld [tilespmem:s21+$0x102A0]  }
0x30f: {  	v18 =	vadd.f32 v21, v60;
	[tilespmem:s21+$0x10240] =	vst v15;
	v15 =	vld [tilespmem:s21+$0x102B0]  }
0x310: {  	[tilespmem:s21+$0x10250] =	vst v17;
	v17 =	vld [tilespmem:s21+$0x102C0];
	v19 =	vadd.f32 v22, v61  }
0x311: {  	v21 =	vadd.f32 v23, v62;
	[tilespmem:s21+$0x10260] =	vst v18;
	v18 =	vld [tilespmem:s21+$0x102D0]  }
0x312: {  	s22 =	simm.s32 $0x400;
	v20 =	vadd.f32 v53, v63;
	[tilespmem:s21+$0x10270] =	vst v19;
	v19 =	vld [tilespmem:s21+$0x102E0]  }
.LBB2_8:
0x313: {  	s23 =	sshra.s32 s22, $0x2;
	p0 =	sne.s32 s22, $0xFC00;
	[tilespmem:s21+$0x10280] =	vst v21;
	v14 =	vadd.f32 v14, v16;
	v16 =	vld [tilespmem:s21+$0x102F0]  }
0x314: {  	v21 =	vld [tilespmem:s23+$0x14200];
	[tilespmem:s21+$0x10290] =	vst v20;
	v13 =	vadd.f32 v13, v15  }
0x315: {  	v15 =	vld [tilespmem:s23+$0x14210];
	[tilespmem:s21+$0x102A0] =	vst v14;
	v12 =	vadd.f32 v12, v17  }
0x316: {  	v17 =	vld [tilespmem:s23+$0x14220];
	[tilespmem:s21+$0x102B0] =	vst v13;
	v11 =	vadd.f32 v11, v18  }
0x317: {  	v18 =	vld [tilespmem:s23+$0x14230];
	[tilespmem:s21+$0x102C0] =	vst v12;
	v10 =	vadd.f32 v10, v19  }
0x318: {  	v19 =	vld [tilespmem:s23+$0x14240];
	[tilespmem:s21+$0x102D0] =	vst v11;
	v9 =	vadd.f32 v9, v16  }
0x319: {  	v16 =	vld [tilespmem:s23+$0x14250];
	[tilespmem:s21+$0x102E0] =	vst v10  }
0x31a: {  	v20 =	vld [tilespmem:s23+$0x14260];
	[tilespmem:s21+$0x102F0] =	vst v9;
	s21 =	smov.u32 s23  }
0x31b: {  	v22 =	vld [tilespmem:s21+$0x14270]  }
0x31c: {  	v23 =	vld [tilespmem:s21+$0x14280]  }
0x31d: {  	v24 =	vld [tilespmem:s21+$0x14290]  }
0x31e: {  	v14 =	vld [tilespmem:s21+$0x142A0]  }
0x31f: {  	v13 =	vld [tilespmem:s21+$0x142B0]  }
0x320: {  	v12 =	vld [tilespmem:s21+$0x142C0]  }
0x321: {  	v11 =	vld [tilespmem:s21+$0x142D0]  }
0x322: {  	v10 =	vld [tilespmem:s21+$0x142E0]  }
0x323: {  	v9 =	vld [tilespmem:s21+$0x142F0]  }
0x324: {  	v25 =	vld [tilespmem:s21+$0x10200]  }
0x325: {  	v26 =	vld [tilespmem:s21+$0x10210]  }
0x326: {  	v27 =	vld [tilespmem:s21+$0x10220]  }
0x327: {  	v28 =	vld [tilespmem:s21+$0x10230]  }
0x328: {  	v29 =	vld [tilespmem:s21+$0x10240]  }
0x329: {  	v21 =	vadd.f32 v21, v25;
	v25 =	vld [tilespmem:s21+$0x10250]  }
0x32a: {  	v15 =	vadd.f32 v15, v26;
	v26 =	vld [tilespmem:s21+$0x10260]  }
0x32b: {  	[tilespmem:s21+$0x10200] =	vst v21;
	v17 =	vadd.f32 v17, v27;
	v21 =	vld [tilespmem:s21+$0x10270]  }
0x32c: {  	[tilespmem:s21+$0x10210] =	vst v15;
	v15 =	vadd.f32 v18, v28;
	v18 =	vld [tilespmem:s21+$0x10280]  }
0x32d: {  	[tilespmem:s21+$0x10220] =	vst v17;
	v17 =	vadd.f32 v19, v29;
	v19 =	vld [tilespmem:s21+$0x10290]  }
.Ltmp3:
0x32e: {  	[tilespmem:s21+$0x10230] =	vst v15;
	v25 =	vadd.f32 v16, v25;
	v16 =	vld [tilespmem:s21+$0x102A0];
	(pc) =	sbr.rel @p0 .LBB2_8-.Ltmp3, $4  }
0x32f: {  	[tilespmem:s21+$0x10240] =	vst v17;
	v20 =	vadd.f32 v20, v26;
	v15 =	vld [tilespmem:s21+$0x102B0]  }
0x330: {  	[tilespmem:s21+$0x10250] =	vst v25;
	v22 =	vadd.f32 v22, v21;
	v17 =	vld [tilespmem:s21+$0x102C0]  }
0x331: {  	[tilespmem:s21+$0x10260] =	vst v20;
	v21 =	vadd.f32 v23, v18;
	v18 =	vld [tilespmem:s21+$0x102D0]  }
0x332: {  	s22 =	sadd.s32 $0x400, s22;
	[tilespmem:s21+$0x10270] =	vst v22;
	v20 =	vadd.f32 v24, v19;
	v19 =	vld [tilespmem:s21+$0x102E0]  }
0x333: {  	[tilespmem:s21+$0x10280] =	vst v21;
	v14 =	vadd.f32 v14, v16;
	v63 =	vld [tilespmem:s21+$0x102F0]  }
0x334: {  	[tilespmem:s21+$0x10290] =	vst v20;
	v13 =	vadd.f32 v13, v15  }
0x335: {  	[tilespmem:s21+$0x102A0] =	vst v14;
	v12 =	vadd.f32 v12, v17  }
0x336: {  	[tilespmem:s21+$0x102B0] =	vst v13;
	v11 =	vadd.f32 v11, v18  }
0x337: {  	[tilespmem:s21+$0x102C0] =	vst v12;
	v10 =	vadd.f32 v10, v19  }
0x338: {  	[tilespmem:s21+$0x102D0] =	vst v11;
	v9 =	vadd.f32 v9, v63  }
0x339: {  	[tilespmem:s21+$0x102E0] =	vst v10  }
0x33a: {  	[tilespmem:s21+$0x102F0] =	vst v9  }
0x33b: {  	[hbm4b:s7+s2] =	stream.linear.scatter [tilespmem:s18], [sflag:$0x4], $0x80, $0x38;
	[tilespmem:$0x18280] =	vst v63  }
0x33c: {  	s20 =	sadd.s32 $0x1, s20;
	_ =	swait.ge [sflag:s19], $0x80  }
0x33d: {  	p0 =	sne.s32 s20, s9;
	[sflag:s19] =	ssyncset.done $0x0  }
.Ltmp4:
0x33e: {  	[sflag:s19] =	ssyncadd.s32 $0xFFFFFF80;
	(pc) =	sbr.rel @p0 .LBB2_1-.Ltmp4, $4  }
0x33f: {  	[hbm4b:s8+s10] =	stream.strided.scatter [tilespmem:s15], [sflag:$0x4], $0x4000, s11, s10, $0x38;
	[tilespmem:$0x18280] =	vst v63  }
0x340: {  	_ =	swait.ge [sflag:s19], $0x4000  }
0x341: {  	[sflag:s19] =	ssyncset.done $0x0  }
0x342: {  	[sflag:s19] =	ssyncadd.s32 $0xFFFFC000  }
0x343: {  	_ =	sfence.sel $0x180000  }
0x344: {  	[bflag:$0x0] =	sbarrier.arrive $0xFFFF  }
0x345: {  	p0 =	sne.s32 s0, $0x0;
	_ =	strace $0x90000047  }
0x346: {  	s0 =	sadd.s32 @!p0 $0x100000, s1;
	[bflag:$0x2] =	sbarrier.arrive $0xFFFF  }
0x347: {  	[sflag:s0] =	ssyncadd.tile.s32 @!p0 $0x1;
	_ =	shalt  }
.Lfunc_end2:
_tile_overlayer_lowered:
.L_overlay_start_2:
0x348: {  	(tag) =	ssettag $0x2  }
0x349: {  	s0 =	rddreg [dreg:$0x0];
	s2 =	stileid.u32  }
0x34a: {  	s1 =	rddreg [dreg:$0x1];
	p0 =	sne.s32 s2, $0x0  }
0x34b: {  	s3 =	rddreg [dreg:$0x2];
	[bflag:$0x3] =	sbarrier.arrive $0xFFFF;
	s2 =	simm.s32 @!p0 $0x1C04  }
0x34c: {  	[timem:s3], [sflag:s2] =	dma.local @!p0 [hbm:s0], s1  }
0x34d: {  	s0 =	simm.s32 @!p0 $0x4  }
0x34e: {  	_ =	swait.ge @!p0 [sflag:s0], s1  }
0x34f: {  	s1 =	ssub.s32 @!p0 $0x0, s1;
	[sflag:s0] =	ssyncset.done @!p0 $0x0  }
0x350: {  	[sflag:s0] =	ssyncadd.s32 @!p0 s1  }
0x351: {  	[bflag:$0x3] =	sbarrier.arrive $0xFFFF  }
0x352: {  	_ =	shalt  }

</sc_bundles>
